<compile_context>
chip_gen: v7x
topology: tpu7x:2x2x1
jax: 0.10.2.dev20260603
libtpu: 0.0.44.dev20260713+nightly
codegen_flags: <defaults>
</compile_context>

<pallas_src>
import functools

import jax
import jax.numpy as jnp
import numpy as np
from jax import lax
from jax.experimental import pallas as pl
from jax.experimental.pallas import tpu as pltpu
from jax.experimental.pallas import tpu_sc as plsc

_H = 512
_W = 512
_B = 16
_ROWS = _B * _H
_NW = 32
_RPW = _ROWS // _NW
_C = 16
_NCHUNK = _RPW // _C
_OUTW = 5 * _W
_KB = _W // 16
_NPAT = 21


def _index_patterns():
    lane = np.arange(16)
    dk = np.array([0, 0, 1, 0, -1])
    rp = np.array([1, 0, 1, 2, 1])
    pats = np.zeros((_NPAT, 16), np.int32)
    for p in range(5):
        t = lane + p
        c = t % 5
        kk = t // 5
        koff = (16 * p) // 5
        pats[p] = rp[c]
        pats[5 + p] = kk + dk[c] + koff
        pats[10 + p] = np.maximum(kk + dk[c] + koff, 0)
        pats[15 + p] = np.minimum(kk + dk[c] + (_KB - 1) * 16 + koff, _W - 1)
    pats[20] = lane
    return pats.reshape(_NPAT * 16)


def _make_kernel():
    mesh = plsc.VectorSubcoreMesh(
        core_axis_name="c", subcore_axis_name="s", num_cores=2
    )

    @functools.partial(
        pl.kernel,
        mesh=mesh,
        compiler_params=pltpu.CompilerParams(
            use_tc_tiling_on_sc=False, needs_layout_passes=False
        ),
        out_type=jax.ShapeDtypeStruct((_ROWS, _OUTW), jnp.float32),
        scratch_types=[
            pltpu.VMEM((_C + 2, _W), jnp.float32),
            pltpu.VMEM((_C + 2, _W), jnp.float32),
            pltpu.VMEM((_C, _OUTW), jnp.float32),
            pltpu.VMEM((_C, _OUTW), jnp.float32),
            pltpu.VMEM((_NPAT * 16,), jnp.int32),
            pltpu.VMEM((32,), jnp.int32),
            pltpu.VMEM((32,), jnp.int32),
            pltpu.VMEM((16,), jnp.int32),
            pltpu.VMEM((16,), jnp.int32),
            pltpu.SemaphoreType.DMA,
            pltpu.SemaphoreType.DMA,
            pltpu.SemaphoreType.DMA,
            pltpu.SemaphoreType.DMA,
        ],
    )
    def k(
        x_hbm,
        pats_hbm,
        out_hbm,
        win0,
        win1,
        outbuf0,
        outbuf1,
        patbuf,
        idx0,
        idx1,
        sidx0,
        sidx1,
        gsem0,
        gsem1,
        ssem0,
        ssem1,
    ):
        wid = lax.axis_index("s") * 2 + lax.axis_index("c")
        imgbase = (wid // 2) * _H
        imgend = imgbase + _H - 1

        pltpu.sync_copy(pats_hbm, patbuf)
        rowpats = [patbuf[pl.ds(p * 16, 16)] for p in range(5)]
        colpats = [patbuf[pl.ds((5 + p) * 16, 16)] for p in range(5)]
        col_first = [patbuf[pl.ds((10 + p) * 16, 16)] for p in range(5)]
        col_last = [patbuf[pl.ds((15 + p) * 16, 16)] for p in range(5)]
        ramp = patbuf[pl.ds(20 * 16, 16)]

        def start_gather(idxbuf, win, gsem, g0):
            idxbuf[pl.ds(0, 16)] = jnp.maximum((g0 - 1) + ramp, imgbase)
            idxbuf[pl.ds(16, 16)] = jnp.minimum((g0 + 15) + ramp, imgend)
            return pltpu.async_copy(
                x_hbm.at[idxbuf.at[pl.ds(0, _C + 2)]], win, gsem
            )

        def compute_chunk(win, outbuf):
            @plsc.parallel_loop(0, _C, 1, unroll=2)
            def edge_rows(wr):
                for p in range(5):
                    rv = wr + rowpats[p]
                    outbuf[wr, pl.ds(p * 16, 16)] = plsc.load_gather(
                        win, [rv, col_first[p]]
                    )
                    outbuf[wr, pl.ds((_KB - 1) * 80 + p * 16, 16)] = (
                        plsc.load_gather(win, [rv, col_last[p]])
                    )

            @plsc.parallel_loop(
                0, _C * (_KB - 2), 1, unroll=4, carry=(jnp.int32(0), jnp.int32(1))
            )
            def interior(i, wrkb):
                wr, kb = wrkb
                kb16 = kb * 16
                base = kb * 80
                for p in range(5):
                    outbuf[wr, pl.ds(base + p * 16, 16)] = plsc.load_gather(
                        win, [wr + rowpats[p], kb16 + colpats[p]]
                    )
                nkb = kb + 1
                wrap = nkb == _KB - 1
                return (
                    jnp.where(wrap, wr + 1, wr),
                    jnp.where(wrap, jnp.int32(1), nkb),
                )

        def wait_gather(win, gsem):
            pltpu.make_async_copy(
                x_hbm.at[pl.ds(0, _C + 2), :], win, gsem
            ).wait()

        def wait_scatter(outbuf, ssem):
            pltpu.make_async_copy(
                outbuf, out_hbm.at[pl.ds(0, _C), :], ssem
            ).wait()

        start_gather(idx0, win0, gsem0, wid * _RPW)

        def pair_body(j, carry):
            a0 = wid * _RPW + (2 * j) * _C
            start_gather(idx1, win1, gsem1, a0 + _C)
            wait_gather(win0, gsem0)

            @pl.when(j > 0)
            def _():
                wait_scatter(outbuf0, ssem0)

            compute_chunk(win0, outbuf0)
            sidx0[...] = a0 + ramp
            pltpu.async_copy(outbuf0, out_hbm.at[sidx0], ssem0)

            @pl.when(j < _NCHUNK // 2 - 1)
            def _():
                start_gather(idx0, win0, gsem0, a0 + 2 * _C)

            wait_gather(win1, gsem1)

            @pl.when(j > 0)
            def _():
                wait_scatter(outbuf1, ssem1)

            compute_chunk(win1, outbuf1)
            sidx1[...] = (a0 + _C) + ramp
            pltpu.async_copy(outbuf1, out_hbm.at[sidx1], ssem1)
            return carry

        lax.fori_loop(0, _NCHUNK // 2, pair_body, 0)
        wait_scatter(outbuf0, ssem0)
        wait_scatter(outbuf1, ssem1)

    return k


_sc_kernel = _make_kernel()


_PATS_NP = _index_patterns()


def kernel(ingredients):
    x2 = ingredients.reshape(_ROWS, _W)
    out = _sc_kernel(x2, jnp.asarray(_PATS_NP))
    return out.reshape(_B, _H, _W, 5)

# --- scband reference (transcript-rebuilt; emitter-appended) ---
"""Pipeline reference for scband-graph-1047972020267 (READ-ONLY COPY).

The authoritative reference and input builder live on the scoring server;
editing this copy changes nothing except your own understanding.
"""

import jax, jax.numpy as jnp
import numpy as np

def setup_inputs(seed: int = 0) -> dict:
    key = jax.random.key(seed)
    ingredients = jax.random.normal(key, (16, 512, 512), dtype=jnp.float32)
    return {"ingredients": ingredients}

def reference(ingredients):
    # Faithful vectorization of the triple loop in Graph.forward.
    # instance_nodes[..., 0] = center
    # instance_nodes[..., 1] = up neighbor    (j-1), padded with center at j == 0
    # instance_nodes[..., 2] = right neighbor (k+1), padded with center at k == w-1
    # instance_nodes[..., 3] = down neighbor  (j+1), padded with center at j == h-1
    # instance_nodes[..., 4] = left neighbor  (k-1), padded with center at k == 0
    x = ingredients
    center = x
    # up: value at row j-1; at j==0 padding equals the center value x[:,0,:]
    up = jnp.concatenate([x[:, :1, :], x[:, :-1, :]], axis=1)
    # right: value at col k+1; at k==w-1 padding equals the center value x[:,:,-1]
    right = jnp.concatenate([x[:, :, 1:], x[:, :, -1:]], axis=2)
    # down: value at row j+1; at j==h-1 padding equals the center value x[:,-1,:]
    down = jnp.concatenate([x[:, 1:, :], x[:, -1:, :]], axis=1)
    # left: value at col k-1; at k==0 padding equals the center value x[:,:,0]
    left = jnp.concatenate([x[:, :, :1], x[:, :, :-1]], axis=2)
    instance_nodes = jnp.stack([center, up, right, down, left], axis=-1)
    return instance_nodes

if __name__ == "__main__":
    import jax
    _d = setup_inputs()
    print(jax.jit(kernel)(*tuple(_d.values())))

</pallas_src>

<mosaic_0001>
#map = affine_map<(d0, d1) -> (0, 0)>
#map1 = affine_map<(d0, d1) -> (0)>
module attributes {stable_mosaic.version = 14 : i64} {
  func.func @k(%arg0: i32, %arg1: i32, %arg2: memref<8192x512xf32, #tpu.memory_space<hbm>>, %arg3: memref<336xi32, #tpu.memory_space<hbm>>, %arg4: memref<8192x2560xf32, #tpu.memory_space<hbm>>, %arg5: memref<18x512xf32, #tpu.memory_space<vmem>>, %arg6: memref<18x512xf32, #tpu.memory_space<vmem>>, %arg7: memref<16x2560xf32, #tpu.memory_space<vmem>>, %arg8: memref<16x2560xf32, #tpu.memory_space<vmem>>, %arg9: memref<336xi32, #tpu.memory_space<vmem>>, %arg10: memref<32xi32, #tpu.memory_space<vmem>>, %arg11: memref<32xi32, #tpu.memory_space<vmem>>, %arg12: memref<16xi32, #tpu.memory_space<vmem>>, %arg13: memref<16xi32, #tpu.memory_space<vmem>>, %arg14: memref<!tpu.dma_semaphore, #tpu.memory_space<semaphore_mem>>, %arg15: memref<!tpu.dma_semaphore, #tpu.memory_space<semaphore_mem>>, %arg16: memref<!tpu.dma_semaphore, #tpu.memory_space<semaphore_mem>>, %arg17: memref<!tpu.dma_semaphore, #tpu.memory_space<semaphore_mem>>) attributes {dimension_semantics = [#tpu.dimension_semantics<core_parallel>, #tpu.dimension_semantics<subcore_parallel>], iteration_bounds = array<i64: 2, 16>, scalar_prefetch = 0 : i64, scratch_operands = 13 : i64, tpu.core_type = #tpu.core_type<sc_vector_subcore>, window_params = [{transform_indices = #map}, {transform_indices = #map1}, {transform_indices = #map}]} {
    %mul3A = arith.constant 2 : i32
    %mul3A_0 = arith.muli %arg1, %mul3A : i32
    %add3A = arith.addi %mul3A_0, %arg0 : i32
    %jit3A = arith.constant 2 : i32
    %div3A = arith.divsi %add3A, %jit3A : i32
    %sign3A = arith.constant 0 : i32
    %sign3A_1 = arith.cmpi sgt, %add3A, %sign3A : i32
    %sign3A_2 = arith.extui %sign3A_1 : i1 to i32
    %sign3A_3 = arith.constant 0 : i32
    %sign3A_4 = arith.cmpi slt, %add3A, %sign3A_3 : i32
    %sign3A_5 = arith.extui %sign3A_4 : i1 to i32
    %sign3A_6 = arith.subi %sign3A_2, %sign3A_5 : i32
    %sign3A_7 = arith.constant 0 : i32
    %sign3A_8 = arith.cmpi sgt, %jit3A, %sign3A_7 : i32
    %sign3A_9 = arith.extui %sign3A_8 : i1 to i32
    %sign3A_10 = arith.constant 0 : i32
    %sign3A_11 = arith.cmpi slt, %jit3A, %sign3A_10 : i32
    %sign3A_12 = arith.extui %sign3A_11 : i1 to i32
    %sign3A_13 = arith.subi %sign3A_9, %sign3A_12 : i32
    %ne3A = arith.cmpi ne, %sign3A_6, %sign3A_13 : i32
    %rem3A = arith.remsi %add3A, %jit3A : i32
    %ne3A_14 = arith.constant 0 : i32
    %ne3A_15 = arith.cmpi ne, %rem3A, %ne3A_14 : i32
    %and3A = arith.andi %ne3A, %ne3A_15 : i1
    %sub3A = arith.constant 1 : i32
    %sub3A_16 = arith.subi %div3A, %sub3A : i32
    %select_n3A = arith.select %and3A, %sub3A_16, %div3A : i32
    %mul3A_17 = arith.constant 512 : i32
    %mul3A_18 = arith.muli %select_n3A, %mul3A_17 : i32
    %add3A_19 = arith.constant 512 : i32
    %add3A_20 = arith.addi %mul3A_18, %add3A_19 : i32
    %sub3A_21 = arith.constant 1 : i32
    %sub3A_22 = arith.subi %add3A_20, %sub3A_21 : i32
    "tpu.region"() ({
      %run_scoped3A = tpu.sem_alloc : memref<!tpu.dma_semaphore, #tpu.memory_space<semaphore_mem>>
      tpu.enqueue_dma source(%arg3 : memref<336xi32, #tpu.memory_space<hbm>>) target(%arg9 : memref<336xi32, #tpu.memory_space<vmem>>) target_semaphore(%run_scoped3A : memref<!tpu.dma_semaphore, #tpu.memory_space<semaphore_mem>>)
      tpu.wait_dma2 semaphore(%run_scoped3A : memref<!tpu.dma_semaphore, #tpu.memory_space<semaphore_mem>>) src(%arg3 : memref<336xi32, #tpu.memory_space<hbm>>) dst(%arg9 : memref<336xi32, #tpu.memory_space<vmem>>)
      tpu.yield
    }) : () -> ()
    %get3A = arith.constant 0 : index
    %get3A_23 = tpu.vector_load %arg9[%get3A] {strides = array<i32>} : memref<336xi32, #tpu.memory_space<vmem>>, vector<16xi32>,
    %get3A_24 = arith.constant 16 : index
    %get3A_25 = tpu.vector_load %arg9[%get3A_24] {strides = array<i32>} : memref<336xi32, #tpu.memory_space<vmem>>, vector<16xi32>,
    %get3A_26 = arith.constant 32 : index
    %get3A_27 = tpu.vector_load %arg9[%get3A_26] {strides = array<i32>} : memref<336xi32, #tpu.memory_space<vmem>>, vector<16xi32>,
    %get3A_28 = arith.constant 48 : index
    %get3A_29 = tpu.vector_load %arg9[%get3A_28] {strides = array<i32>} : memref<336xi32, #tpu.memory_space<vmem>>, vector<16xi32>,
    %get3A_30 = arith.constant 64 : index
    %get3A_31 = tpu.vector_load %arg9[%get3A_30] {strides = array<i32>} : memref<336xi32, #tpu.memory_space<vmem>>, vector<16xi32>,
    %get3A_32 = arith.constant 80 : index
    %get3A_33 = tpu.vector_load %arg9[%get3A_32] {strides = array<i32>} : memref<336xi32, #tpu.memory_space<vmem>>, vector<16xi32>,
    %get3A_34 = arith.constant 96 : index
    %get3A_35 = tpu.vector_load %arg9[%get3A_34] {strides = array<i32>} : memref<336xi32, #tpu.memory_space<vmem>>, vector<16xi32>,
    %get3A_36 = arith.constant 112 : index
    %get3A_37 = tpu.vector_load %arg9[%get3A_36] {strides = array<i32>} : memref<336xi32, #tpu.memory_space<vmem>>, vector<16xi32>,
    %get3A_38 = arith.constant 128 : index
    %get3A_39 = tpu.vector_load %arg9[%get3A_38] {strides = array<i32>} : memref<336xi32, #tpu.memory_space<vmem>>, vector<16xi32>,
    %get3A_40 = arith.constant 144 : index
    %get3A_41 = tpu.vector_load %arg9[%get3A_40] {strides = array<i32>} : memref<336xi32, #tpu.memory_space<vmem>>, vector<16xi32>,
    %get3A_42 = arith.constant 160 : index
    %get3A_43 = tpu.vector_load %arg9[%get3A_42] {strides = array<i32>} : memref<336xi32, #tpu.memory_space<vmem>>, vector<16xi32>,
    %get3A_44 = arith.constant 176 : index
    %get3A_45 = tpu.vector_load %arg9[%get3A_44] {strides = array<i32>} : memref<336xi32, #tpu.memory_space<vmem>>, vector<16xi32>,
    %get3A_46 = arith.constant 192 : index
    %get3A_47 = tpu.vector_load %arg9[%get3A_46] {strides = array<i32>} : memref<336xi32, #tpu.memory_space<vmem>>, vector<16xi32>,
    %get3A_48 = arith.constant 208 : index
    %get3A_49 = tpu.vector_load %arg9[%get3A_48] {strides = array<i32>} : memref<336xi32, #tpu.memory_space<vmem>>, vector<16xi32>,
    %get3A_50 = arith.constant 224 : index
    %get3A_51 = tpu.vector_load %arg9[%get3A_50] {strides = array<i32>} : memref<336xi32, #tpu.memory_space<vmem>>, vector<16xi32>,
    %get3A_52 = arith.constant 240 : index
    %get3A_53 = tpu.vector_load %arg9[%get3A_52] {strides = array<i32>} : memref<336xi32, #tpu.memory_space<vmem>>, vector<16xi32>,
    %get3A_54 = arith.constant 256 : index
    %get3A_55 = tpu.vector_load %arg9[%get3A_54] {strides = array<i32>} : memref<336xi32, #tpu.memory_space<vmem>>, vector<16xi32>,
    %get3A_56 = arith.constant 272 : index
    %get3A_57 = tpu.vector_load %arg9[%get3A_56] {strides = array<i32>} : memref<336xi32, #tpu.memory_space<vmem>>, vector<16xi32>,
    %get3A_58 = arith.constant 288 : index
    %get3A_59 = tpu.vector_load %arg9[%get3A_58] {strides = array<i32>} : memref<336xi32, #tpu.memory_space<vmem>>, vector<16xi32>,
    %get3A_60 = arith.constant 304 : index
    %get3A_61 = tpu.vector_load %arg9[%get3A_60] {strides = array<i32>} : memref<336xi32, #tpu.memory_space<vmem>>, vector<16xi32>,
    %get3A_62 = arith.constant 320 : index
    %get3A_63 = tpu.vector_load %arg9[%get3A_62] {strides = array<i32>} : memref<336xi32, #tpu.memory_space<vmem>>, vector<16xi32>,
    %mul3A_64 = arith.constant 256 : i32
    %mul3A_65 = arith.muli %add3A, %mul3A_64 : i32
    %sub3A_66 = arith.constant 1 : i32
    %sub3A_67 = arith.subi %mul3A_65, %sub3A_66 : i32
    %add3A_68 = vector.broadcast %sub3A_67 : i32 to vector<16xi32>
    %add3A_69 = arith.addi %add3A_68, %get3A_63 : vector<16xi32>
    %max3A = vector.broadcast %mul3A_18 : i32 to vector<16xi32>
    %max3A_70 = arith.maxsi %add3A_69, %max3A : vector<16xi32>
    %swap3A = arith.constant 0 : index
    %swap3A_71 = tpu.vector_load %arg10[%swap3A] {strides = array<i32>} : memref<32xi32, #tpu.memory_space<vmem>>, vector<16xi32>,
    tpu.vector_store %arg10[%swap3A], %max3A_70 {strides = array<i32>} : memref<32xi32, #tpu.memory_space<vmem>>, vector<16xi32>,
    %add3A_72 = arith.constant 15 : i32
    %add3A_73 = arith.addi %mul3A_65, %add3A_72 : i32
    %add3A_74 = vector.broadcast %add3A_73 : i32 to vector<16xi32>
    %add3A_75 = arith.addi %add3A_74, %get3A_63 : vector<16xi32>
    %min3A = vector.broadcast %sub3A_22 : i32 to vector<16xi32>
    %min3A_76 = arith.minsi %add3A_75, %min3A : vector<16xi32>
    %swap3A_77 = arith.constant 16 : index
    %swap3A_78 = tpu.vector_load %arg10[%swap3A_77] {strides = array<i32>} : memref<32xi32, #tpu.memory_space<vmem>>, vector<16xi32>,
    tpu.vector_store %arg10[%swap3A_77], %min3A_76 {strides = array<i32>} : memref<32xi32, #tpu.memory_space<vmem>>, vector<16xi32>,
    %dma_start3A = arith.constant 0 : i32
    %dma_start3A_79 = tpu.memref_slice %arg10[%dma_start3A] : memref<32xi32, #tpu.memory_space<vmem>> -> memref<18xi32, #tpu.memory_space<vmem>>
    %dma_start3A_80 = arith.constant 0 : i32
    %dma_start3A_81 = arith.constant 0 : i32
    %dma_start3A_82 = tpu.memref_slice %arg2[%dma_start3A_80, %dma_start3A_81] : memref<8192x512xf32, #tpu.memory_space<hbm>> -> memref<8192x512xf32, #tpu.memory_space<hbm>>
    tpu.enqueue_indirect_dma source(%dma_start3A_82 : memref<8192x512xf32, #tpu.memory_space<hbm>>) target(%arg5 : memref<18x512xf32, #tpu.memory_space<vmem>>) offsets(%dma_start3A_79 : memref<18xi32, #tpu.memory_space<vmem>>) semaphore(%arg14 : memref<!tpu.dma_semaphore, #tpu.memory_space<semaphore_mem>>)
    %scan3A = arith.constant 0 : i32
    %scan3A_83 = arith.constant 0 : i32
    %scan3A_84 = arith.constant 8 : i32
    %scan3A_85 = arith.addi %scan3A_83, %scan3A_84 : i32
    %scan3A_86 = arith.constant 1 : i32
    scf.for %scan3A_99 = %scan3A_83 to %scan3A_85 step %scan3A_86  : i32 {
      %mul3A_100 = arith.constant 256 : i32
      %mul3A_101 = arith.muli %add3A, %mul3A_100 : i32
      %mul3A_102 = arith.constant 2 : i32
      %mul3A_103 = arith.muli %mul3A_102, %scan3A_99 : i32
      %mul3A_104 = arith.constant 16 : i32
      %mul3A_105 = arith.muli %mul3A_103, %mul3A_104 : i32
      %add3A_106 = arith.addi %mul3A_101, %mul3A_105 : i32
      %add3A_107 = arith.constant 16 : i32
      %add3A_108 = arith.addi %add3A_106, %add3A_107 : i32
      %sub3A_109 = arith.constant 1 : i32
      %sub3A_110 = arith.subi %add3A_108, %sub3A_109 : i32
      %add3A_111 = vector.broadcast %sub3A_110 : i32 to vector<16xi32>
      %add3A_112 = arith.addi %add3A_111, %get3A_63 : vector<16xi32>
      %max3A_113 = vector.broadcast %mul3A_18 : i32 to vector<16xi32>
      %max3A_114 = arith.maxsi %add3A_112, %max3A_113 : vector<16xi32>
      %swap3A_115 = arith.constant 0 : index
      %swap3A_116 = tpu.vector_load %arg11[%swap3A_115] {strides = array<i32>} : memref<32xi32, #tpu.memory_space<vmem>>, vector<16xi32>,
      tpu.vector_store %arg11[%swap3A_115], %max3A_114 {strides = array<i32>} : memref<32xi32, #tpu.memory_space<vmem>>, vector<16xi32>,
      %add3A_117 = arith.constant 15 : i32
      %add3A_118 = arith.addi %add3A_108, %add3A_117 : i32
      %add3A_119 = vector.broadcast %add3A_118 : i32 to vector<16xi32>
      %add3A_120 = arith.addi %add3A_119, %get3A_63 : vector<16xi32>
      %min3A_121 = vector.broadcast %sub3A_22 : i32 to vector<16xi32>
      %min3A_122 = arith.minsi %add3A_120, %min3A_121 : vector<16xi32>
      %swap3A_123 = arith.constant 16 : index
      %swap3A_124 = tpu.vector_load %arg11[%swap3A_123] {strides = array<i32>} : memref<32xi32, #tpu.memory_space<vmem>>, vector<16xi32>,
      tpu.vector_store %arg11[%swap3A_123], %min3A_122 {strides = array<i32>} : memref<32xi32, #tpu.memory_space<vmem>>, vector<16xi32>,
      %dma_start3A_125 = arith.constant 0 : i32
      %dma_start3A_126 = tpu.memref_slice %arg11[%dma_start3A_125] : memref<32xi32, #tpu.memory_space<vmem>> -> memref<18xi32, #tpu.memory_space<vmem>>
      %dma_start3A_127 = arith.constant 0 : i32
      %dma_start3A_128 = arith.constant 0 : i32
      %dma_start3A_129 = tpu.memref_slice %arg2[%dma_start3A_127, %dma_start3A_128] : memref<8192x512xf32, #tpu.memory_space<hbm>> -> memref<8192x512xf32, #tpu.memory_space<hbm>>
      tpu.enqueue_indirect_dma source(%dma_start3A_129 : memref<8192x512xf32, #tpu.memory_space<hbm>>) target(%arg6 : memref<18x512xf32, #tpu.memory_space<vmem>>) offsets(%dma_start3A_126 : memref<18xi32, #tpu.memory_space<vmem>>) semaphore(%arg15 : memref<!tpu.dma_semaphore, #tpu.memory_space<semaphore_mem>>)
      %dma_wait3A_130 = arith.constant 0 : i32
      %dma_wait3A_131 = arith.constant 0 : i32
      %dma_wait3A_132 = tpu.memref_slice %arg2[%dma_wait3A_130, %dma_wait3A_131] : memref<8192x512xf32, #tpu.memory_space<hbm>> -> memref<18x512xf32, #tpu.memory_space<hbm>>
      %dma_wait3A_133 = arith.constant 0 : i32
      %dma_wait3A_134 = arith.constant 0 : i32
      %dma_wait3A_135 = tpu.memref_slice %arg2[%dma_wait3A_133, %dma_wait3A_134] : memref<8192x512xf32, #tpu.memory_space<hbm>> -> memref<18x512xf32, #tpu.memory_space<hbm>>
      tpu.wait_dma2 semaphore(%arg14 : memref<!tpu.dma_semaphore, #tpu.memory_space<semaphore_mem>>) src(%dma_wait3A_135 : memref<18x512xf32, #tpu.memory_space<hbm>>) dst(%arg5 : memref<18x512xf32, #tpu.memory_space<vmem>>)
      %gt3A = arith.constant 0 : i32
      %gt3A_136 = arith.cmpi sgt, %scan3A_99, %gt3A : i32
      %convert_element_type3A = arith.extui %gt3A_136 : i1 to i32
      %cond3A = arith.constant 0 : i32
      %cond3A_137 = arith.cmpi ne, %convert_element_type3A, %cond3A : i32
      scf.if %cond3A_137 {
        %dma_wait3A_186 = arith.constant 0 : i32
        %dma_wait3A_187 = arith.constant 0 : i32
        %dma_wait3A_188 = tpu.memref_slice %arg4[%dma_wait3A_186, %dma_wait3A_187] : memref<8192x2560xf32, #tpu.memory_space<hbm>> -> memref<16x2560xf32, #tpu.memory_space<hbm>>
        %dma_wait3A_189 = arith.constant 0 : i32
        %dma_wait3A_190 = arith.constant 0 : i32
        %dma_wait3A_191 = tpu.memref_slice %arg4[%dma_wait3A_189, %dma_wait3A_190] : memref<8192x2560xf32, #tpu.memory_space<hbm>> -> memref<16x2560xf32, #tpu.memory_space<hbm>>
        tpu.wait_dma2 semaphore(%arg16 : memref<!tpu.dma_semaphore, #tpu.memory_space<semaphore_mem>>) src(%arg7 : memref<16x2560xf32, #tpu.memory_space<vmem>>) dst(%dma_wait3A_191 : memref<16x2560xf32, #tpu.memory_space<hbm>>)
      } else {
      }
      %parallel_loop3A = arith.constant 0 : i32
      %parallel_loop3A_138 = arith.constant 16 : i32
      %parallel_loop3A_139 = arith.constant 1 : i32
      scf.for %parallel_loop3A_186 = %parallel_loop3A to %parallel_loop3A_138 step %parallel_loop3A_139  : i32 {
        %parallel_loop3A_187 = vector.broadcast %parallel_loop3A_186 : i32 to vector<16xi32>
        %parallel_loop3A_188 = arith.addi %parallel_loop3A_187, %get3A_23 : vector<16xi32>
        %parallel_loop3A_189 = tpu.vector_load_idx %arg5[%parallel_loop3A_188, %get3A_43] : memref<18x512xf32, #tpu.memory_space<vmem>>[vector<16xi32>, vector<16xi32>], vector<16xf32>,
        %parallel_loop3A_190 = arith.index_cast %parallel_loop3A_186 : i32 to index
        %parallel_loop3A_191 = arith.constant 0 : index
        %parallel_loop3A_192 = tpu.vector_load %arg7[%parallel_loop3A_190, %parallel_loop3A_191] {strides = array<i32>} : memref<16x2560xf32, #tpu.memory_space<vmem>>, vector<16xf32>,
        tpu.vector_store %arg7[%parallel_loop3A_190, %parallel_loop3A_191], %parallel_loop3A_189 {strides = array<i32>} : memref<16x2560xf32, #tpu.memory_space<vmem>>, vector<16xf32>,
        %parallel_loop3A_193 = tpu.vector_load_idx %arg5[%parallel_loop3A_188, %get3A_53] : memref<18x512xf32, #tpu.memory_space<vmem>>[vector<16xi32>, vector<16xi32>], vector<16xf32>,
        %parallel_loop3A_194 = arith.index_cast %parallel_loop3A_186 : i32 to index
        %parallel_loop3A_195 = arith.constant 2480 : index
        %parallel_loop3A_196 = tpu.vector_load %arg7[%parallel_loop3A_194, %parallel_loop3A_195] {strides = array<i32>} : memref<16x2560xf32, #tpu.memory_space<vmem>>, vector<16xf32>,
        tpu.vector_store %arg7[%parallel_loop3A_194, %parallel_loop3A_195], %parallel_loop3A_193 {strides = array<i32>} : memref<16x2560xf32, #tpu.memory_space<vmem>>, vector<16xf32>,
        %parallel_loop3A_197 = vector.broadcast %parallel_loop3A_186 : i32 to vector<16xi32>
        %parallel_loop3A_198 = arith.addi %parallel_loop3A_197, %get3A_25 : vector<16xi32>
        %parallel_loop3A_199 = tpu.vector_load_idx %arg5[%parallel_loop3A_198, %get3A_45] : memref<18x512xf32, #tpu.memory_space<vmem>>[vector<16xi32>, vector<16xi32>], vector<16xf32>,
        %parallel_loop3A_200 = arith.index_cast %parallel_loop3A_186 : i32 to index
        %parallel_loop3A_201 = arith.constant 16 : index
        %parallel_loop3A_202 = tpu.vector_load %arg7[%parallel_loop3A_200, %parallel_loop3A_201] {strides = array<i32>} : memref<16x2560xf32, #tpu.memory_space<vmem>>, vector<16xf32>,
        tpu.vector_store %arg7[%parallel_loop3A_200, %parallel_loop3A_201], %parallel_loop3A_199 {strides = array<i32>} : memref<16x2560xf32, #tpu.memory_space<vmem>>, vector<16xf32>,
        %parallel_loop3A_203 = tpu.vector_load_idx %arg5[%parallel_loop3A_198, %get3A_55] : memref<18x512xf32, #tpu.memory_space<vmem>>[vector<16xi32>, vector<16xi32>], vector<16xf32>,
        %parallel_loop3A_204 = arith.index_cast %parallel_loop3A_186 : i32 to index
        %parallel_loop3A_205 = arith.constant 2496 : index
        %parallel_loop3A_206 = tpu.vector_load %arg7[%parallel_loop3A_204, %parallel_loop3A_205] {strides = array<i32>} : memref<16x2560xf32, #tpu.memory_space<vmem>>, vector<16xf32>,
        tpu.vector_store %arg7[%parallel_loop3A_204, %parallel_loop3A_205], %parallel_loop3A_203 {strides = array<i32>} : memref<16x2560xf32, #tpu.memory_space<vmem>>, vector<16xf32>,
        %parallel_loop3A_207 = vector.broadcast %parallel_loop3A_186 : i32 to vector<16xi32>
        %parallel_loop3A_208 = arith.addi %parallel_loop3A_207, %get3A_27 : vector<16xi32>
        %parallel_loop3A_209 = tpu.vector_load_idx %arg5[%parallel_loop3A_208, %get3A_47] : memref<18x512xf32, #tpu.memory_space<vmem>>[vector<16xi32>, vector<16xi32>], vector<16xf32>,
        %parallel_loop3A_210 = arith.index_cast %parallel_loop3A_186 : i32 to index
        %parallel_loop3A_211 = arith.constant 32 : index
        %parallel_loop3A_212 = tpu.vector_load %arg7[%parallel_loop3A_210, %parallel_loop3A_211] {strides = array<i32>} : memref<16x2560xf32, #tpu.memory_space<vmem>>, vector<16xf32>,
        tpu.vector_store %arg7[%parallel_loop3A_210, %parallel_loop3A_211], %parallel_loop3A_209 {strides = array<i32>} : memref<16x2560xf32, #tpu.memory_space<vmem>>, vector<16xf32>,
        %parallel_loop3A_213 = tpu.vector_load_idx %arg5[%parallel_loop3A_208, %get3A_57] : memref<18x512xf32, #tpu.memory_space<vmem>>[vector<16xi32>, vector<16xi32>], vector<16xf32>,
        %parallel_loop3A_214 = arith.index_cast %parallel_loop3A_186 : i32 to index
        %parallel_loop3A_215 = arith.constant 2512 : index
        %parallel_loop3A_216 = tpu.vector_load %arg7[%parallel_loop3A_214, %parallel_loop3A_215] {strides = array<i32>} : memref<16x2560xf32, #tpu.memory_space<vmem>>, vector<16xf32>,
        tpu.vector_store %arg7[%parallel_loop3A_214, %parallel_loop3A_215], %parallel_loop3A_213 {strides = array<i32>} : memref<16x2560xf32, #tpu.memory_space<vmem>>, vector<16xf32>,
        %parallel_loop3A_217 = vector.broadcast %parallel_loop3A_186 : i32 to vector<16xi32>
        %parallel_loop3A_218 = arith.addi %parallel_loop3A_217, %get3A_29 : vector<16xi32>
        %parallel_loop3A_219 = tpu.vector_load_idx %arg5[%parallel_loop3A_218, %get3A_49] : memref<18x512xf32, #tpu.memory_space<vmem>>[vector<16xi32>, vector<16xi32>], vector<16xf32>,
        %parallel_loop3A_220 = arith.index_cast %parallel_loop3A_186 : i32 to index
        %parallel_loop3A_221 = arith.constant 48 : index
        %parallel_loop3A_222 = tpu.vector_load %arg7[%parallel_loop3A_220, %parallel_loop3A_221] {strides = array<i32>} : memref<16x2560xf32, #tpu.memory_space<vmem>>, vector<16xf32>,
        tpu.vector_store %arg7[%parallel_loop3A_220, %parallel_loop3A_221], %parallel_loop3A_219 {strides = array<i32>} : memref<16x2560xf32, #tpu.memory_space<vmem>>, vector<16xf32>,
        %parallel_loop3A_223 = tpu.vector_load_idx %arg5[%parallel_loop3A_218, %get3A_59] : memref<18x512xf32, #tpu.memory_space<vmem>>[vector<16xi32>, vector<16xi32>], vector<16xf32>,
        %parallel_loop3A_224 = arith.index_cast %parallel_loop3A_186 : i32 to index
        %parallel_loop3A_225 = arith.constant 2528 : index
        %parallel_loop3A_226 = tpu.vector_load %arg7[%parallel_loop3A_224, %parallel_loop3A_225] {strides = array<i32>} : memref<16x2560xf32, #tpu.memory_space<vmem>>, vector<16xf32>,
        tpu.vector_store %arg7[%parallel_loop3A_224, %parallel_loop3A_225], %parallel_loop3A_223 {strides = array<i32>} : memref<16x2560xf32, #tpu.memory_space<vmem>>, vector<16xf32>,
        %parallel_loop3A_227 = vector.broadcast %parallel_loop3A_186 : i32 to vector<16xi32>
        %parallel_loop3A_228 = arith.addi %parallel_loop3A_227, %get3A_31 : vector<16xi32>
        %parallel_loop3A_229 = tpu.vector_load_idx %arg5[%parallel_loop3A_228, %get3A_51] : memref<18x512xf32, #tpu.memory_space<vmem>>[vector<16xi32>, vector<16xi32>], vector<16xf32>,
        %parallel_loop3A_230 = arith.index_cast %parallel_loop3A_186 : i32 to index
        %parallel_loop3A_231 = arith.constant 64 : index
        %parallel_loop3A_232 = tpu.vector_load %arg7[%parallel_loop3A_230, %parallel_loop3A_231] {strides = array<i32>} : memref<16x2560xf32, #tpu.memory_space<vmem>>, vector<16xf32>,
        tpu.vector_store %arg7[%parallel_loop3A_230, %parallel_loop3A_231], %parallel_loop3A_229 {strides = array<i32>} : memref<16x2560xf32, #tpu.memory_space<vmem>>, vector<16xf32>,
        %parallel_loop3A_233 = tpu.vector_load_idx %arg5[%parallel_loop3A_228, %get3A_61] : memref<18x512xf32, #tpu.memory_space<vmem>>[vector<16xi32>, vector<16xi32>], vector<16xf32>,
        %parallel_loop3A_234 = arith.index_cast %parallel_loop3A_186 : i32 to index
        %parallel_loop3A_235 = arith.constant 2544 : index
        %parallel_loop3A_236 = tpu.vector_load %arg7[%parallel_loop3A_234, %parallel_loop3A_235] {strides = array<i32>} : memref<16x2560xf32, #tpu.memory_space<vmem>>, vector<16xf32>,
        tpu.vector_store %arg7[%parallel_loop3A_234, %parallel_loop3A_235], %parallel_loop3A_233 {strides = array<i32>} : memref<16x2560xf32, #tpu.memory_space<vmem>>, vector<16xf32>,
      } {sc.loop_unroll_factor = 2 : i64, sc.parallel_access}
      %parallel_loop3A_140 = arith.constant 0 : i32
      %parallel_loop3A_141 = arith.constant 480 : i32
      %parallel_loop3A_142 = arith.constant 1 : i32
      %parallel_loop3A_143 = arith.constant 0 : i32
      %parallel_loop3A_144 = arith.constant 1 : i32
      %parallel_loop3A_145:2 = scf.for %parallel_loop3A_186 = %parallel_loop3A_140 to %parallel_loop3A_141 step %parallel_loop3A_142 iter_args(%parallel_loop3A_187 = %parallel_loop3A_143, %parallel_loop3A_188 = %parallel_loop3A_144) -> (i32, i32)  : i32 {
        %parallel_loop3A_189 = arith.constant 16 : i32
        %parallel_loop3A_190 = arith.muli %parallel_loop3A_188, %parallel_loop3A_189 : i32
        %parallel_loop3A_191 = arith.constant 80 : i32
        %parallel_loop3A_192 = arith.muli %parallel_loop3A_188, %parallel_loop3A_191 : i32
        %parallel_loop3A_193 = vector.broadcast %parallel_loop3A_187 : i32 to vector<16xi32>
        %parallel_loop3A_194 = arith.addi %parallel_loop3A_193, %get3A_23 : vector<16xi32>
        %parallel_loop3A_195 = vector.broadcast %parallel_loop3A_190 : i32 to vector<16xi32>
        %parallel_loop3A_196 = arith.addi %parallel_loop3A_195, %get3A_33 : vector<16xi32>
        %parallel_loop3A_197 = tpu.vector_load_idx %arg5[%parallel_loop3A_194, %parallel_loop3A_196] : memref<18x512xf32, #tpu.memory_space<vmem>>[vector<16xi32>, vector<16xi32>], vector<16xf32>,
        %parallel_loop3A_198 = arith.constant 0 : i32
        %parallel_loop3A_199 = arith.addi %parallel_loop3A_192, %parallel_loop3A_198 : i32
        %parallel_loop3A_200 = arith.index_cast %parallel_loop3A_187 : i32 to index
        %parallel_loop3A_201 = arith.index_cast %parallel_loop3A_199 : i32 to index
        %parallel_loop3A_202 = tpu.vector_load %arg7[%parallel_loop3A_200, %parallel_loop3A_201] {strides = array<i32>} : memref<16x2560xf32, #tpu.memory_space<vmem>>, vector<16xf32>,
        tpu.vector_store %arg7[%parallel_loop3A_200, %parallel_loop3A_201], %parallel_loop3A_197 {strides = array<i32>} : memref<16x2560xf32, #tpu.memory_space<vmem>>, vector<16xf32>,
        %parallel_loop3A_203 = vector.broadcast %parallel_loop3A_187 : i32 to vector<16xi32>
        %parallel_loop3A_204 = arith.addi %parallel_loop3A_203, %get3A_25 : vector<16xi32>
        %parallel_loop3A_205 = vector.broadcast %parallel_loop3A_190 : i32 to vector<16xi32>
        %parallel_loop3A_206 = arith.addi %parallel_loop3A_205, %get3A_35 : vector<16xi32>
        %parallel_loop3A_207 = tpu.vector_load_idx %arg5[%parallel_loop3A_204, %parallel_loop3A_206] : memref<18x512xf32, #tpu.memory_space<vmem>>[vector<16xi32>, vector<16xi32>], vector<16xf32>,
        %parallel_loop3A_208 = arith.constant 16 : i32
        %parallel_loop3A_209 = arith.addi %parallel_loop3A_192, %parallel_loop3A_208 : i32
        %parallel_loop3A_210 = arith.index_cast %parallel_loop3A_187 : i32 to index
        %parallel_loop3A_211 = arith.index_cast %parallel_loop3A_209 : i32 to index
        %parallel_loop3A_212 = tpu.vector_load %arg7[%parallel_loop3A_210, %parallel_loop3A_211] {strides = array<i32>} : memref<16x2560xf32, #tpu.memory_space<vmem>>, vector<16xf32>,
        tpu.vector_store %arg7[%parallel_loop3A_210, %parallel_loop3A_211], %parallel_loop3A_207 {strides = array<i32>} : memref<16x2560xf32, #tpu.memory_space<vmem>>, vector<16xf32>,
        %parallel_loop3A_213 = vector.broadcast %parallel_loop3A_187 : i32 to vector<16xi32>
        %parallel_loop3A_214 = arith.addi %parallel_loop3A_213, %get3A_27 : vector<16xi32>
        %parallel_loop3A_215 = vector.broadcast %parallel_loop3A_190 : i32 to vector<16xi32>
        %parallel_loop3A_216 = arith.addi %parallel_loop3A_215, %get3A_37 : vector<16xi32>
        %parallel_loop3A_217 = tpu.vector_load_idx %arg5[%parallel_loop3A_214, %parallel_loop3A_216] : memref<18x512xf32, #tpu.memory_space<vmem>>[vector<16xi32>, vector<16xi32>], vector<16xf32>,
        %parallel_loop3A_218 = arith.constant 32 : i32
        %parallel_loop3A_219 = arith.addi %parallel_loop3A_192, %parallel_loop3A_218 : i32
        %parallel_loop3A_220 = arith.index_cast %parallel_loop3A_187 : i32 to index
        %parallel_loop3A_221 = arith.index_cast %parallel_loop3A_219 : i32 to index
        %parallel_loop3A_222 = tpu.vector_load %arg7[%parallel_loop3A_220, %parallel_loop3A_221] {strides = array<i32>} : memref<16x2560xf32, #tpu.memory_space<vmem>>, vector<16xf32>,
        tpu.vector_store %arg7[%parallel_loop3A_220, %parallel_loop3A_221], %parallel_loop3A_217 {strides = array<i32>} : memref<16x2560xf32, #tpu.memory_space<vmem>>, vector<16xf32>,
        %parallel_loop3A_223 = vector.broadcast %parallel_loop3A_187 : i32 to vector<16xi32>
        %parallel_loop3A_224 = arith.addi %parallel_loop3A_223, %get3A_29 : vector<16xi32>
        %parallel_loop3A_225 = vector.broadcast %parallel_loop3A_190 : i32 to vector<16xi32>
        %parallel_loop3A_226 = arith.addi %parallel_loop3A_225, %get3A_39 : vector<16xi32>
        %parallel_loop3A_227 = tpu.vector_load_idx %arg5[%parallel_loop3A_224, %parallel_loop3A_226] : memref<18x512xf32, #tpu.memory_space<vmem>>[vector<16xi32>, vector<16xi32>], vector<16xf32>,
        %parallel_loop3A_228 = arith.constant 48 : i32
        %parallel_loop3A_229 = arith.addi %parallel_loop3A_192, %parallel_loop3A_228 : i32
        %parallel_loop3A_230 = arith.index_cast %parallel_loop3A_187 : i32 to index
        %parallel_loop3A_231 = arith.index_cast %parallel_loop3A_229 : i32 to index
        %parallel_loop3A_232 = tpu.vector_load %arg7[%parallel_loop3A_230, %parallel_loop3A_231] {strides = array<i32>} : memref<16x2560xf32, #tpu.memory_space<vmem>>, vector<16xf32>,
        tpu.vector_store %arg7[%parallel_loop3A_230, %parallel_loop3A_231], %parallel_loop3A_227 {strides = array<i32>} : memref<16x2560xf32, #tpu.memory_space<vmem>>, vector<16xf32>,
        %parallel_loop3A_233 = vector.broadcast %parallel_loop3A_187 : i32 to vector<16xi32>
        %parallel_loop3A_234 = arith.addi %parallel_loop3A_233, %get3A_31 : vector<16xi32>
        %parallel_loop3A_235 = vector.broadcast %parallel_loop3A_190 : i32 to vector<16xi32>
        %parallel_loop3A_236 = arith.addi %parallel_loop3A_235, %get3A_41 : vector<16xi32>
        %parallel_loop3A_237 = tpu.vector_load_idx %arg5[%parallel_loop3A_234, %parallel_loop3A_236] : memref<18x512xf32, #tpu.memory_space<vmem>>[vector<16xi32>, vector<16xi32>], vector<16xf32>,
        %parallel_loop3A_238 = arith.constant 64 : i32
        %parallel_loop3A_239 = arith.addi %parallel_loop3A_192, %parallel_loop3A_238 : i32
        %parallel_loop3A_240 = arith.index_cast %parallel_loop3A_187 : i32 to index
        %parallel_loop3A_241 = arith.index_cast %parallel_loop3A_239 : i32 to index
        %parallel_loop3A_242 = tpu.vector_load %arg7[%parallel_loop3A_240, %parallel_loop3A_241] {strides = array<i32>} : memref<16x2560xf32, #tpu.memory_space<vmem>>, vector<16xf32>,
        tpu.vector_store %arg7[%parallel_loop3A_240, %parallel_loop3A_241], %parallel_loop3A_237 {strides = array<i32>} : memref<16x2560xf32, #tpu.memory_space<vmem>>, vector<16xf32>,
        %parallel_loop3A_243 = arith.constant 1 : i32
        %parallel_loop3A_244 = arith.addi %parallel_loop3A_188, %parallel_loop3A_243 : i32
        %parallel_loop3A_245 = arith.constant 31 : i32
        %parallel_loop3A_246 = arith.cmpi eq, %parallel_loop3A_244, %parallel_loop3A_245 : i32
        %parallel_loop3A_247 = arith.constant 1 : i32
        %parallel_loop3A_248 = arith.addi %parallel_loop3A_187, %parallel_loop3A_247 : i32
        %parallel_loop3A_249 = arith.select %parallel_loop3A_246, %parallel_loop3A_248, %parallel_loop3A_187 : i32
        %parallel_loop3A_250 = arith.constant 1 : i32
        %parallel_loop3A_251 = arith.select %parallel_loop3A_246, %parallel_loop3A_250, %parallel_loop3A_244 : i32
        scf.yield %parallel_loop3A_249, %parallel_loop3A_251 : i32, i32
      } {sc.loop_unroll_factor = 4 : i64, sc.parallel_access}
      %add3A_146 = vector.broadcast %add3A_106 : i32 to vector<16xi32>
      %add3A_147 = arith.addi %add3A_146, %get3A_63 : vector<16xi32>
      %swap3A_148 = arith.constant 0 : index
      %swap3A_149 = tpu.vector_load %arg12[%swap3A_148] {strides = array<i32>} : memref<16xi32, #tpu.memory_space<vmem>>, vector<16xi32>,
      tpu.vector_store %arg12[%swap3A_148], %add3A_147 {strides = array<i32>} : memref<16xi32, #tpu.memory_space<vmem>>, vector<16xi32>,
      %dma_start3A_150 = arith.constant 0 : i32
      %dma_start3A_151 = arith.constant 0 : i32
      %dma_start3A_152 = tpu.memref_slice %arg4[%dma_start3A_150, %dma_start3A_151] : memref<8192x2560xf32, #tpu.memory_space<hbm>> -> memref<8192x2560xf32, #tpu.memory_space<hbm>>
      tpu.enqueue_indirect_dma source(%arg7 : memref<16x2560xf32, #tpu.memory_space<vmem>>) target(%dma_start3A_152 : memref<8192x2560xf32, #tpu.memory_space<hbm>>) offsets(%arg12 : memref<16xi32, #tpu.memory_space<vmem>>) semaphore(%arg16 : memref<!tpu.dma_semaphore, #tpu.memory_space<semaphore_mem>>)
      %lt3A = arith.constant 7 : i32
      %lt3A_153 = arith.cmpi slt, %scan3A_99, %lt3A : i32
      %convert_element_type3A_154 = arith.extui %lt3A_153 : i1 to i32
      %cond3A_155 = arith.constant 0 : i32
      %cond3A_156 = arith.cmpi ne, %convert_element_type3A_154, %cond3A_155 : i32
      scf.if %cond3A_156 {
        %add3A_186 = arith.constant 32 : i32
        %add3A_187 = arith.addi %add3A_106, %add3A_186 : i32
        %sub3A_188 = arith.constant 1 : i32
        %sub3A_189 = arith.subi %add3A_187, %sub3A_188 : i32
        %add3A_190 = vector.broadcast %sub3A_189 : i32 to vector<16xi32>
        %add3A_191 = arith.addi %add3A_190, %get3A_63 : vector<16xi32>
        %max3A_192 = vector.broadcast %mul3A_18 : i32 to vector<16xi32>
        %max3A_193 = arith.maxsi %add3A_191, %max3A_192 : vector<16xi32>
        %swap3A_194 = arith.constant 0 : index
        %swap3A_195 = tpu.vector_load %arg10[%swap3A_194] {strides = array<i32>} : memref<32xi32, #tpu.memory_space<vmem>>, vector<16xi32>,
        tpu.vector_store %arg10[%swap3A_194], %max3A_193 {strides = array<i32>} : memref<32xi32, #tpu.memory_space<vmem>>, vector<16xi32>,
        %add3A_196 = arith.constant 15 : i32
        %add3A_197 = arith.addi %add3A_187, %add3A_196 : i32
        %add3A_198 = vector.broadcast %add3A_197 : i32 to vector<16xi32>
        %add3A_199 = arith.addi %add3A_198, %get3A_63 : vector<16xi32>
        %min3A_200 = vector.broadcast %sub3A_22 : i32 to vector<16xi32>
        %min3A_201 = arith.minsi %add3A_199, %min3A_200 : vector<16xi32>
        %swap3A_202 = arith.constant 16 : index
        %swap3A_203 = tpu.vector_load %arg10[%swap3A_202] {strides = array<i32>} : memref<32xi32, #tpu.memory_space<vmem>>, vector<16xi32>,
        tpu.vector_store %arg10[%swap3A_202], %min3A_201 {strides = array<i32>} : memref<32xi32, #tpu.memory_space<vmem>>, vector<16xi32>,
        %dma_start3A_204 = arith.constant 0 : i32
        %dma_start3A_205 = tpu.memref_slice %arg10[%dma_start3A_204] : memref<32xi32, #tpu.memory_space<vmem>> -> memref<18xi32, #tpu.memory_space<vmem>>
        %dma_start3A_206 = arith.constant 0 : i32
        %dma_start3A_207 = arith.constant 0 : i32
        %dma_start3A_208 = tpu.memref_slice %arg2[%dma_start3A_206, %dma_start3A_207] : memref<8192x512xf32, #tpu.memory_space<hbm>> -> memref<8192x512xf32, #tpu.memory_space<hbm>>
        tpu.enqueue_indirect_dma source(%dma_start3A_208 : memref<8192x512xf32, #tpu.memory_space<hbm>>) target(%arg5 : memref<18x512xf32, #tpu.memory_space<vmem>>) offsets(%dma_start3A_205 : memref<18xi32, #tpu.memory_space<vmem>>) semaphore(%arg14 : memref<!tpu.dma_semaphore, #tpu.memory_space<semaphore_mem>>)
      } else {
      }
      %dma_wait3A_157 = arith.constant 0 : i32
      %dma_wait3A_158 = arith.constant 0 : i32
      %dma_wait3A_159 = tpu.memref_slice %arg2[%dma_wait3A_157, %dma_wait3A_158] : memref<8192x512xf32, #tpu.memory_space<hbm>> -> memref<18x512xf32, #tpu.memory_space<hbm>>
      %dma_wait3A_160 = arith.constant 0 : i32
      %dma_wait3A_161 = arith.constant 0 : i32
      %dma_wait3A_162 = tpu.memref_slice %arg2[%dma_wait3A_160, %dma_wait3A_161] : memref<8192x512xf32, #tpu.memory_space<hbm>> -> memref<18x512xf32, #tpu.memory_space<hbm>>
      tpu.wait_dma2 semaphore(%arg15 : memref<!tpu.dma_semaphore, #tpu.memory_space<semaphore_mem>>) src(%dma_wait3A_162 : memref<18x512xf32, #tpu.memory_space<hbm>>) dst(%arg6 : memref<18x512xf32, #tpu.memory_space<vmem>>)
      %gt3A_163 = arith.constant 0 : i32
      %gt3A_164 = arith.cmpi sgt, %scan3A_99, %gt3A_163 : i32
      %convert_element_type3A_165 = arith.extui %gt3A_164 : i1 to i32
      %cond3A_166 = arith.constant 0 : i32
      %cond3A_167 = arith.cmpi ne, %convert_element_type3A_165, %cond3A_166 : i32
      scf.if %cond3A_167 {
        %dma_wait3A_186 = arith.constant 0 : i32
        %dma_wait3A_187 = arith.constant 0 : i32
        %dma_wait3A_188 = tpu.memref_slice %arg4[%dma_wait3A_186, %dma_wait3A_187] : memref<8192x2560xf32, #tpu.memory_space<hbm>> -> memref<16x2560xf32, #tpu.memory_space<hbm>>
        %dma_wait3A_189 = arith.constant 0 : i32
        %dma_wait3A_190 = arith.constant 0 : i32
        %dma_wait3A_191 = tpu.memref_slice %arg4[%dma_wait3A_189, %dma_wait3A_190] : memref<8192x2560xf32, #tpu.memory_space<hbm>> -> memref<16x2560xf32, #tpu.memory_space<hbm>>
        tpu.wait_dma2 semaphore(%arg17 : memref<!tpu.dma_semaphore, #tpu.memory_space<semaphore_mem>>) src(%arg8 : memref<16x2560xf32, #tpu.memory_space<vmem>>) dst(%dma_wait3A_191 : memref<16x2560xf32, #tpu.memory_space<hbm>>)
      } else {
      }
      %parallel_loop3A_168 = arith.constant 0 : i32
      %parallel_loop3A_169 = arith.constant 16 : i32
      %parallel_loop3A_170 = arith.constant 1 : i32
      scf.for %parallel_loop3A_186 = %parallel_loop3A_168 to %parallel_loop3A_169 step %parallel_loop3A_170  : i32 {
        %parallel_loop3A_187 = vector.broadcast %parallel_loop3A_186 : i32 to vector<16xi32>
        %parallel_loop3A_188 = arith.addi %parallel_loop3A_187, %get3A_23 : vector<16xi32>
        %parallel_loop3A_189 = tpu.vector_load_idx %arg6[%parallel_loop3A_188, %get3A_43] : memref<18x512xf32, #tpu.memory_space<vmem>>[vector<16xi32>, vector<16xi32>], vector<16xf32>,
        %parallel_loop3A_190 = arith.index_cast %parallel_loop3A_186 : i32 to index
        %parallel_loop3A_191 = arith.constant 0 : index
        %parallel_loop3A_192 = tpu.vector_load %arg8[%parallel_loop3A_190, %parallel_loop3A_191] {strides = array<i32>} : memref<16x2560xf32, #tpu.memory_space<vmem>>, vector<16xf32>,
        tpu.vector_store %arg8[%parallel_loop3A_190, %parallel_loop3A_191], %parallel_loop3A_189 {strides = array<i32>} : memref<16x2560xf32, #tpu.memory_space<vmem>>, vector<16xf32>,
        %parallel_loop3A_193 = tpu.vector_load_idx %arg6[%parallel_loop3A_188, %get3A_53] : memref<18x512xf32, #tpu.memory_space<vmem>>[vector<16xi32>, vector<16xi32>], vector<16xf32>,
        %parallel_loop3A_194 = arith.index_cast %parallel_loop3A_186 : i32 to index
        %parallel_loop3A_195 = arith.constant 2480 : index
        %parallel_loop3A_196 = tpu.vector_load %arg8[%parallel_loop3A_194, %parallel_loop3A_195] {strides = array<i32>} : memref<16x2560xf32, #tpu.memory_space<vmem>>, vector<16xf32>,
        tpu.vector_store %arg8[%parallel_loop3A_194, %parallel_loop3A_195], %parallel_loop3A_193 {strides = array<i32>} : memref<16x2560xf32, #tpu.memory_space<vmem>>, vector<16xf32>,
        %parallel_loop3A_197 = vector.broadcast %parallel_loop3A_186 : i32 to vector<16xi32>
        %parallel_loop3A_198 = arith.addi %parallel_loop3A_197, %get3A_25 : vector<16xi32>
        %parallel_loop3A_199 = tpu.vector_load_idx %arg6[%parallel_loop3A_198, %get3A_45] : memref<18x512xf32, #tpu.memory_space<vmem>>[vector<16xi32>, vector<16xi32>], vector<16xf32>,
        %parallel_loop3A_200 = arith.index_cast %parallel_loop3A_186 : i32 to index
        %parallel_loop3A_201 = arith.constant 16 : index
        %parallel_loop3A_202 = tpu.vector_load %arg8[%parallel_loop3A_200, %parallel_loop3A_201] {strides = array<i32>} : memref<16x2560xf32, #tpu.memory_space<vmem>>, vector<16xf32>,
        tpu.vector_store %arg8[%parallel_loop3A_200, %parallel_loop3A_201], %parallel_loop3A_199 {strides = array<i32>} : memref<16x2560xf32, #tpu.memory_space<vmem>>, vector<16xf32>,
        %parallel_loop3A_203 = tpu.vector_load_idx %arg6[%parallel_loop3A_198, %get3A_55] : memref<18x512xf32, #tpu.memory_space<vmem>>[vector<16xi32>, vector<16xi32>], vector<16xf32>,
        %parallel_loop3A_204 = arith.index_cast %parallel_loop3A_186 : i32 to index
        %parallel_loop3A_205 = arith.constant 2496 : index
        %parallel_loop3A_206 = tpu.vector_load %arg8[%parallel_loop3A_204, %parallel_loop3A_205] {strides = array<i32>} : memref<16x2560xf32, #tpu.memory_space<vmem>>, vector<16xf32>,
        tpu.vector_store %arg8[%parallel_loop3A_204, %parallel_loop3A_205], %parallel_loop3A_203 {strides = array<i32>} : memref<16x2560xf32, #tpu.memory_space<vmem>>, vector<16xf32>,
        %parallel_loop3A_207 = vector.broadcast %parallel_loop3A_186 : i32 to vector<16xi32>
        %parallel_loop3A_208 = arith.addi %parallel_loop3A_207, %get3A_27 : vector<16xi32>
        %parallel_loop3A_209 = tpu.vector_load_idx %arg6[%parallel_loop3A_208, %get3A_47] : memref<18x512xf32, #tpu.memory_space<vmem>>[vector<16xi32>, vector<16xi32>], vector<16xf32>,
        %parallel_loop3A_210 = arith.index_cast %parallel_loop3A_186 : i32 to index
        %parallel_loop3A_211 = arith.constant 32 : index
        %parallel_loop3A_212 = tpu.vector_load %arg8[%parallel_loop3A_210, %parallel_loop3A_211] {strides = array<i32>} : memref<16x2560xf32, #tpu.memory_space<vmem>>, vector<16xf32>,
        tpu.vector_store %arg8[%parallel_loop3A_210, %parallel_loop3A_211], %parallel_loop3A_209 {strides = array<i32>} : memref<16x2560xf32, #tpu.memory_space<vmem>>, vector<16xf32>,
        %parallel_loop3A_213 = tpu.vector_load_idx %arg6[%parallel_loop3A_208, %get3A_57] : memref<18x512xf32, #tpu.memory_space<vmem>>[vector<16xi32>, vector<16xi32>], vector<16xf32>,
        %parallel_loop3A_214 = arith.index_cast %parallel_loop3A_186 : i32 to index
        %parallel_loop3A_215 = arith.constant 2512 : index
        %parallel_loop3A_216 = tpu.vector_load %arg8[%parallel_loop3A_214, %parallel_loop3A_215] {strides = array<i32>} : memref<16x2560xf32, #tpu.memory_space<vmem>>, vector<16xf32>,
        tpu.vector_store %arg8[%parallel_loop3A_214, %parallel_loop3A_215], %parallel_loop3A_213 {strides = array<i32>} : memref<16x2560xf32, #tpu.memory_space<vmem>>, vector<16xf32>,
        %parallel_loop3A_217 = vector.broadcast %parallel_loop3A_186 : i32 to vector<16xi32>
        %parallel_loop3A_218 = arith.addi %parallel_loop3A_217, %get3A_29 : vector<16xi32>
        %parallel_loop3A_219 = tpu.vector_load_idx %arg6[%parallel_loop3A_218, %get3A_49] : memref<18x512xf32, #tpu.memory_space<vmem>>[vector<16xi32>, vector<16xi32>], vector<16xf32>,
        %parallel_loop3A_220 = arith.index_cast %parallel_loop3A_186 : i32 to index
        %parallel_loop3A_221 = arith.constant 48 : index
        %parallel_loop3A_222 = tpu.vector_load %arg8[%parallel_loop3A_220, %parallel_loop3A_221] {strides = array<i32>} : memref<16x2560xf32, #tpu.memory_space<vmem>>, vector<16xf32>,
        tpu.vector_store %arg8[%parallel_loop3A_220, %parallel_loop3A_221], %parallel_loop3A_219 {strides = array<i32>} : memref<16x2560xf32, #tpu.memory_space<vmem>>, vector<16xf32>,
        %parallel_loop3A_223 = tpu.vector_load_idx %arg6[%parallel_loop3A_218, %get3A_59] : memref<18x512xf32, #tpu.memory_space<vmem>>[vector<16xi32>, vector<16xi32>], vector<16xf32>,
        %parallel_loop3A_224 = arith.index_cast %parallel_loop3A_186 : i32 to index
        %parallel_loop3A_225 = arith.constant 2528 : index
        %parallel_loop3A_226 = tpu.vector_load %arg8[%parallel_loop3A_224, %parallel_loop3A_225] {strides = array<i32>} : memref<16x2560xf32, #tpu.memory_space<vmem>>, vector<16xf32>,
        tpu.vector_store %arg8[%parallel_loop3A_224, %parallel_loop3A_225], %parallel_loop3A_223 {strides = array<i32>} : memref<16x2560xf32, #tpu.memory_space<vmem>>, vector<16xf32>,
        %parallel_loop3A_227 = vector.broadcast %parallel_loop3A_186 : i32 to vector<16xi32>
        %parallel_loop3A_228 = arith.addi %parallel_loop3A_227, %get3A_31 : vector<16xi32>
        %parallel_loop3A_229 = tpu.vector_load_idx %arg6[%parallel_loop3A_228, %get3A_51] : memref<18x512xf32, #tpu.memory_space<vmem>>[vector<16xi32>, vector<16xi32>], vector<16xf32>,
        %parallel_loop3A_230 = arith.index_cast %parallel_loop3A_186 : i32 to index
        %parallel_loop3A_231 = arith.constant 64 : index
        %parallel_loop3A_232 = tpu.vector_load %arg8[%parallel_loop3A_230, %parallel_loop3A_231] {strides = array<i32>} : memref<16x2560xf32, #tpu.memory_space<vmem>>, vector<16xf32>,
        tpu.vector_store %arg8[%parallel_loop3A_230, %parallel_loop3A_231], %parallel_loop3A_229 {strides = array<i32>} : memref<16x2560xf32, #tpu.memory_space<vmem>>, vector<16xf32>,
        %parallel_loop3A_233 = tpu.vector_load_idx %arg6[%parallel_loop3A_228, %get3A_61] : memref<18x512xf32, #tpu.memory_space<vmem>>[vector<16xi32>, vector<16xi32>], vector<16xf32>,
        %parallel_loop3A_234 = arith.index_cast %parallel_loop3A_186 : i32 to index
        %parallel_loop3A_235 = arith.constant 2544 : index
        %parallel_loop3A_236 = tpu.vector_load %arg8[%parallel_loop3A_234, %parallel_loop3A_235] {strides = array<i32>} : memref<16x2560xf32, #tpu.memory_space<vmem>>, vector<16xf32>,
        tpu.vector_store %arg8[%parallel_loop3A_234, %parallel_loop3A_235], %parallel_loop3A_233 {strides = array<i32>} : memref<16x2560xf32, #tpu.memory_space<vmem>>, vector<16xf32>,
      } {sc.loop_unroll_factor = 2 : i64, sc.parallel_access}
      %parallel_loop3A_171 = arith.constant 0 : i32
      %parallel_loop3A_172 = arith.constant 480 : i32
      %parallel_loop3A_173 = arith.constant 1 : i32
      %parallel_loop3A_174 = arith.constant 0 : i32
      %parallel_loop3A_175 = arith.constant 1 : i32
      %parallel_loop3A_176:2 = scf.for %parallel_loop3A_186 = %parallel_loop3A_171 to %parallel_loop3A_172 step %parallel_loop3A_173 iter_args(%parallel_loop3A_187 = %parallel_loop3A_174, %parallel_loop3A_188 = %parallel_loop3A_175) -> (i32, i32)  : i32 {
        %parallel_loop3A_189 = arith.constant 16 : i32
        %parallel_loop3A_190 = arith.muli %parallel_loop3A_188, %parallel_loop3A_189 : i32
        %parallel_loop3A_191 = arith.constant 80 : i32
        %parallel_loop3A_192 = arith.muli %parallel_loop3A_188, %parallel_loop3A_191 : i32
        %parallel_loop3A_193 = vector.broadcast %parallel_loop3A_187 : i32 to vector<16xi32>
        %parallel_loop3A_194 = arith.addi %parallel_loop3A_193, %get3A_23 : vector<16xi32>
        %parallel_loop3A_195 = vector.broadcast %parallel_loop3A_190 : i32 to vector<16xi32>
        %parallel_loop3A_196 = arith.addi %parallel_loop3A_195, %get3A_33 : vector<16xi32>
        %parallel_loop3A_197 = tpu.vector_load_idx %arg6[%parallel_loop3A_194, %parallel_loop3A_196] : memref<18x512xf32, #tpu.memory_space<vmem>>[vector<16xi32>, vector<16xi32>], vector<16xf32>,
        %parallel_loop3A_198 = arith.constant 0 : i32
        %parallel_loop3A_199 = arith.addi %parallel_loop3A_192, %parallel_loop3A_198 : i32
        %parallel_loop3A_200 = arith.index_cast %parallel_loop3A_187 : i32 to index
        %parallel_loop3A_201 = arith.index_cast %parallel_loop3A_199 : i32 to index
        %parallel_loop3A_202 = tpu.vector_load %arg8[%parallel_loop3A_200, %parallel_loop3A_201] {strides = array<i32>} : memref<16x2560xf32, #tpu.memory_space<vmem>>, vector<16xf32>,
        tpu.vector_store %arg8[%parallel_loop3A_200, %parallel_loop3A_201], %parallel_loop3A_197 {strides = array<i32>} : memref<16x2560xf32, #tpu.memory_space<vmem>>, vector<16xf32>,
        %parallel_loop3A_203 = vector.broadcast %parallel_loop3A_187 : i32 to vector<16xi32>
        %parallel_loop3A_204 = arith.addi %parallel_loop3A_203, %get3A_25 : vector<16xi32>
        %parallel_loop3A_205 = vector.broadcast %parallel_loop3A_190 : i32 to vector<16xi32>
        %parallel_loop3A_206 = arith.addi %parallel_loop3A_205, %get3A_35 : vector<16xi32>
        %parallel_loop3A_207 = tpu.vector_load_idx %arg6[%parallel_loop3A_204, %parallel_loop3A_206] : memref<18x512xf32, #tpu.memory_space<vmem>>[vector<16xi32>, vector<16xi32>], vector<16xf32>,
        %parallel_loop3A_208 = arith.constant 16 : i32
        %parallel_loop3A_209 = arith.addi %parallel_loop3A_192, %parallel_loop3A_208 : i32
        %parallel_loop3A_210 = arith.index_cast %parallel_loop3A_187 : i32 to index
        %parallel_loop3A_211 = arith.index_cast %parallel_loop3A_209 : i32 to index
        %parallel_loop3A_212 = tpu.vector_load %arg8[%parallel_loop3A_210, %parallel_loop3A_211] {strides = array<i32>} : memref<16x2560xf32, #tpu.memory_space<vmem>>, vector<16xf32>,
        tpu.vector_store %arg8[%parallel_loop3A_210, %parallel_loop3A_211], %parallel_loop3A_207 {strides = array<i32>} : memref<16x2560xf32, #tpu.memory_space<vmem>>, vector<16xf32>,
        %parallel_loop3A_213 = vector.broadcast %parallel_loop3A_187 : i32 to vector<16xi32>
        %parallel_loop3A_214 = arith.addi %parallel_loop3A_213, %get3A_27 : vector<16xi32>
        %parallel_loop3A_215 = vector.broadcast %parallel_loop3A_190 : i32 to vector<16xi32>
        %parallel_loop3A_216 = arith.addi %parallel_loop3A_215, %get3A_37 : vector<16xi32>
        %parallel_loop3A_217 = tpu.vector_load_idx %arg6[%parallel_loop3A_214, %parallel_loop3A_216] : memref<18x512xf32, #tpu.memory_space<vmem>>[vector<16xi32>, vector<16xi32>], vector<16xf32>,
        %parallel_loop3A_218 = arith.constant 32 : i32
        %parallel_loop3A_219 = arith.addi %parallel_loop3A_192, %parallel_loop3A_218 : i32
        %parallel_loop3A_220 = arith.index_cast %parallel_loop3A_187 : i32 to index
        %parallel_loop3A_221 = arith.index_cast %parallel_loop3A_219 : i32 to index
        %parallel_loop3A_222 = tpu.vector_load %arg8[%parallel_loop3A_220, %parallel_loop3A_221] {strides = array<i32>} : memref<16x2560xf32, #tpu.memory_space<vmem>>, vector<16xf32>,
        tpu.vector_store %arg8[%parallel_loop3A_220, %parallel_loop3A_221], %parallel_loop3A_217 {strides = array<i32>} : memref<16x2560xf32, #tpu.memory_space<vmem>>, vector<16xf32>,
        %parallel_loop3A_223 = vector.broadcast %parallel_loop3A_187 : i32 to vector<16xi32>
        %parallel_loop3A_224 = arith.addi %parallel_loop3A_223, %get3A_29 : vector<16xi32>
        %parallel_loop3A_225 = vector.broadcast %parallel_loop3A_190 : i32 to vector<16xi32>
        %parallel_loop3A_226 = arith.addi %parallel_loop3A_225, %get3A_39 : vector<16xi32>
        %parallel_loop3A_227 = tpu.vector_load_idx %arg6[%parallel_loop3A_224, %parallel_loop3A_226] : memref<18x512xf32, #tpu.memory_space<vmem>>[vector<16xi32>, vector<16xi32>], vector<16xf32>,
        %parallel_loop3A_228 = arith.constant 48 : i32
        %parallel_loop3A_229 = arith.addi %parallel_loop3A_192, %parallel_loop3A_228 : i32
        %parallel_loop3A_230 = arith.index_cast %parallel_loop3A_187 : i32 to index
        %parallel_loop3A_231 = arith.index_cast %parallel_loop3A_229 : i32 to index
        %parallel_loop3A_232 = tpu.vector_load %arg8[%parallel_loop3A_230, %parallel_loop3A_231] {strides = array<i32>} : memref<16x2560xf32, #tpu.memory_space<vmem>>, vector<16xf32>,
        tpu.vector_store %arg8[%parallel_loop3A_230, %parallel_loop3A_231], %parallel_loop3A_227 {strides = array<i32>} : memref<16x2560xf32, #tpu.memory_space<vmem>>, vector<16xf32>,
        %parallel_loop3A_233 = vector.broadcast %parallel_loop3A_187 : i32 to vector<16xi32>
        %parallel_loop3A_234 = arith.addi %parallel_loop3A_233, %get3A_31 : vector<16xi32>
        %parallel_loop3A_235 = vector.broadcast %parallel_loop3A_190 : i32 to vector<16xi32>
        %parallel_loop3A_236 = arith.addi %parallel_loop3A_235, %get3A_41 : vector<16xi32>
        %parallel_loop3A_237 = tpu.vector_load_idx %arg6[%parallel_loop3A_234, %parallel_loop3A_236] : memref<18x512xf32, #tpu.memory_space<vmem>>[vector<16xi32>, vector<16xi32>], vector<16xf32>,
        %parallel_loop3A_238 = arith.constant 64 : i32
        %parallel_loop3A_239 = arith.addi %parallel_loop3A_192, %parallel_loop3A_238 : i32
        %parallel_loop3A_240 = arith.index_cast %parallel_loop3A_187 : i32 to index
        %parallel_loop3A_241 = arith.index_cast %parallel_loop3A_239 : i32 to index
        %parallel_loop3A_242 = tpu.vector_load %arg8[%parallel_loop3A_240, %parallel_loop3A_241] {strides = array<i32>} : memref<16x2560xf32, #tpu.memory_space<vmem>>, vector<16xf32>,
        tpu.vector_store %arg8[%parallel_loop3A_240, %parallel_loop3A_241], %parallel_loop3A_237 {strides = array<i32>} : memref<16x2560xf32, #tpu.memory_space<vmem>>, vector<16xf32>,
        %parallel_loop3A_243 = arith.constant 1 : i32
        %parallel_loop3A_244 = arith.addi %parallel_loop3A_188, %parallel_loop3A_243 : i32
        %parallel_loop3A_245 = arith.constant 31 : i32
        %parallel_loop3A_246 = arith.cmpi eq, %parallel_loop3A_244, %parallel_loop3A_245 : i32
        %parallel_loop3A_247 = arith.constant 1 : i32
        %parallel_loop3A_248 = arith.addi %parallel_loop3A_187, %parallel_loop3A_247 : i32
        %parallel_loop3A_249 = arith.select %parallel_loop3A_246, %parallel_loop3A_248, %parallel_loop3A_187 : i32
        %parallel_loop3A_250 = arith.constant 1 : i32
        %parallel_loop3A_251 = arith.select %parallel_loop3A_246, %parallel_loop3A_250, %parallel_loop3A_244 : i32
        scf.yield %parallel_loop3A_249, %parallel_loop3A_251 : i32, i32
      } {sc.loop_unroll_factor = 4 : i64, sc.parallel_access}
      %add3A_177 = arith.constant 16 : i32
      %add3A_178 = arith.addi %add3A_106, %add3A_177 : i32
      %add3A_179 = vector.broadcast %add3A_178 : i32 to vector<16xi32>
      %add3A_180 = arith.addi %add3A_179, %get3A_63 : vector<16xi32>
      %swap3A_181 = arith.constant 0 : index
      %swap3A_182 = tpu.vector_load %arg13[%swap3A_181] {strides = array<i32>} : memref<16xi32, #tpu.memory_space<vmem>>, vector<16xi32>,
      tpu.vector_store %arg13[%swap3A_181], %add3A_180 {strides = array<i32>} : memref<16xi32, #tpu.memory_space<vmem>>, vector<16xi32>,
      %dma_start3A_183 = arith.constant 0 : i32
      %dma_start3A_184 = arith.constant 0 : i32
      %dma_start3A_185 = tpu.memref_slice %arg4[%dma_start3A_183, %dma_start3A_184] : memref<8192x2560xf32, #tpu.memory_space<hbm>> -> memref<8192x2560xf32, #tpu.memory_space<hbm>>
      tpu.enqueue_indirect_dma source(%arg8 : memref<16x2560xf32, #tpu.memory_space<vmem>>) target(%dma_start3A_185 : memref<8192x2560xf32, #tpu.memory_space<hbm>>) offsets(%arg13 : memref<16xi32, #tpu.memory_space<vmem>>) semaphore(%arg17 : memref<!tpu.dma_semaphore, #tpu.memory_space<semaphore_mem>>)
    }
    %scan3A_87 = arith.constant 8 : i32
    %dma_wait3A = arith.constant 0 : i32
    %dma_wait3A_88 = arith.constant 0 : i32
    %dma_wait3A_89 = tpu.memref_slice %arg4[%dma_wait3A, %dma_wait3A_88] : memref<8192x2560xf32, #tpu.memory_space<hbm>> -> memref<16x2560xf32, #tpu.memory_space<hbm>>
    %dma_wait3A_90 = arith.constant 0 : i32
    %dma_wait3A_91 = arith.constant 0 : i32
    %dma_wait3A_92 = tpu.memref_slice %arg4[%dma_wait3A_90, %dma_wait3A_91] : memref<8192x2560xf32, #tpu.memory_space<hbm>> -> memref<16x2560xf32, #tpu.memory_space<hbm>>
    tpu.wait_dma2 semaphore(%arg16 : memref<!tpu.dma_semaphore, #tpu.memory_space<semaphore_mem>>) src(%arg7 : memref<16x2560xf32, #tpu.memory_space<vmem>>) dst(%dma_wait3A_92 : memref<16x2560xf32, #tpu.memory_space<hbm>>)
    %dma_wait3A_93 = arith.constant 0 : i32
    %dma_wait3A_94 = arith.constant 0 : i32
    %dma_wait3A_95 = tpu.memref_slice %arg4[%dma_wait3A_93, %dma_wait3A_94] : memref<8192x2560xf32, #tpu.memory_space<hbm>> -> memref<16x2560xf32, #tpu.memory_space<hbm>>
    %dma_wait3A_96 = arith.constant 0 : i32
    %dma_wait3A_97 = arith.constant 0 : i32
    %dma_wait3A_98 = tpu.memref_slice %arg4[%dma_wait3A_96, %dma_wait3A_97] : memref<8192x2560xf32, #tpu.memory_space<hbm>> -> memref<16x2560xf32, #tpu.memory_space<hbm>>
    tpu.wait_dma2 semaphore(%arg17 : memref<!tpu.dma_semaphore, #tpu.memory_space<semaphore_mem>>) src(%arg8 : memref<16x2560xf32, #tpu.memory_space<vmem>>) dst(%dma_wait3A_98 : memref<16x2560xf32, #tpu.memory_space<hbm>>)
    return
  }
}

</mosaic_0001>

<sc_bundles>
// kernel: kernel.3.cloned.1.call-start
scs
__scs_entry_jumppad:
0x0: {  	(pc) =	sbr.rel $0x88, $3  }
0x1: {  	(tag) =	ssettag $0x0;
	lr =	simm.s32 $0x1  }
0x2: {  	[smem:$0x3FA0] =	sst lr;
	_ =	strace $0xD0000000  }
0x3: {  	_ = 	snop  }
0x4: {  	_ = 	snop  }
0x5: {  	_ = 	snop  }
0x6: {  	_ = 	snop  }
0x7: {  	_ = 	snop  }
__scs_overlays_trampoline_lowered:
0x8: {  	[smem:$0x3FAF] =	sst s0  }
0x9: {  	[smem:$0x3FB0] =	sst s1  }
0xa: {  	[smem:$0x3FB1] =	sst s2  }
0xb: {  	[smem:$0x3FB2] =	sst s3  }
0xc: {  	[smem:$0x3FB3] =	sst s4  }
0xd: {  	[smem:$0x3FB4] =	sst s5  }
0xe: {  	[smem:$0x3FB5] =	sst s6  }
0xf: {  	[smem:$0x3FB6] =	sst s7  }
0x10: {  	[smem:$0x3FB7] =	sst s8  }
0x11: {  	[smem:$0x3FB8] =	sst s9;
	s0 =	simm.s32 @!p0 $0x0  }
0x12: {  	s1 =	sld [smem:$0x3F9E];
	s0 =	simm.s32 @p0 $0x1  }
0x13: {  	[smem:$0x3FB9] =	sst s0;
	s0 =	simm.s32 @!p1 $0x0  }
0x14: {  	s2 =	sld [smem:$0x3F9D];
	s0 =	simm.s32 @p1 $0x1  }
0x15: {  	[smem:$0x3FBA] =	sst s0;
	s0 =	simm.s32 @!p2 $0x0  }
0x16: {  	s3 =	sld [smem:$0x3FDB];
	s0 =	simm.s32 @p2 $0x1  }
0x17: {  	s4 =	simm.s32 $0x1BF5;
	[smem:$0x3FBC] =	sst s0  }
0x18: {  	s0 =	sld [smem:$0x3F9F];
	_ =	swait.ge [sflag:s4], $0x0  }
0x19: {  	s7 =	sld [smem:$0x3FA0]  }
0x1a: {  	s8 =	sadd.s32 $0xFFFFE003, lr  }
0x1b: {  	s9 =	sadd.s32 $0xFFFFFEF7, lr;
	s5 =	simm.s32 $0xFFFFFFFF;
	p2 =	slt.u32 s8, $0xFFFFF086  }
0x1c: {  	p1 =	slt.u32 s9, $0xF7A;
	s5 =	simm.s32 @!p2 $0x0  }
0x1d: {  	s5 =	simm.s32 @p1 $0x1;
	p0 =	seq.s32 s7, s2  }
0x1e: {  	s7 =	smul.u32 @!p0 $0xF7A, s2;
	p2 =	seq.s32 @!p0 s5, $0x0  }
0x1f: {  	s9 =	smul.u32 $0xF7A, s1;
	s8 =	simm.s32 @!p0 $0x1BF5;
	p2 =	por !p2, p0  }
0x20: {  	[sflag:s8] =	ssyncset.s32 @!p0 $0xFFFFF086;
	s6 =	sadd.s32 @!p0 s3, s7;
	s7 =	simm.s32 @!p0 $0x108  }
0x21: {  	s3 =	sadd.s32 s3, s9;
	s6 =	sadd.s32 @!p0 $0x88, s6;
	s7 =	simm.s32 @p2 $0x1082  }
0x22: {  	[simem:s7], [sflag:s8] =	dma.local @!p0 [hbm:s6], $0xF7A  }
0x23: {  	s9 =	sor.u32 $0xD0000000, s2;
	s6 =	simm.s32 $0x108;
	_ =	swait.ge @!p0 [sflag:s8], $0x0  }
0x24: {  	s3 =	sadd.s32 $0x88, s3;
	s6 =	simm.s32 @!p1 $0x1082;
	[sflag:s4] =	ssyncset.s32 $0xFFFFF086  }
0x25: {  	[simem:s6], [sflag:s4] =	dma.local [hbm:s3], $0xF7A  }
0x26: {  	[smem:$0x3FA0] =	sst s1;
	(tag) =	ssettag s2;
	_ =	strace s9  }
0x27: {  	s1 =	sld [smem:$0x3FB0]  }
0x28: {  	s2 =	sld [smem:$0x3FB1]  }
0x29: {  	s4 =	sld [smem:$0x3FB3]  }
0x2a: {  	p0 =	seq.s32 s5, $0x0;
	s5 =	sld [smem:$0x3FB4]  }
0x2b: {  	s6 =	sld [smem:$0x3FB5]  }
0x2c: {  	s7 =	sld [smem:$0x3FB6]  }
0x2d: {  	s3 =	simm.s32 $0x108;
	s8 =	sld [smem:$0x3FB7]  }
0x2e: {  	s3 =	simm.s32 @!p0 $0x1082;
	s9 =	sld [smem:$0x3FB8]  }
0x2f: {  	lr =	sadd.s32 s0, s3;
	s0 =	sld [smem:$0x3FAF]  }
0x30: {  	s3 =	sld [smem:$0x3FB2]  }
0x31: {  	[smem:$0x3FBB] =	sst s10  }
0x32: {  	s10 =	sld [smem:$0x3FB9];
	_ =	sdelay $0x3  }
0x33: {  	p0 =	seq.s32 s10, $0x1;
	s10 =	sld [smem:$0x3FBB];
	_ =	sdelay $0x3  }
0x34: {  	[smem:$0x3FBB] =	sst s10  }
0x35: {  	s10 =	sld [smem:$0x3FBA];
	_ =	sdelay $0x3  }
0x36: {  	p1 =	seq.s32 s10, $0x1;
	s10 =	sld [smem:$0x3FBB];
	_ =	sdelay $0x3  }
0x37: {  	[smem:$0x3FBB] =	sst s10  }
0x38: {  	s10 =	sld [smem:$0x3FBC]  }
0x39: {  	_ = 	snop;
	(pc) =	sbr.ind lr, $3  }
0x3a: {  	_ = 	snop  }
0x3b: {  	_ = 	snop  }
0x3c: {  	p2 =	seq.s32 s10, $0x1;
	s10 =	sld [smem:$0x3FBB]  }
0x3d: {  	_ =	shalt  }
0x3e: {  	_ =	shalt  }
0x3f: {  	_ =	shalt  }
0x40: {  	_ =	shalt  }
0x41: {  	_ =	shalt  }
0x42: {  	_ =	shalt  }
0x43: {  	_ =	shalt  }
0x44: {  	_ =	shalt  }
0x45: {  	_ =	shalt  }
0x46: {  	_ =	shalt  }
0x47: {  	_ =	shalt  }
0x48: {  	_ =	shalt  }
0x49: {  	_ =	shalt  }
0x4a: {  	_ =	shalt  }
0x4b: {  	_ =	shalt  }
0x4c: {  	_ =	shalt  }
0x4d: {  	_ =	shalt  }
0x4e: {  	_ =	shalt  }
0x4f: {  	_ =	shalt  }
0x50: {  	_ =	shalt  }
0x51: {  	_ =	shalt  }
0x52: {  	_ =	shalt  }
0x53: {  	_ =	shalt  }
0x54: {  	_ =	shalt  }
0x55: {  	_ =	shalt  }
0x56: {  	_ =	shalt  }
0x57: {  	_ =	shalt  }
0x58: {  	_ =	shalt  }
0x59: {  	_ =	shalt  }
0x5a: {  	_ =	shalt  }
0x5b: {  	_ =	shalt  }
0x5c: {  	_ =	shalt  }
0x5d: {  	_ =	shalt  }
0x5e: {  	_ =	shalt  }
0x5f: {  	_ =	shalt  }
0x60: {  	_ =	shalt  }
0x61: {  	_ =	shalt  }
0x62: {  	_ =	shalt  }
0x63: {  	_ =	shalt  }
0x64: {  	_ =	shalt  }
0x65: {  	_ =	shalt  }
0x66: {  	_ =	shalt  }
0x67: {  	_ =	shalt  }
0x68: {  	_ =	shalt  }
0x69: {  	_ =	shalt  }
0x6a: {  	_ =	shalt  }
0x6b: {  	_ =	shalt  }
0x6c: {  	_ =	shalt  }
0x6d: {  	_ =	shalt  }
0x6e: {  	_ =	shalt  }
0x6f: {  	_ =	shalt  }
0x70: {  	_ =	shalt  }
0x71: {  	_ =	shalt  }
0x72: {  	_ =	shalt  }
0x73: {  	_ =	shalt  }
0x74: {  	_ =	shalt  }
0x75: {  	_ =	shalt  }
0x76: {  	_ =	shalt  }
0x77: {  	_ =	shalt  }
0x78: {  	_ =	shalt  }
0x79: {  	_ =	shalt  }
0x7a: {  	_ =	shalt  }
0x7b: {  	_ =	shalt  }
0x7c: {  	_ =	shalt  }
0x7d: {  	_ =	shalt  }
0x7e: {  	_ =	shalt  }
0x7f: {  	_ =	shalt  }
0x80: {  	_ =	shalt  }
0x81: {  	_ =	shalt  }
0x82: {  	_ =	shalt  }
0x83: {  	_ =	shalt  }
0x84: {  	_ =	shalt  }
0x85: {  	_ =	shalt  }
0x86: {  	_ =	shalt  }
0x87: {  	_ =	shalt  }
.Lfunc_end0:
.L_simem_size_0:
called_computation.2_lowered:
.L_overlay_start_0:
0x88: {  	s2 =	sld [smem:$0x3FD9]  }
0x89: {  	s3 =	sld [smem:$0x3FFE];
	_ =	sdelay $0x1  }
0x8a: {  	s1 =	srdreg.scid  }
0x8b: {  	s0 =	sand.u32 $0x1, s1  }
0x8c: {  	s17 =	sshll.u32 s0, $0xA;
	s2 =	sadd.s32 s3, s2  }
0x8d: {  	s2 =	sadd.s32 s2, s17  }
0x8e: {  	[smem:$0x3FC7] =	sst s2  }
0x8f: {  	_ = 	snop  }
0x90: {  	s2 =	sld [smem:$0x3FD0];
	(tm) =	ssettm $0x1  }
0x91: {  	s18 =	sld [smem:$0x3FFB];
	_ =	sdelay $0x3  }
0x92: {  	_ =	strace s18  }
0x93: {  	s3 =	sld [smem:$0x3FFC];
	_ =	sdelay $0x3  }
0x94: {  	_ =	strace s3  }
0x95: {  	s3 =	sld [smem:$0x3FFD];
	_ =	sdelay $0x3  }
0x96: {  	_ =	strace s3  }
0x97: {  	_ =	strace $0x8FFFFFFF  }
0x98: {  	s19 =	sld [smem:$0x3FDB];
	_ =	sdelay $0x1  }
0x99: {  	s4 =	simm.s32 $_scs_section_size  }
0x9a: {  	s5 =	simm.s32 $_size__tile_overlayer_lowered;
	s6 =	simm.s32 $_tile_overlayer_lowered  }
0x9b: {  	s22 =	simm.s32 $0x1BFF;
	s21 =	sshll.u32 s6, $0x1;
	s3 =	sadd.s32 s4, s19  }
0x9c: {  	s7 =	simm.s32 $0x0;
	s20 =	sshll.u32 s5, $0x1;
	s5 =	sadd.s32 s21, s3  }
0x9d: {  	[timem:s7], [sflag:s22] =	dma.local [hbm:s5], s20  }
0x9e: {  	_ =	swait.ge [sflag:s22], s20  }
0x9f: {  	s4 =	ssub.s32 $0x0, s20;
	[sflag:s22] =	ssyncset.done $0x0  }
0xa0: {  	[sflag:s22] =	ssyncadd.s32 s4;
	_ =	sdelay $0x1  }
0xa1: {  	s23 =	simm.s32 $0x1B8B  }
0xa2: {  	_ =	swait.ge [sflag:s23], $0x1  }
0xa3: {  	[sflag:s23] =	ssyncset.done $0x0  }
0xa4: {  	s25 =	simm.s32 $0x1B8E;
	s24 =	sld [smem:$0x3FFE];
	[sflag:s23] =	ssyncadd.s32 $0xFFFFFFFF  }
0xa5: {  	s26 =	simm.s32 $execute0_lowered;
	[smem:$0x3FD2] =	sst s25  }
0xa6: {  	s5 =	sshll.u32 s26, $0x1;
	_ =	strace $0x80000046;
	[dreg:$0x1] =	wrdreg $0xFFFFFFFF  }
0xa7: {  	s28 =	simm.s32 $_size_execute0_lowered;
	s3 =	sadd.s32 s3, s5;
	[dreg:$0x0] =	wrdreg $0x0  }
0xa8: {  	s5 =	sshll.u32 s28, $0x1;
	[dreg:$0x2] =	wrdreg s3  }
0xa9: {  	[dreg:$0x3] =	wrdreg s5  }
0xaa: {  	[dreg:$0x4] =	wrdreg $0xC0  }
0xab: {  	_ =	task [dreg:s7], $0x5FFFF  }
0xac: {  	[dreg:$0x1] =	wrdreg $0xFFFFFFFF  }
0xad: {  	[dreg:$0x0] =	wrdreg $0x60  }
0xae: {  	[dreg:$0x2] =	wrdreg s2  }
0xaf: {  	[dreg:$0x3] =	wrdreg s24  }
0xb0: {  	[dreg:$0x4] =	wrdreg $0x9  }
0xb1: {  	_ =	task.clear_ibuf [dreg:s7], $0x5FFFF;
	_ =	strace $0x90000046  }
0xb2: {  	s29 =	simm.s32 $0x9;
	_ =	strace $0x80000048  }
0xb3: {  	_ =	swait.ge [sflag:s29], $0x1  }
0xb4: {  	[sflag:s29] =	ssyncadd.s32 $0xFFFFFFFF  }
0xb5: {  	_ =	strace $0x90000048  }
0xb6: {  	_ =	sfence  }
0xb7: {  	s30 =	sld [smem:$0x0];
	_ =	sdelay $0x2  }
0xb8: {  	s31 =	sshll.u32 s1, $0xD;
	s1 =	sshrl.u32 s1, $0x2  }
0xb9: {  	s3 =	sand.u32 $0x4000, s31;
	s1 =	sadd.s32 s1, s30  }
0xba: {  	s0 =	sor.u32 s3, s0;
	s1 =	sshll.u32 s1, $0x11  }
0xbb: {  	s0 =	sor.u32 s1, s0  }
0xbc: {  	s0 =	sadd.s32 $0x8F2B, s0  }
0xbd: {  	[sflag:s0] =	ssyncadd.remote.s32 $0x1  }
0xbe: {  	_ =	sfence.sel $0xFFFF  }
0xbf: {  	[dreg:$0x0] =	wrdreg $0xFFFFFFFF;
	(pc) =	sbr.abs _section_cstart, $3  }
0xc0: {  	[dreg:$0x1] =	wrdreg $0xFFFFFFFF  }
0xc1: {  	_ =	task.clear_ibuf [dreg:s7], $0x2FFFF;
	_ =	strace $0x9FFFFFFF  }
0xc2: {  	(tm) =	ssettm $0x7FFFFFFF  }
0xc3: {  	_ =	shalt  }
tec
execute0_lowered:
.L_overlay_start_1:
0x0: {  	(tag) =	ssettag $0x1  }
0x1: {  	s0 =	srdreg.scid;
	s2 =	stileid.u32  }
0x2: {  	s1 =	rddreg [dreg:$0x1];
	_ =	strace $0x80000047;
	s6 =	simm.s32 $0x1  }
0x3: {  	s8 =	simm.s32 $0x0;
	s0 =	sand.u32 $0x1, s0;
	s3 =	sshll.u32 s2, $0x1  }
0x4: {  	s14 =	simm.s32 $0x2400;
	s15 =	simm.s32 $0x10;
	s3 =	sor.u32 s0, s3  }
0x5: {  	s18 =	simm.s32 $0x2;
	p1 =	seq.s32 s0, $0x1;
	p0 =	seq.s32 s3, $0x0  }
0x6: {  	s19 =	simm.s32 $0x4;
	s4 =	sadd.s32 $0xC00, s1;
	p0 =	por !p0, !p1  }
0x7: {  	[dreg:$0x3] =	wrdreg s4;
	s0 =	ssub.s32 $0x2, s0;
	p0 =	por !p0, !p0  }
.Ltmp0:
0x8: {  	s5 =	sshrl.u32 s0, $0x1;
	s6 =	simm.s32 @!p0 $0x0;
	(pc) =	sbr.rel .LBB2_1-.Ltmp0, $4  }
0x9: {  	s0 =	ssub.s32 s0, s5;
	s30 =	ssub.s32 s2, s6;
	s6 =	sshll.u32 s3, $0x8  }
0xa: {  	s4 =	sadd.s32 $0xE00, s1;
	s0 =	smax.u32 s0, $0x1;
	s7 =	sadd.s32 $0xFFFFFFFF, s6  }
0xb: {  	s31 =	sshll.u32 s30, $0x9;
	s1 =	sshllo.u32 s30, $0x9;
	s9 =	sor.u32 $0xF, s6;
	v0 =	vmov s7  }
0xc: {  	s5 =	simm.s32 $0x1;
	[dreg:$0x4] =	wrdreg s0;
	v1 =	vmov s31;
	v2 =	vmov s9;
	v3 =	vmov s1;
	s1 =	simm.s32 $0x0  }
.LBB2_19:
0xd: {  	s0 =	simm.s32 $0x3  }
0xe: {  	_ =	swait.ge [sflag:s0], $0xA000  }
0xf: {  	[sflag:s0] =	ssyncset.done $0x0  }
0x10: {  	[sflag:s0] =	ssyncadd.s32 $0xFFFF6000  }
0x11: {  	_ =	swait.ge [sflag:s19], $0xA000  }
0x12: {  	s1 =	rddreg [dreg:$0x5]  }
0x13: {  	s31 =	rddreg [dreg:$0x4];
	s1 =	sadd.s32 $0x1, s1  }
0x14: {  	p0 =	sne.s32 s1, s31  }
.Ltmp1:
0x15: {  	_ = 	snop;
	(pc) =	sbr.rel @!p0 .LBB2_20-.Ltmp1, $3  }
0x16: {  	_ =	sdelay $0x1  }
0x17: {  	[sflag:s19] =	ssyncset.done $0x0  }
0x18: {  	[sflag:s19] =	ssyncadd.s32 $0xFFFF6000  }
.LBB2_1:
0x19: {  	[dreg:$0x5] =	wrdreg s1  }
0x1a: {  	s0 =	rddreg [dreg:$0x3];
	s29 =	simm.s32 $0x18800;
	s30 =	simm.s32 $0x5  }
0x1b: {  	[tilespmem:s29], [sflag:$0x5] =	stream.linear.gather [hbm4b:s0+s8], $0x150, $0x38;
	[tilespmem:$0x189B0] =	vst v63  }
0x1c: {  	_ =	swait.ge [sflag:s30], $0x150  }
0x1d: {  	[sflag:s30] =	ssyncset.done $0x0  }
0x1e: {  	[sflag:s30] =	ssyncadd.s32 $0xFFFFFEB0  }
0x1f: {  	v4 =	vld [tilespmem:$0x18800]  }
0x20: {  	v5 =	vld [tilespmem:$0x18810]  }
0x21: {  	v6 =	vld [tilespmem:$0x18820]  }
0x22: {  	v7 =	vld [tilespmem:$0x18830]  }
0x23: {  	v8 =	vld [tilespmem:$0x18840]  }
0x24: {  	v9 =	vld [tilespmem:$0x18850]  }
0x25: {  	v10 =	vld [tilespmem:$0x18860]  }
0x26: {  	v11 =	vld [tilespmem:$0x18870]  }
0x27: {  	v12 =	vld [tilespmem:$0x18880]  }
0x28: {  	v13 =	vld [tilespmem:$0x18890]  }
0x29: {  	v15 =	vld [tilespmem:$0x18940]  }
0x2a: {  	v14 =	vld [tilespmem:$0x188A0]  }
0x2b: {  	v16 =	vld [tilespmem:$0x188B0]  }
0x2c: {  	v17 =	vld [tilespmem:$0x188C0]  }
0x2d: {  	v18 =	vld [tilespmem:$0x188D0]  }
0x2e: {  	v19 =	vld [tilespmem:$0x188E0];
	v23 =	vadd.s32 v0, v15  }
0x2f: {  	v20 =	vld [tilespmem:$0x188F0];
	v24 =	vadd.s32 v2, v15;
	vm0 =	vgt.s32 v23, v1  }
0x30: {  	v22 =	vld [tilespmem:$0x18910];
	vm15 =	vlt.s32 v24, v3;
	v25 =	vsel vm0, v23, v1  }
0x31: {  	s31 =	simm.s32 $0x12;
	v21 =	vld [tilespmem:$0x18900];
	[tilespmem:$0x18950] =	vst v25;
	v25 =	vsel vm15, v24, v3  }
0x32: {  	s2 =	simm.s32 $0x18950;
	s24 =	simm.s32 $0x0;
	s0 =	rddreg [dreg:$0x0];
	v26 =	vand.u32 $0x7, v10;
	v27 =	vand.u32 $0x7, v11;
	v23 =	vld [tilespmem:$0x18920];
	[tilespmem:$0x18960] =	vst v25  }
0x33: {  	v28 =	vand.u32 $0x7, v12;
	v29 =	vand.u32 $0x7, v13;
	v24 =	vld [tilespmem:$0x18930];
	v25 =	vand.u32 $0x7, v9;
	[tilespmem:s8], [sflag:$0x1] =	stream.indirect.gather [hbm4b:s0+s31], $0x200, s2, s31, $0xb8  }
.LBB2_2:
0x34: {  	s0 =	sshll.u32 s24, $0x5  }
0x35: {  	s25 =	sadd.s32 s6, s0  }
0x36: {  	s0 =	sor.u32 $0xF, s25  }
0x37: {  	s23 =	sor.u32 $0x1F, s25;
	v31 =	vadd.s32 s0, v15  }
0x38: {  	v30 =	vadd.s32 s23, v15;
	vm0 =	vgt.s32 v31, v1  }
0x39: {  	vm15 =	vlt.s32 v30, v3;
	v31 =	vsel vm0, v31, v1  }
0x3a: {  	s3 =	simm.s32 $0x1;
	[tilespmem:$0x18970] =	vst v31;
	v31 =	vsel vm15, v30, v3  }
0x3b: {  	s26 =	rddreg [dreg:$0x0];
	s1 =	simm.s32 $0x12;
	s2 =	simm.s32 $0x18970;
	[tilespmem:$0x18980] =	vst v31  }
0x3c: {  	v31 =	vadd.s32 s3, v4;
	[tilespmem:s14], [sflag:$0x2] =	stream.indirect.gather [hbm4b:s26+s1], $0x200, s2, s1, $0xb8;
	[tilespmem:$0x189B0] =	vst v63  }
0x3d: {  	v32 =	vshll.u32 v31, $0x9;
	_ =	swait.ge [sflag:s5], $0x2400  }
0x3e: {  	p0 =	seq.s32 s24, $0x0;
	v33 =	vadd.s32 v14, v32;
	[sflag:s5] =	ssyncset.done $0x0  }
0x3f: {  	s0 =	simm.s32 @!p0 $0x3;
	s26 =	simm.s32 $0x0;
	[sflag:s5] =	ssyncadd.s32 $0xFFFFDC00  }
0x40: {  	v31 =	vadd.s32 s26, v4;
	_ =	swait.ge @!p0 [sflag:s0], $0xA000  }
0x41: {  	v31 =	vshll.u32 v31, $0x9;
	[sflag:s0] =	ssyncset.done @!p0 $0x0  }
0x42: {  	v34 =	vadd.s32 v14, v31;
	[sflag:s0] =	ssyncadd.s32 @!p0 $0xFFFF6000  }
0x43: {  	v33 =	vld.idx.msk [tilespmem:v33+s26+$0x0], $0xffff  }
0x44: {  	v32 =	vadd.s32 v20, v32;
	_ =	sdelay $0x2  }
0x45: {  	s7 =	simm.s32 $0x5200;
	v34 =	vld.idx.msk [tilespmem:v34+s26+$0x0], $0xffff  }
0x46: {  	v50 =	vadd.s32 s3, v5;
	v35 =	vadd.s32 v20, v31;
	[tilespmem:s7+$0x0] =	vst v33  }
0x47: {  	s22 =	simm.s32 $0x3;
	v33 =	vshll.u32 v50, $0x9;
	v32 =	vld.idx.msk [tilespmem:v32+s26+$0x0], $0xffff  }
0x48: {  	s31 =	simm.s32 $0x2;
	v37 =	vadd.s32 s22, v4;
	v36 =	vadd.s32 v16, v33  }
0x49: {  	v39 =	vadd.s32 s31, v4;
	v52 =	vshll.u32 v37, $0x9  }
0x4a: {  	v39 =	vshll.u32 v39, $0x9;
	v37 =	vadd.s32 v14, v52;
	v51 =	vadd.s32 s26, v5;
	[tilespmem:s7+$0xFFFFF600] =	vst v34  }
0x4b: {  	v53 =	vadd.s32 v14, v39;
	v34 =	vshll.u32 v51, $0x9;
	v35 =	vld.idx.msk [tilespmem:v35+s26+$0x0], $0xffff  }
0x4c: {  	v38 =	vadd.s32 v16, v34;
	[tilespmem:s7+$0x9B0] =	vst v32  }
0x4d: {  	v36 =	vld.idx.msk [tilespmem:v36+s26+$0x0], $0xffff  }
0x4e: {  	v33 =	vadd.s32 v21, v33  }
0x4f: {  	v37 =	vld.idx.msk [tilespmem:v37+s26+$0x0], $0xffff  }
0x50: {  	v32 =	vadd.s32 v20, v52;
	[tilespmem:s7+$0xFFFFFFB0] =	vst v35;
	v35 =	vld.idx.msk [tilespmem:v53+s26+$0x0], $0xffff  }
0x51: {  	v39 =	vadd.s32 v20, v39;
	v38 =	vld.idx.msk [tilespmem:v38+s26+$0x0], $0xffff  }
0x52: {  	v54 =	vadd.s32 s3, v6;
	v34 =	vadd.s32 v21, v34;
	[tilespmem:s7+$0x10] =	vst v36  }
0x53: {  	s28 =	simm.s32 $0x6600;
	v36 =	vshll.u32 v54, $0x9;
	v33 =	vld.idx.msk [tilespmem:v33+s26+$0x0], $0xffff  }
0x54: {  	v56 =	vadd.s32 s22, v5;
	[tilespmem:s28+$0x0] =	vst v37;
	v40 =	vadd.s32 v17, v36  }
0x55: {  	v61 =	vadd.s32 s31, v5;
	v57 =	vshll.u32 v56, $0x9;
	v32 =	vld.idx.msk [tilespmem:v32+s26+$0x0], $0xffff;
	[tilespmem:s28+$0xFFFFF600] =	vst v35  }
0x56: {  	s30 =	simm.s32 $0x4;
	v62 =	vshll.u32 v61, $0x9;
	v59 =	vadd.s32 v16, v57;
	v55 =	vadd.s32 s26, v6;
	[tilespmem:s7+$0xFFFFF610] =	vst v38;
	v39 =	vld.idx.msk [tilespmem:v39+s26+$0x0], $0xffff  }
0x57: {  	v43 =	vadd.s32 s30, v4;
	v42 =	vadd.s32 v16, v62;
	v38 =	vshll.u32 v55, $0x9;
	v34 =	vld.idx.msk [tilespmem:v34+s26+$0x0], $0xffff  }
0x58: {  	v43 =	vshll.u32 v43, $0x9;
	s0 =	simm.s32 $0x5;
	v41 =	vadd.s32 v17, v38;
	[tilespmem:s7+$0x9C0] =	vst v33  }
0x59: {  	v44 =	vadd.s32 v14, v43;
	v47 =	vadd.s32 s0, v4;
	v58 =	vld.idx.msk [tilespmem:v40+s26+$0x0], $0xffff  }
0x5a: {  	v48 =	vshll.u32 v47, $0x9;
	v60 =	vadd.s32 v22, v36;
	[tilespmem:s28+$0x9B0] =	vst v32  }
0x5b: {  	v49 =	vadd.s32 v14, v48;
	[tilespmem:s28+$0xFFFFFFB0] =	vst v39;
	v40 =	vld.idx.msk [tilespmem:v59+s26+$0x0], $0xffff  }
0x5c: {  	v33 =	vadd.s32 v21, v57;
	[tilespmem:s7+$0xFFFFFFC0] =	vst v34;
	v42 =	vld.idx.msk [tilespmem:v42+s26+$0x0], $0xffff  }
0x5d: {  	v34 =	vadd.s32 v21, v62;
	v63 =	vld.idx.msk [tilespmem:v41+s26+$0x0], $0xffff  }
0x5e: {  	v44 =	vld.idx.msk [tilespmem:v44+s26+$0x0], $0xffff;
	v50 =	vadd.s32 s3, v7;
	v38 =	vadd.s32 v22, v38;
	[tilespmem:s7+$0x20] =	vst v58  }
0x5f: {  	v41 =	vshll.u32 v50, $0x9;
	v35 =	vld.idx.msk [tilespmem:v60+s26+$0x0], $0xffff  }
0x60: {  	v37 =	vld.idx.msk [tilespmem:v49+s26+$0x0], $0xffff;
	v53 =	vadd.s32 s22, v6;
	v51 =	vadd.s32 v18, v41;
	[tilespmem:s28+$0x10] =	vst v40  }
0x61: {  	v54 =	vshll.u32 v53, $0x9;
	v32 =	vadd.s32 v20, v48;
	[tilespmem:s28+$0xFFFFF610] =	vst v42;
	v33 =	vld.idx.msk [tilespmem:v33+s26+$0x0], $0xffff  }
0x62: {  	s29 =	simm.s32 $0x7A00;
	v47 =	vadd.s32 s31, v6;
	v46 =	vadd.s32 v17, v54;
	[tilespmem:s7+$0xFFFFF620] =	vst v63;
	v34 =	vld.idx.msk [tilespmem:v34+s26+$0x0], $0xffff  }
0x63: {  	[tilespmem:s29+$0xFFFFF600] =	vst v44;
	v52 =	vadd.s32 s26, v7;
	v57 =	vadd.s32 v20, v43;
	v58 =	vshll.u32 v47, $0x9;
	v38 =	vld.idx.msk [tilespmem:v38+s26+$0x0], $0xffff  }
0x64: {  	s1 =	simm.s32 $0x6;
	v36 =	vshll.u32 v52, $0x9;
	v47 =	vadd.s32 v17, v58;
	[tilespmem:s7+$0x9D0] =	vst v35  }
0x65: {  	[tilespmem:s29+$0x0] =	vst v37;
	v55 =	vadd.s32 s1, v4;
	v45 =	vadd.s32 v18, v36;
	v39 =	vld.idx.msk [tilespmem:v51+s26+$0x0], $0xffff  }
0x66: {  	v41 =	vadd.s32 v23, v41;
	v32 =	vld.idx.msk [tilespmem:v32+s26+$0x0], $0xffff;
	v40 =	vshll.u32 v55, $0x9;
	v60 =	vadd.s32 s0, v5;
	[tilespmem:s28+$0x9C0] =	vst v33  }
0x67: {  	v56 =	vadd.s32 v14, v40;
	v61 =	vshll.u32 v60, $0x9;
	[tilespmem:s28+$0xFFFFFFC0] =	vst v34;
	v62 =	vld.idx.msk [tilespmem:v46+s26+$0x0], $0xffff  }
0x68: {  	v53 =	vadd.s32 s30, v5;
	v63 =	vadd.s32 v16, v61;
	[tilespmem:s7+$0xFFFFFFD0] =	vst v38;
	v38 =	vld.idx.msk [tilespmem:v57+s26+$0x0], $0xffff  }
0x69: {  	v35 =	vadd.s32 v22, v54;
	v46 =	vshll.u32 v53, $0x9;
	v47 =	vld.idx.msk [tilespmem:v47+s26+$0x0], $0xffff  }
0x6a: {  	v51 =	vadd.s32 s3, v8;
	v59 =	vld.idx.msk [tilespmem:v45+s26+$0x0], $0xffff;
	v48 =	vadd.s32 v16, v46;
	[tilespmem:s7+$0x30] =	vst v39  }
0x6b: {  	v37 =	vadd.s32 v22, v58;
	[tilespmem:s29+$0x9B0] =	vst v32;
	s3 =	simm.s32 $0x7;
	v52 =	vshll.u32 v51, $0x9;
	v41 =	vld.idx.msk [tilespmem:v41+s26+$0x0], $0xffff  }
0x6c: {  	v42 =	vld.idx.msk [tilespmem:v56+s26+$0x0], $0xffff;
	v55 =	vadd.s32 s3, v4;
	v54 =	vadd.s32 v19, v52;
	[tilespmem:s28+$0x20] =	vst v62  }
0x6d: {  	v36 =	vadd.s32 v23, v36;
	v57 =	vshll.u32 v55, $0x9;
	v39 =	vld.idx.msk [tilespmem:v63+s26+$0x0], $0xffff;
	[tilespmem:s29+$0xFFFFFFB0] =	vst v38  }
0x6e: {  	v58 =	vadd.s32 s22, v7;
	v43 =	vadd.s32 v14, v57;
	[tilespmem:s28+$0xFFFFF620] =	vst v47;
	v35 =	vld.idx.msk [tilespmem:v35+s26+$0x0], $0xffff  }
0x6f: {  	v33 =	vadd.s32 v21, v61;
	[tilespmem:s7+$0xFFFFF630] =	vst v59;
	v59 =	vshll.u32 v58, $0x9;
	v48 =	vld.idx.msk [tilespmem:v48+s26+$0x0], $0xffff  }
0x70: {  	v37 =	vld.idx.msk [tilespmem:v37+s26+$0x0], $0xffff;
	v60 =	vadd.s32 v18, v59;
	[tilespmem:s7+$0x9E0] =	vst v41  }
0x71: {  	v46 =	vadd.s32 v21, v46;
	v62 =	vadd.s32 s31, v7;
	v34 =	vld.idx.msk [tilespmem:v54+s26+$0x0], $0xffff  }
0x72: {  	v61 =	vadd.s32 s26, v8;
	v44 =	vadd.s32 v24, v52;
	v45 =	vshll.u32 v62, $0x9;
	v56 =	vld.idx.msk [tilespmem:v36+s26+$0x0], $0xffff;
	[tilespmem:s29+$0x10] =	vst v39  }
0x73: {  	s10 =	simm.s32 $0x8;
	v49 =	vshll.u32 v61, $0x9;
	v50 =	vadd.s32 v18, v45;
	v43 =	vld.idx.msk [tilespmem:v43+s26+$0x0], $0xffff;
	[tilespmem:s28+$0x9D0] =	vst v35  }
0x74: {  	v55 =	vadd.s32 s10, v4;
	v63 =	vadd.s32 v19, v49;
	v33 =	vld.idx.msk [tilespmem:v33+s26+$0x0], $0xffff;
	[tilespmem:s29+$0xFFFFF610] =	vst v48  }
0x75: {  	v51 =	vadd.s32 v20, v57;
	v32 =	vshll.u32 v55, $0x9;
	[tilespmem:s28+$0xFFFFFFD0] =	vst v37;
	v54 =	vadd.s32 s0, v6;
	v38 =	vld.idx.msk [tilespmem:v60+s26+$0x0], $0xffff  }
0x76: {  	v57 =	vadd.s32 v14, v32;
	v46 =	vld.idx.msk [tilespmem:v46+s26+$0x0], $0xffff;
	v52 =	vshll.u32 v54, $0x9;
	[tilespmem:s7+$0x40] =	vst v34  }
0x77: {  	[tilespmem:s7+$0xFFFFFFE0] =	vst v56;
	v56 =	vadd.s32 v17, v52;
	v44 =	vld.idx.msk [tilespmem:v44+s26+$0x0], $0xffff  }
0x78: {  	s9 =	simm.s32 $0x8E00;
	v58 =	vadd.s32 s30, v6;
	v41 =	vadd.s32 v23, v59;
	v50 =	vld.idx.msk [tilespmem:v50+s26+$0x0], $0xffff  }
0x79: {  	v59 =	vadd.s32 v20, v40;
	v35 =	vshll.u32 v58, $0x9;
	v36 =	vld.idx.msk [tilespmem:v63+s26+$0x0], $0xffff;
	[tilespmem:s9+$0x0] =	vst v43  }
0x7a: {  	v61 =	vadd.s32 s3, v5;
	v60 =	vadd.s32 v17, v35;
	v39 =	vld.idx.msk [tilespmem:v51+s26+$0x0], $0xffff;
	[tilespmem:s29+$0x9C0] =	vst v33  }
0x7b: {  	v45 =	vadd.s32 v23, v45;
	v37 =	vshll.u32 v61, $0x9;
	v33 =	vld.idx.msk [tilespmem:v57+s26+$0x0], $0xffff;
	[tilespmem:s28+$0x30] =	vst v38  }
0x7c: {  	v62 =	vadd.s32 s22, v8;
	v40 =	vld.idx.msk [tilespmem:v56+s26+$0x0], $0xffff;
	[tilespmem:s7+$0x9F0] =	vst v44;
	v44 =	vadd.s32 v16, v37  }
0x7d: {  	[tilespmem:s9+$0xFFFFF600] =	vst v42;
	v42 =	vadd.s32 v22, v52;
	v34 =	vshll.u32 v62, $0x9;
	v41 =	vld.idx.msk [tilespmem:v41+s26+$0x0], $0xffff  }
0x7e: {  	v63 =	vadd.s32 s1, v5;
	v47 =	vld.idx.msk [tilespmem:v59+s26+$0x0], $0xffff;
	[tilespmem:s29+$0xFFFFFFC0] =	vst v46;
	v43 =	vadd.s32 v19, v34  }
0x7f: {  	s12 =	simm.s32 $0xA;
	s22 =	simm.s32 $0x9;
	v48 =	vadd.s32 v24, v49;
	v38 =	vshll.u32 v63, $0x9;
	[tilespmem:s28+$0xFFFFF630] =	vst v50;
	v46 =	vld.idx.msk [tilespmem:v60+s26+$0x0], $0xffff  }
.LBB2_3:
0x80: {  	p1 =	slt.u32 s12, $0xE;
	v49 =	vadd.s32 s22, v4;
	v50 =	vadd.s32 v16, v38;
	[tilespmem:s9+$0x9B0] =	vst v39;
	v39 =	vld.idx.msk [tilespmem:v45+s26+$0x0], $0xffff  }
0x81: {  	v35 =	vadd.s32 v22, v35;
	v45 =	vshll.u32 v49, $0x9;
	v44 =	vld.idx.msk [tilespmem:v44+s26+$0x0], $0xffff;
	[tilespmem:s29+$0x20] =	vst v40  }
0x82: {  	v49 =	vadd.s32 s0, v7;
	v40 =	vadd.s32 v14, v45;
	v42 =	vld.idx.msk [tilespmem:v42+s26+$0x0], $0xffff;
	[tilespmem:s28+$0x9E0] =	vst v41  }
0x83: {  	v37 =	vadd.s32 v21, v37;
	v41 =	vshll.u32 v49, $0x9;
	v43 =	vld.idx.msk [tilespmem:v43+s26+$0x0], $0xffff;
	[tilespmem:s7+$0xFFFFF640] =	vst v36  }
0x84: {  	v36 =	vadd.s32 v18, v41;
	[tilespmem:s9+$0xFFFFFFB0] =	vst v47;
	v47 =	vadd.s32 s31, v8;
	v48 =	vld.idx.msk [tilespmem:v48+s26+$0x0], $0xffff;
	s31 =	smov.u32 s30;
	s30 =	smov.u32 s1;
	s1 =	smov.u32 s10  }
0x85: {  	v34 =	vadd.s32 v24, v34;
	s10 =	smov.u32 s12;
	v49 =	vld.idx.msk [tilespmem:v50+s26+$0x0], $0xffff;
	[tilespmem:s29+$0xFFFFF620] =	vst v46;
	v50 =	vshll.u32 v47, $0x9  }
0x86: {  	v46 =	vadd.s32 s31, v7;
	v35 =	vld.idx.msk [tilespmem:v35+s26+$0x0], $0xffff;
	[tilespmem:s28+$0xFFFFFFE0] =	vst v39;
	v39 =	vadd.s32 v19, v50  }
0x87: {  	v38 =	vadd.s32 v21, v38;
	v40 =	vld.idx.msk [tilespmem:v40+s26+$0x0], $0xffff;
	[tilespmem:s9+$0x10] =	vst v44;
	v44 =	vshll.u32 v46, $0x9  }
0x88: {  	v46 =	vadd.s32 s3, v6;
	v37 =	vld.idx.msk [tilespmem:v37+s26+$0x0], $0xffff;
	v47 =	vadd.s32 v18, v44;
	[tilespmem:s29+$0x9D0] =	vst v42  }
0x89: {  	v42 =	vadd.s32 v20, v45;
	v46 =	vshll.u32 v46, $0x9;
	v51 =	vld.idx.msk [tilespmem:v36+s26+$0x0], $0xffff;
	[tilespmem:s28+$0x40] =	vst v43  }
0x8a: {  	v36 =	vadd.s32 s12, v4;
	v43 =	vadd.s32 v17, v46;
	v34 =	vld.idx.msk [tilespmem:v34+s26+$0x0], $0xffff;
	[tilespmem:s7+$0xFFFFFFF0] =	vst v48;
	s7 =	smov.u32 s28;
	s28 =	smov.u32 s29;
	s29 =	smov.u32 s9  }
0x8b: {  	v41 =	vadd.s32 v23, v41;
	v45 =	vshll.u32 v36, $0x9;
	[tilespmem:s9+$0xFFFFF610] =	vst v49;
	v36 =	vld.idx.msk [tilespmem:v39+s26+$0x0], $0xffff  }
0x8c: {  	v48 =	vadd.s32 v14, v45;
	v39 =	vadd.s32 s30, v6;
	s9 =	sadd.s32 $0x1400, s9;
	v38 =	vld.idx.msk [tilespmem:v38+s26+$0x0], $0xffff;
	[tilespmem:s28+$0xFFFFFFD0] =	vst v35  }
0x8d: {  	v49 =	vadd.s32 v20, v32;
	v32 =	vmov v45;
	v35 =	vshll.u32 v39, $0x9;
	[tilespmem:s9+$0x0] =	vst v40;
	v52 =	vld.idx.msk [tilespmem:v47+s26+$0x0], $0xffff  }
0x8e: {  	v40 =	vadd.s32 s22, v5;
	v53 =	vadd.s32 v17, v35;
	v39 =	vld.idx.msk [tilespmem:v42+s26+$0x0], $0xffff;
	[tilespmem:s29+$0x9C0] =	vst v37  }
.Ltmp2:
0x8f: {  	v45 =	vadd.s32 v23, v44;
	v37 =	vshll.u32 v40, $0x9;
	v40 =	vld.idx.msk [tilespmem:v43+s26+$0x0], $0xffff;
	[tilespmem:s28+$0x30] =	vst v51;
	(pc) =	sbr.rel @p1 .LBB2_3-.Ltmp2, $4  }
0x90: {  	v44 =	vadd.s32 v16, v37;
	v43 =	vadd.s32 s0, v8;
	s0 =	smov.u32 s3;
	v41 =	vld.idx.msk [tilespmem:v41+s26+$0x0], $0xffff;
	[tilespmem:s7+$0x9F0] =	vst v34  }
0x91: {  	v42 =	vadd.s32 v22, v46;
	s3 =	smov.u32 s22;
	v34 =	vshll.u32 v43, $0x9;
	[tilespmem:s9+$0xFFFFF600] =	vst v33;
	v33 =	vld.idx.msk [tilespmem:v48+s26+$0x0], $0xffff  }
0x92: {  	v46 =	vadd.s32 s1, v5;
	v43 =	vadd.s32 v19, v34;
	v47 =	vld.idx.msk [tilespmem:v49+s26+$0x0], $0xffff;
	[tilespmem:s29+$0xFFFFFFC0] =	vst v38  }
0x93: {  	s12 =	sadd.s32 $0x2, s12;
	s22 =	sadd.s32 $0x1, s10;
	v48 =	vadd.s32 v24, v50;
	v38 =	vshll.u32 v46, $0x9;
	v46 =	vld.idx.msk [tilespmem:v53+s26+$0x0], $0xffff;
	[tilespmem:s28+$0xFFFFF630] =	vst v52  }
0x94: {  	v49 =	vadd.s32 s22, v4  }
0x95: {  	v49 =	vshll.u32 v49, $0x9  }
0x96: {  	v50 =	vadd.s32 v14, v49;
	_ =	sdelay $0x4  }
0x97: {  	[tilespmem:s7+$0xFFFFF640] =	vst v36;
	v32 =	vadd.s32 v20, v32;
	v55 =	vld.idx.msk [tilespmem:v50+s26+$0x0], $0xffff  }
0x98: {  	v36 =	vld.idx.msk [tilespmem:v48+s26+$0x0], $0xffff;
	v49 =	vadd.s32 v20, v49;
	_ =	sdelay $0x1  }
0x99: {  	s21 =	sadd.s32 $0x1400, s9;
	[tilespmem:s9+$0x9B0] =	vst v39  }
0x9a: {  	v57 =	vadd.s32 v16, v38;
	v58 =	vadd.s32 s10, v5;
	[tilespmem:s21+$0xFFFFF600] =	vst v33  }
0x9b: {  	v56 =	vadd.s32 s22, v5;
	v33 =	vshll.u32 v58, $0x9;
	v32 =	vld.idx.msk [tilespmem:v32+s26+$0x0], $0xffff;
	[tilespmem:s21+$0x0] =	vst v55  }
0x9c: {  	v60 =	vadd.s32 v16, v33;
	[tilespmem:s7+$0xFFFFFFF0] =	vst v36;
	v36 =	vshll.u32 v56, $0x9;
	v49 =	vld.idx.msk [tilespmem:v49+s26+$0x0], $0xffff  }
0x9d: {  	[tilespmem:s29+$0x20] =	vst v40;
	v59 =	vadd.s32 v16, v36  }
0x9e: {  	v61 =	vld.idx.msk [tilespmem:v44+s26+$0x0], $0xffff;
	[tilespmem:s9+$0xFFFFFFB0] =	vst v47  }
0x9f: {  	v37 =	vadd.s32 v21, v37;
	[tilespmem:s28+$0x9E0] =	vst v41;
	v62 =	vld.idx.msk [tilespmem:v57+s26+$0x0], $0xffff  }
0xa0: {  	v45 =	vld.idx.msk [tilespmem:v45+s26+$0x0], $0xffff;
	v63 =	vadd.s32 v21, v38;
	[tilespmem:s21+$0xFFFFFFB0] =	vst v32  }
0xa1: {  	[tilespmem:s21+$0x9B0] =	vst v49;
	v49 =	vld.idx.msk [tilespmem:v60+s26+$0x0], $0xffff  }
0xa2: {  	v33 =	vadd.s32 v21, v33;
	[tilespmem:s29+$0xFFFFF620] =	vst v46;
	v39 =	vld.idx.msk [tilespmem:v59+s26+$0x0], $0xffff  }
0xa3: {  	v52 =	vadd.s32 s3, v6;
	v43 =	vld.idx.msk [tilespmem:v43+s26+$0x0], $0xffff;
	[tilespmem:s9+$0x10] =	vst v61;
	v48 =	vadd.s32 v21, v36  }
0xa4: {  	v35 =	vadd.s32 v22, v35;
	v54 =	vadd.s32 s1, v6;
	v41 =	vshll.u32 v52, $0x9;
	v37 =	vld.idx.msk [tilespmem:v37+s26+$0x0], $0xffff;
	[tilespmem:s9+$0xFFFFF610] =	vst v62  }
0xa5: {  	v44 =	vshll.u32 v54, $0x9;
	[tilespmem:s28+$0xFFFFFFE0] =	vst v45;
	v38 =	vld.idx.msk [tilespmem:v63+s26+$0x0], $0xffff;
	v55 =	vadd.s32 v17, v41  }
0xa6: {  	v58 =	vadd.s32 s10, v6;
	v57 =	vadd.s32 v17, v44;
	v50 =	vld.idx.msk [tilespmem:v42+s26+$0x0], $0xffff;
	[tilespmem:s21+$0xFFFFF610] =	vst v49  }
0xa7: {  	v34 =	vadd.s32 v24, v34;
	v56 =	vadd.s32 s22, v6;
	v36 =	vshll.u32 v58, $0x9;
	[tilespmem:s21+$0x10] =	vst v39;
	v33 =	vld.idx.msk [tilespmem:v33+s26+$0x0], $0xffff  }
0xa8: {  	v51 =	vadd.s32 s0, v7;
	[tilespmem:s28+$0x40] =	vst v43;
	v61 =	vadd.s32 v17, v36;
	v39 =	vshll.u32 v56, $0x9;
	v32 =	vld.idx.msk [tilespmem:v48+s26+$0x0], $0xffff  }
0xa9: {  	v35 =	vld.idx.msk [tilespmem:v35+s26+$0x0], $0xffff;
	v42 =	vshll.u32 v51, $0x9;
	[tilespmem:s9+$0x9C0] =	vst v37;
	v59 =	vadd.s32 v17, v39  }
0xaa: {  	v53 =	vadd.s32 v18, v42;
	[tilespmem:s9+$0xFFFFFFC0] =	vst v38;
	v46 =	vld.idx.msk [tilespmem:v55+s26+$0x0], $0xffff  }
0xab: {  	v63 =	vadd.s32 v22, v41;
	[tilespmem:s29+$0x9D0] =	vst v50;
	v60 =	vadd.s32 s30, v7;
	v49 =	vld.idx.msk [tilespmem:v57+s26+$0x0], $0xffff  }
0xac: {  	v34 =	vld.idx.msk [tilespmem:v34+s26+$0x0], $0xffff;
	v50 =	vadd.s32 v22, v44;
	v48 =	vshll.u32 v60, $0x9;
	[tilespmem:s21+$0xFFFFFFC0] =	vst v33  }
0xad: {  	v62 =	vadd.s32 v18, v48;
	[tilespmem:s21+$0x9C0] =	vst v32;
	v52 =	vld.idx.msk [tilespmem:v61+s26+$0x0], $0xffff  }
0xae: {  	v36 =	vadd.s32 v22, v36;
	[tilespmem:s29+$0xFFFFFFD0] =	vst v35;
	v40 =	vld.idx.msk [tilespmem:v59+s26+$0x0], $0xffff  }
0xaf: {  	v45 =	vld.idx.msk [tilespmem:v53+s26+$0x0], $0xffff;
	v53 =	vadd.s32 s31, v8;
	[tilespmem:s9+$0x20] =	vst v46;
	v51 =	vadd.s32 v22, v39  }
0xb0: {  	v54 =	vadd.s32 s3, v7;
	v42 =	vadd.s32 v23, v42;
	v38 =	vld.idx.msk [tilespmem:v63+s26+$0x0], $0xffff;
	v39 =	vshll.u32 v53, $0x9;
	[tilespmem:s9+$0xFFFFF620] =	vst v49  }
0xb1: {  	v43 =	vshll.u32 v54, $0x9;
	[tilespmem:s28+$0x9F0] =	vst v34;
	v56 =	vadd.s32 s1, v7;
	v55 =	vadd.s32 v19, v39;
	v32 =	vld.idx.msk [tilespmem:v50+s26+$0x0], $0xffff  }
0xb2: {  	v57 =	vadd.s32 v18, v43;
	v41 =	vshll.u32 v56, $0x9;
	v60 =	vadd.s32 s10, v7;
	v37 =	vld.idx.msk [tilespmem:v62+s26+$0x0], $0xffff;
	[tilespmem:s21+$0xFFFFF620] =	vst v52  }
0xb3: {  	v58 =	vadd.s32 s22, v7;
	v35 =	vshll.u32 v60, $0x9;
	v59 =	vadd.s32 v18, v41;
	[tilespmem:s21+$0x20] =	vst v40;
	v36 =	vld.idx.msk [tilespmem:v36+s26+$0x0], $0xffff  }
0xb4: {  	[tilespmem:s29+$0x30] =	vst v45;
	v63 =	vadd.s32 v18, v35;
	v40 =	vshll.u32 v58, $0x9;
	v33 =	vld.idx.msk [tilespmem:v51+s26+$0x0], $0xffff  }
0xb5: {  	v42 =	vld.idx.msk [tilespmem:v42+s26+$0x0], $0xffff;
	[tilespmem:s9+$0x9D0] =	vst v38;
	v61 =	vadd.s32 v18, v40  }
0xb6: {  	v48 =	vadd.s32 v23, v48;
	v44 =	vld.idx.msk [tilespmem:v55+s26+$0x0], $0xffff;
	[tilespmem:s9+$0xFFFFFFD0] =	vst v32  }
0xb7: {  	v39 =	vadd.s32 v24, v39;
	v45 =	vld.idx.msk [tilespmem:v57+s26+$0x0], $0xffff;
	[tilespmem:s29+$0xFFFFF630] =	vst v37  }
0xb8: {  	v52 =	vld.idx.msk [tilespmem:v59+s26+$0x0], $0xffff;
	v51 =	vadd.s32 v23, v43;
	[tilespmem:s21+$0xFFFFFFD0] =	vst v36  }
0xb9: {  	v53 =	vadd.s32 v23, v41;
	[tilespmem:s21+$0x9D0] =	vst v33;
	v37 =	vld.idx.msk [tilespmem:v63+s26+$0x0], $0xffff  }
0xba: {  	[tilespmem:s29+$0x9E0] =	vst v42;
	v35 =	vadd.s32 v23, v35;
	v62 =	vadd.s32 s0, v8;
	v34 =	vld.idx.msk [tilespmem:v61+s26+$0x0], $0xffff  }
0xbb: {  	v56 =	vadd.s32 s30, v8;
	v47 =	vshll.u32 v62, $0x9;
	[tilespmem:s28+$0xFFFFF640] =	vst v44;
	v54 =	vadd.s32 v23, v40;
	v55 =	vld.idx.msk [tilespmem:v48+s26+$0x0], $0xffff  }
0xbc: {  	v57 =	vadd.s32 s3, v8;
	v41 =	vshll.u32 v56, $0x9;
	v50 =	vadd.s32 v19, v47;
	[tilespmem:s9+$0x30] =	vst v45;
	v39 =	vld.idx.msk [tilespmem:v39+s26+$0x0], $0xffff  }
0xbd: {  	v42 =	vshll.u32 v57, $0x9;
	v58 =	vadd.s32 v19, v41;
	v59 =	vadd.s32 s1, v8;
	[tilespmem:s9+$0xFFFFF630] =	vst v52;
	v32 =	vld.idx.msk [tilespmem:v51+s26+$0x0], $0xffff  }
0xbe: {  	v60 =	vadd.s32 v19, v42;
	v43 =	vshll.u32 v59, $0x9;
	v33 =	vld.idx.msk [tilespmem:v53+s26+$0x0], $0xffff;
	v63 =	vadd.s32 s10, v8;
	[tilespmem:s21+$0xFFFFF630] =	vst v37  }
0xbf: {  	v62 =	vadd.s32 v19, v43;
	v61 =	vadd.s32 s22, v8;
	v37 =	vshll.u32 v63, $0x9;
	[tilespmem:s21+$0x30] =	vst v34;
	v35 =	vld.idx.msk [tilespmem:v35+s26+$0x0], $0xffff  }
0xc0: {  	[tilespmem:s29+$0xFFFFFFE0] =	vst v55;
	v34 =	vshll.u32 v61, $0x9;
	v49 =	vadd.s32 v19, v37;
	v36 =	vld.idx.msk [tilespmem:v54+s26+$0x0], $0xffff  }
0xc1: {  	v38 =	vld.idx.msk [tilespmem:v50+s26+$0x0], $0xffff;
	[tilespmem:s28+$0xFFFFFFF0] =	vst v39;
	v48 =	vadd.s32 v19, v34  }
0xc2: {  	v47 =	vadd.s32 v24, v47;
	v44 =	vld.idx.msk [tilespmem:v58+s26+$0x0], $0xffff;
	[tilespmem:s9+$0x9E0] =	vst v32  }
0xc3: {  	v50 =	vadd.s32 v24, v41;
	[tilespmem:s9+$0xFFFFFFE0] =	vst v33;
	v51 =	vld.idx.msk [tilespmem:v60+s26+$0x0], $0xffff  }
0xc4: {  	v52 =	vadd.s32 v24, v42;
	v53 =	vld.idx.msk [tilespmem:v62+s26+$0x0], $0xffff;
	[tilespmem:s21+$0xFFFFFFE0] =	vst v35  }
0xc5: {  	v54 =	vadd.s32 v24, v43;
	[tilespmem:s21+$0x9E0] =	vst v36;
	v35 =	vld.idx.msk [tilespmem:v49+s26+$0x0], $0xffff  }
0xc6: {  	[tilespmem:s29+$0x40] =	vst v38;
	v37 =	vadd.s32 v24, v37;
	v40 =	vld.idx.msk [tilespmem:v48+s26+$0x0], $0xffff  }
0xc7: {  	v55 =	vld.idx.msk [tilespmem:v47+s26+$0x0], $0xffff;
	[tilespmem:s29+$0xFFFFF640] =	vst v44;
	v34 =	vadd.s32 v24, v34  }
0xc8: {  	v32 =	vld.idx.msk [tilespmem:v50+s26+$0x0], $0xffff;
	[tilespmem:s9+$0x40] =	vst v51  }
0xc9: {  	s23 =	simm.s32 $0x10;
	[tilespmem:s9+$0xFFFFF640] =	vst v53;
	v33 =	vld.idx.msk [tilespmem:v52+s26+$0x0], $0xffff  }
0xca: {  	v56 =	vadd.s32 s23, v9;
	v36 =	vld.idx.msk [tilespmem:v54+s26+$0x0], $0xffff;
	[tilespmem:s21+$0xFFFFF640] =	vst v35  }
0xcb: {  	v57 =	vand.u32 $0xFFFFFFF8, v56;
	[tilespmem:s21+$0x40] =	vst v40;
	v37 =	vld.idx.msk [tilespmem:v37+s26+$0x0], $0xffff  }
0xcc: {  	v31 =	vadd.s32 v31, v57;
	[tilespmem:s29+$0x9F0] =	vst v55;
	v34 =	vld.idx.msk [tilespmem:v34+s26+$0x0], $0xffff  }
0xcd: {  	v31 =	vor.u32 v25, v31;
	[tilespmem:s29+$0xFFFFFFF0] =	vst v32  }
0xce: {  	[tilespmem:s9+$0x9F0] =	vst v33  }
0xcf: {  	[tilespmem:s9+$0xFFFFFFF0] =	vst v36  }
0xd0: {  	v59 =	vadd.s32 s26, v5;
	v58 =	vadd.s32 s23, v10;
	[tilespmem:s21+$0xFFFFFFF0] =	vst v37  }
0xd1: {  	v32 =	vand.u32 $0xFFFFFFF8, v58;
	v33 =	vshll.u32 v59, $0x9;
	[tilespmem:s21+$0x9F0] =	vst v34  }
0xd2: {  	s30 =	smul.u32 $0x2800, s26;
	s0 =	simm.s32 $0x1;
	v32 =	vadd.s32 v33, v32;
	v31 =	vld.idx.msk [tilespmem:v31+s8+$0x0], $0xffff  }
0xd3: {  	s31 =	smul.u32 $0x140, s0;
	v32 =	vor.u32 v26, v32;
	_ =	sdelay $0x1  }
0xd4: {  	s3 =	sshra.s32 s30, $0x2;
	s7 =	sshra.s32 s31, $0x2  }
0xd5: {  	s28 =	sadd.s32 s7, s3;
	v60 =	vadd.s32 s26, v6;
	v61 =	vadd.s32 s23, v11  }
0xd6: {  	v33 =	vshll.u32 v60, $0x9;
	v34 =	vand.u32 $0xFFFFFFF8, v61;
	[tilespmem:s28+$0x4800] =	vst v31  }
0xd7: {  	v31 =	vadd.s32 v33, v34;
	v32 =	vld.idx.msk [tilespmem:v32+s8+$0x0], $0xffff  }
0xd8: {  	p2 =	por $0x1, $0x1;
	v31 =	vor.u32 v27, v31  }
.Ltmp3:
0xd9: {  	_ = 	snop;
	(pc) =	sbr.rel @!p2 .LBB2_5-.Ltmp3, $4  }
0xda: {  	v63 =	vadd.s32 s23, v12;
	v62 =	vadd.s32 s26, v7  }
0xdb: {  	v34 =	vand.u32 $0xFFFFFFF8, v63;
	v33 =	vshll.u32 v62, $0x9  }
0xdc: {  	v33 =	vadd.s32 v33, v34;
	[tilespmem:s28+$0x4810] =	vst v32  }
0xdd: {  	p1 =	por $0x0, $0x0;
	v38 =	vadd.s32 s26, v8;
	v44 =	vadd.s32 s23, v13;
	v32 =	vld.idx.msk [tilespmem:v31+s8+$0x0], $0xffff;
	v31 =	vor.u32 v28, v33  }
0xde: {  	v33 =	vand.u32 $0xFFFFFFF8, v44;
	s13 =	simm.s32 $0x2;
	v34 =	vshll.u32 v38, $0x9;
	p1 =	por $0x0, $0x0;
	s0 =	simm.s32 $0x1  }
0xdf: {  	v33 =	vadd.s32 v34, v33;
	s0 =	simm.s32 @!p1 $0x0;
	s13 =	simm.s32 @p1 $0x1  }
0xe0: {  	v33 =	vor.u32 v29, v33;
	s1 =	sadd.s32 $0x0, s0;
	s3 =	sshll.u32 s13, $0x4  }
0xe1: {  	s23 =	sadd.s32 $0x1, s13;
	v62 =	vadd.s32 s1, v4;
	v35 =	vadd.s32 s3, v9;
	v36 =	vadd.s32 s1, v5  }
0xe2: {  	s0 =	simm.s32 $0x1;
	p1 =	seq.s32 s23, $0x1F;
	v37 =	vadd.s32 s3, v10;
	v35 =	vand.u32 $0xFFFFFFF8, v35;
	v34 =	vshll.u32 v62, $0x9  }
0xe3: {  	s0 =	simm.s32 @!p1 $0x0;
	s23 =	simm.s32 @p1 $0x1;
	v63 =	vand.u32 $0xFFFFFFF8, v37;
	v36 =	vshll.u32 v36, $0x9;
	v34 =	vadd.s32 v35, v34  }
0xe4: {  	v59 =	vadd.s32 s1, v6;
	s9 =	sadd.s32 s0, s1;
	s7 =	sshll.u32 s23, $0x4;
	v35 =	vadd.s32 v63, v36;
	v34 =	vor.u32 v25, v34  }
0xe5: {  	v46 =	vadd.s32 s9, v4;
	v47 =	vadd.s32 s7, v9;
	v39 =	vadd.s32 s9, v5  }
0xe6: {  	s16 =	sadd.s32 $0x1, s23;
	v48 =	vadd.s32 s7, v10;
	v35 =	vor.u32 v26, v35;
	v57 =	vadd.s32 s9, v6  }
0xe7: {  	s0 =	simm.s32 $0x1;
	p1 =	seq.s32 s16, $0x1F;
	v60 =	vadd.s32 s7, v11;
	v38 =	vand.u32 $0xFFFFFFF8, v47;
	v37 =	vshll.u32 v46, $0x9  }
0xe8: {  	s0 =	simm.s32 @!p1 $0x0;
	s16 =	simm.s32 @p1 $0x1;
	v39 =	vshll.u32 v39, $0x9;
	v47 =	vadd.s32 s3, v11;
	v37 =	vadd.s32 v38, v37  }
0xe9: {  	[tilespmem:s28+$0x4820] =	vst v32;
	s22 =	sadd.s32 s0, s9;
	s10 =	sshll.u32 s16, $0x4;
	s0 =	sadd.s32 $0x1, s16;
	v38 =	vand.u32 $0xFFFFFFF8, v48;
	v62 =	vand.u32 $0xFFFFFFF8, v47;
	v37 =	vor.u32 v25, v37  }
0xea: {  	s17 =	simm.s32 $0x1;
	v31 =	vld.idx.msk [tilespmem:v31+s8+$0x0], $0xffff;
	v40 =	vadd.s32 s22, v4;
	v41 =	vadd.s32 s10, v9;
	p1 =	seq.s32 s0, $0x1F;
	v42 =	vadd.s32 s22, v5  }
0xeb: {  	v50 =	vadd.s32 s10, v10;
	v41 =	vand.u32 $0xFFFFFFF8, v41;
	v40 =	vshll.u32 v40, $0x9;
	s17 =	simm.s32 @!p1 $0x0;
	s0 =	simm.s32 @p1 $0x1  }
0xec: {  	v38 =	vadd.s32 v38, v39;
	v56 =	vadd.s32 s22, v6;
	s12 =	sshll.u32 s0, $0x4;
	v49 =	vadd.s32 v41, v40;
	s26 =	sadd.s32 s17, s22  }
0xed: {  	v52 =	vadd.s32 s26, v4;
	v43 =	vadd.s32 s12, v9;
	v32 =	vor.u32 v25, v49  }
0xee: {  	s13 =	smul.u32 $0x140, s13;
	v51 =	vshll.u32 v42, $0x9;
	v43 =	vand.u32 $0xFFFFFFF8, v43;
	v42 =	vshll.u32 v52, $0x9  }
0xef: {  	s2 =	smul.u32 $0x2800, s1;
	v58 =	vadd.s32 s10, v11;
	[tilespmem:s28+$0x4830] =	vst v31;
	v38 =	vor.u32 v26, v38;
	v42 =	vadd.s32 v42, v43  }
0xf0: {  	s23 =	smul.u32 $0x140, s23;
	v36 =	vshll.u32 v56, $0x9;
	v40 =	vand.u32 $0xFFFFFFF8, v50;
	v33 =	vld.idx.msk [tilespmem:v33+s8+$0x0], $0xffff;
	v42 =	vor.u32 v25, v42  }
0xf1: {  	s30 =	smul.u32 $0x2800, s9;
	v41 =	vand.u32 $0xFFFFFFF8, v58;
	v50 =	vadd.s32 s9, v7;
	v53 =	vadd.s32 s12, v10  }
0xf2: {  	s16 =	smul.u32 $0x140, s16;
	v54 =	vadd.s32 s26, v5;
	v55 =	vadd.s32 v40, v51;
	v45 =	vadd.s32 s26, v6;
	v32 =	vld.idx.msk [tilespmem:v32+s8+$0x0], $0xffff  }
0xf3: {  	s13 =	sshra.s32 s13, $0x2;
	s29 =	smul.u32 $0x2800, s22;
	v46 =	vadd.s32 s12, v11;
	v40 =	vshll.u32 v57, $0x9;
	v39 =	vor.u32 v26, v55;
	v37 =	vld.idx.msk [tilespmem:v37+s8+$0x0], $0xffff  }
0xf4: {  	s20 =	sshra.s32 s23, $0x2;
	s16 =	sshra.s32 s16, $0x2;
	v34 =	vld.idx.msk [tilespmem:v34+s8+$0x0], $0xffff;
	s21 =	smul.u32 $0x140, s0;
	v36 =	vadd.s32 v41, v36;
	v44 =	vand.u32 $0xFFFFFFF8, v53;
	v43 =	vshll.u32 v54, $0x9  }
0xf5: {  	s17 =	sshra.s32 s2, $0x2;
	s11 =	smul.u32 $0x2800, s26;
	v51 =	vadd.s32 s22, v7;
	v56 =	vadd.s32 s26, v7;
	v31 =	vadd.s32 v43, v44;
	[tilespmem:s28+$0x4840] =	vst v33;
	s28 =	sshra.s32 s29, $0x2;
	v63 =	vld.idx.msk [tilespmem:v42+s8+$0x0], $0xffff  }
0xf6: {  	v57 =	vadd.s32 s12, v12;
	v41 =	vadd.s32 s1, v8;
	v31 =	vor.u32 v26, v31;
	s29 =	sadd.s32 s13, s17;
	s17 =	sshra.s32 s30, $0x2;
	s31 =	sadd.s32 s16, s28  }
0xf7: {  	v61 =	vand.u32 $0xFFFFFFF8, v46;
	v45 =	vshll.u32 v45, $0x9;
	v36 =	vor.u32 v27, v36;
	s30 =	sadd.s32 s20, s17;
	[tilespmem:s31+$0x4800] =	vst v32  }
0xf8: {  	s23 =	sshra.s32 s21, $0x2;
	v52 =	vadd.s32 s10, v12;
	v53 =	vadd.s32 s1, v7;
	v44 =	vand.u32 $0xFFFFFFF8, v60;
	s13 =	sshra.s32 s11, $0x2;
	[tilespmem:s30+$0x4800] =	vst v37;
	v39 =	vld.idx.msk [tilespmem:v39+s8+$0x0], $0xffff  }
0xf9: {  	v55 =	vadd.s32 s7, v12;
	v43 =	vshll.u32 v59, $0x9;
	v40 =	vadd.s32 v44, v40;
	[tilespmem:s29+$0x4800] =	vst v34;
	s28 =	sadd.s32 s23, s13;
	v38 =	vld.idx.msk [tilespmem:v38+s8+$0x0], $0xffff  }
0xfa: {  	v58 =	vand.u32 $0xFFFFFFF8, v57;
	v48 =	vadd.s32 v62, v43;
	v40 =	vor.u32 v27, v40;
	v35 =	vld.idx.msk [tilespmem:v35+s8+$0x0], $0xffff;
	[tilespmem:s28+$0x4800] =	vst v63  }
0xfb: {  	v47 =	vadd.s32 v45, v61;
	v54 =	vadd.s32 s3, v12;
	v49 =	vor.u32 v27, v48;
	v31 =	vld.idx.msk [tilespmem:v31+s8+$0x0], $0xffff  }
0xfc: {  	v45 =	vand.u32 $0xFFFFFFF8, v55;
	v33 =	vshll.u32 v50, $0x9;
	v32 =	vor.u32 v27, v47  }
0xfd: {  	v44 =	vand.u32 $0xFFFFFFF8, v54;
	v43 =	vshll.u32 v53, $0x9;
	v34 =	vshll.u32 v56, $0x9;
	[tilespmem:s31+$0x4810] =	vst v39  }
0xfe: {  	p2 =	por $0x1, $0x1;
	v60 =	vadd.s32 v45, v33;
	v37 =	vshll.u32 v51, $0x9;
	v42 =	vand.u32 $0xFFFFFFF8, v52;
	[tilespmem:s30+$0x4810] =	vst v38;
	v59 =	vld.idx.msk [tilespmem:v36+s8+$0x0], $0xffff  }
.Ltmp4:
0xff: {  	v62 =	vadd.s32 v44, v43;
	v43 =	vadd.s32 s3, v13;
	v37 =	vadd.s32 v42, v37;
	[tilespmem:s29+$0x4810] =	vst v35;
	v35 =	vld.idx.msk [tilespmem:v40+s8+$0x0], $0xffff;
	(pc) =	sbr.rel @!p2 .LBB2_8-.Ltmp4, $4  }
0x100: {  	v45 =	vadd.s32 s7, v13;
	v44 =	vadd.s32 s12, v13;
	v37 =	vor.u32 v28, v37;
	v36 =	vld.idx.msk [tilespmem:v49+s8+$0x0], $0xffff;
	[tilespmem:s28+$0x4810] =	vst v31  }
0x101: {  	v61 =	vadd.s32 v34, v58;
	v33 =	vor.u32 v28, v62;
	v34 =	vor.u32 v28, v60;
	v32 =	vld.idx.msk [tilespmem:v32+s8+$0x0], $0xffff  }
0x102: {  	v42 =	vadd.s32 s9, v8;
	v63 =	vadd.s32 s10, v13;
	v38 =	vadd.s32 s26, v8  }
0x103: {  	p1 =	por $0x1, $0x1;
	s1 =	simm.s32 $0x4;
	v40 =	vand.u32 $0xFFFFFFF8, v63;
	v39 =	vadd.s32 s22, v8;
	v31 =	vor.u32 v28, v61;
	[tilespmem:s31+$0x4820] =	vst v59  }
.LBB2_7:
0x104: {  	s1 =	sadd.s32 $0x4, s1;
	[tilespmem:s30+$0x4820] =	vst v35;
	v35 =	vand.u32 $0xFFFFFFF8, v45;
	v42 =	vshll.u32 v42, $0x9;
	v39 =	vshll.u32 v39, $0x9;
	s13 =	sadd.s32 $0x1, s0  }
0x105: {  	v44 =	vand.u32 $0xFFFFFFF8, v44;
	v41 =	vshll.u32 v41, $0x9;
	p2 =	slt.u32 s1, $0x1DC;
	[tilespmem:s29+$0x4820] =	vst v36;
	v36 =	vand.u32 $0xFFFFFFF8, v43;
	v37 =	vld.idx.msk [tilespmem:v37+s8+$0x0], $0xffff;
	p3 =	seq.s32 s13, $0x1F  }
0x106: {  	s0 =	simm.s32 $0x1;
	v35 =	vadd.s32 v35, v42;
	[tilespmem:s28+$0x4820] =	vst v32;
	v32 =	vshll.u32 v38, $0x9;
	v34 =	vld.idx.msk [tilespmem:v34+s8+$0x0], $0xffff;
	v38 =	vadd.s32 v40, v39;
	s13 =	simm.s32 @p3 $0x1  }
0x107: {  	s9 =	simm.s32 $0x1;
	s0 =	simm.s32 @!p3 $0x0;
	v36 =	vadd.s32 v36, v41;
	v32 =	vadd.s32 v32, v44;
	v33 =	vld.idx.msk [tilespmem:v33+s8+$0x0], $0xffff;
	v38 =	vor.u32 v29, v38;
	s17 =	sadd.s32 $0x1, s13  }
0x108: {  	v35 =	vor.u32 v29, v35;
	s3 =	sadd.s32 s0, s26;
	s7 =	sshll.u32 s13, $0x4;
	v36 =	vor.u32 v29, v36;
	v31 =	vld.idx.msk [tilespmem:v31+s8+$0x0], $0xffff;
	v32 =	vor.u32 v29, v32;
	p3 =	seq.s32 s17, $0x1F  }
0x109: {  	v39 =	vadd.s32 s3, v4;
	v40 =	vadd.s32 s7, v9;
	s0 =	smul.u32 $0x2800, s3;
	v41 =	vadd.s32 s3, v5;
	s9 =	simm.s32 @!p3 $0x0  }
0x10a: {  	v42 =	vadd.s32 s7, v10;
	v40 =	vand.u32 $0xFFFFFFF8, v40;
	v39 =	vshll.u32 v39, $0x9;
	s17 =	simm.s32 @p3 $0x1;
	s10 =	sadd.s32 s9, s3  }
0x10b: {  	v41 =	vshll.u32 v41, $0x9;
	v39 =	vadd.s32 v40, v39;
	v40 =	vand.u32 $0xFFFFFFF8, v42;
	s9 =	sshll.u32 s17, $0x4;
	s26 =	sadd.s32 $0x1, s17;
	s16 =	sshra.s32 s0, $0x2;
	[tilespmem:s31+$0x4830] =	vst v37  }
0x10c: {  	s0 =	simm.s32 $0x1;
	v37 =	vor.u32 v25, v39;
	v39 =	vadd.s32 s10, v4;
	v42 =	vadd.s32 s9, v9;
	s12 =	smul.u32 $0x2800, s10;
	p3 =	seq.s32 s26, $0x1F;
	[tilespmem:s30+$0x4830] =	vst v34;
	v34 =	vld.idx.msk [tilespmem:v38+s8+$0x0], $0xffff  }
0x10d: {  	s2 =	simm.s32 $0x1;
	v38 =	vand.u32 $0xFFFFFFF8, v42;
	v39 =	vshll.u32 v39, $0x9;
	v42 =	vadd.s32 s10, v5;
	s0 =	simm.s32 @!p3 $0x0;
	s26 =	simm.s32 @p3 $0x1;
	[tilespmem:s29+$0x4830] =	vst v33;
	v33 =	vld.idx.msk [tilespmem:v35+s8+$0x0], $0xffff  }
0x10e: {  	v35 =	vadd.s32 s9, v10;
	s23 =	sadd.s32 s0, s10;
	s22 =	sshll.u32 s26, $0x4;
	s0 =	sadd.s32 $0x1, s26;
	[tilespmem:s28+$0x4830] =	vst v31;
	v31 =	vadd.s32 v38, v39;
	v38 =	vshll.u32 v42, $0x9;
	v36 =	vld.idx.msk [tilespmem:v36+s8+$0x0], $0xffff  }
0x10f: {  	s20 =	sshra.s32 s12, $0x2;
	v39 =	vadd.s32 s23, v4;
	v42 =	vadd.s32 s22, v9;
	s21 =	smul.u32 $0x2800, s23;
	p3 =	seq.s32 s0, $0x1F;
	v32 =	vld.idx.msk [tilespmem:v32+s8+$0x0], $0xffff;
	v31 =	vor.u32 v25, v31  }
0x110: {  	v43 =	vadd.s32 s23, v5;
	v42 =	vand.u32 $0xFFFFFFF8, v42;
	v39 =	vshll.u32 v39, $0x9;
	s2 =	simm.s32 @!p3 $0x0;
	s0 =	simm.s32 @p3 $0x1  }
0x111: {  	s11 =	smul.u32 $0x140, s26;
	v43 =	vshll.u32 v43, $0x9;
	s12 =	sshll.u32 s0, $0x4;
	v39 =	vadd.s32 v42, v39;
	v42 =	vadd.s32 s22, v10;
	s26 =	sadd.s32 s2, s23;
	v37 =	vld.idx.msk [tilespmem:v37+s8+$0x0], $0xffff  }
0x112: {  	s2 =	smul.u32 $0x140, s17;
	s17 =	sshra.s32 s21, $0x2;
	v44 =	vadd.s32 s26, v4;
	v45 =	vadd.s32 s12, v9;
	v39 =	vor.u32 v25, v39;
	[tilespmem:s31+$0x4840] =	vst v34  }
0x113: {  	s13 =	smul.u32 $0x140, s13;
	s11 =	sshra.s32 s11, $0x2;
	v34 =	vand.u32 $0xFFFFFFF8, v45;
	v44 =	vshll.u32 v44, $0x9;
	v45 =	vadd.s32 s12, v10;
	[tilespmem:s30+$0x4840] =	vst v33  }
0x114: {  	s21 =	smul.u32 $0x2800, s26;
	v42 =	vand.u32 $0xFFFFFFF8, v42;
	s2 =	sshra.s32 s2, $0x2;
	s31 =	sadd.s32 s11, s17;
	v33 =	vadd.s32 v44, v34;
	v34 =	vadd.s32 s26, v5;
	v31 =	vld.idx.msk [tilespmem:v31+s8+$0x0], $0xffff;
	[tilespmem:s29+$0x4840] =	vst v36  }
0x115: {  	s13 =	sshra.s32 s13, $0x2;
	s11 =	smul.u32 $0x140, s0;
	s30 =	sadd.s32 s2, s20;
	v33 =	vor.u32 v25, v33;
	v36 =	vand.u32 $0xFFFFFFF8, v45;
	[tilespmem:s28+$0x4840] =	vst v32;
	v32 =	vand.u32 $0xFFFFFFF8, v35  }
0x116: {  	s2 =	sshra.s32 s21, $0x2;
	v34 =	vshll.u32 v34, $0x9;
	s29 =	sadd.s32 s13, s16;
	v35 =	vadd.s32 v42, v43;
	v32 =	vadd.s32 v32, v38  }
0x117: {  	s11 =	sshra.s32 s11, $0x2;
	v34 =	vadd.s32 v34, v36;
	v36 =	vadd.s32 v40, v41;
	v38 =	vadd.s32 s23, v6;
	[tilespmem:s29+$0x4800] =	vst v37;
	v37 =	vld.idx.msk [tilespmem:v39+s8+$0x0], $0xffff  }
0x118: {  	s28 =	sadd.s32 s11, s2;
	v36 =	vor.u32 v26, v36;
	v35 =	vor.u32 v26, v35;
	v32 =	vor.u32 v26, v32  }
0x119: {  	v40 =	vadd.s32 s22, v11;
	v34 =	vor.u32 v26, v34;
	v39 =	vadd.s32 s10, v6  }
0x11a: {  	v41 =	vadd.s32 s3, v6;
	v40 =	vand.u32 $0xFFFFFFF8, v40;
	v33 =	vld.idx.msk [tilespmem:v33+s8+$0x0], $0xffff;
	[tilespmem:s30+$0x4800] =	vst v31;
	v31 =	vadd.s32 s9, v11  }
0x11b: {  	v44 =	vadd.s32 s7, v11;
	v42 =	vadd.s32 s26, v6;
	v43 =	vadd.s32 s12, v11  }
0x11c: {  	v38 =	vshll.u32 v38, $0x9;
	v39 =	vshll.u32 v39, $0x9;
	v31 =	vand.u32 $0xFFFFFFF8, v31  }
0x11d: {  	v44 =	vand.u32 $0xFFFFFFF8, v44;
	v43 =	vand.u32 $0xFFFFFFF8, v43;
	v41 =	vshll.u32 v41, $0x9;
	v32 =	vld.idx.msk [tilespmem:v32+s8+$0x0], $0xffff;
	[tilespmem:s31+$0x4800] =	vst v37  }
0x11e: {  	v38 =	vadd.s32 v40, v38;
	v31 =	vadd.s32 v31, v39;
	v37 =	vshll.u32 v42, $0x9;
	v35 =	vld.idx.msk [tilespmem:v35+s8+$0x0], $0xffff  }
0x11f: {  	v38 =	vor.u32 v27, v38;
	v39 =	vadd.s32 v44, v41;
	v37 =	vadd.s32 v37, v43;
	v36 =	vld.idx.msk [tilespmem:v36+s8+$0x0], $0xffff  }
0x120: {  	v31 =	vor.u32 v27, v31;
	[tilespmem:s28+$0x4800] =	vst v33;
	v33 =	vor.u32 v27, v37;
	v37 =	vor.u32 v27, v39  }
0x121: {  	v40 =	vadd.s32 s23, v7;
	v41 =	vadd.s32 s22, v12;
	v39 =	vadd.s32 s10, v7;
	v34 =	vld.idx.msk [tilespmem:v34+s8+$0x0], $0xffff  }
0x122: {  	v44 =	vadd.s32 s9, v12;
	v42 =	vadd.s32 s3, v7;
	v43 =	vadd.s32 s7, v12  }
0x123: {  	v46 =	vadd.s32 s12, v12;
	v45 =	vadd.s32 s26, v7;
	[tilespmem:s30+$0x4810] =	vst v32;
	v32 =	vand.u32 $0xFFFFFFF8, v41  }
0x124: {  	v40 =	vshll.u32 v40, $0x9;
	v39 =	vshll.u32 v39, $0x9;
	v41 =	vand.u32 $0xFFFFFFF8, v44;
	[tilespmem:s31+$0x4810] =	vst v35  }
0x125: {  	v42 =	vshll.u32 v42, $0x9;
	v43 =	vand.u32 $0xFFFFFFF8, v43;
	v44 =	vand.u32 $0xFFFFFFF8, v46;
	[tilespmem:s29+$0x4810] =	vst v36;
	v46 =	vld.idx.msk [tilespmem:v38+s8+$0x0], $0xffff  }
0x126: {  	v36 =	vshll.u32 v45, $0x9;
	v38 =	vadd.s32 v32, v40;
	v35 =	vld.idx.msk [tilespmem:v31+s8+$0x0], $0xffff;
	v31 =	vadd.s32 v41, v39  }
.Ltmp5:
0x127: {  	v40 =	vadd.s32 v36, v44;
	v39 =	vadd.s32 s23, v8;
	[tilespmem:s28+$0x4810] =	vst v34;
	v36 =	vld.idx.msk [tilespmem:v37+s8+$0x0], $0xffff;
	v34 =	vadd.s32 v43, v42;
	(pc) =	sbr.rel @p2 .LBB2_7-.Ltmp5, $4  }
0x128: {  	v37 =	vor.u32 v28, v38;
	v32 =	vld.idx.msk [tilespmem:v33+s8+$0x0], $0xffff;
	v33 =	vor.u32 v28, v34;
	v34 =	vor.u32 v28, v31  }
0x129: {  	v42 =	vadd.s32 s10, v8;
	v31 =	vor.u32 v28, v40;
	v40 =	vadd.s32 s22, v13  }
0x12a: {  	v45 =	vadd.s32 s9, v13;
	v41 =	vadd.s32 s3, v8;
	v43 =	vadd.s32 s7, v13  }
0x12b: {  	v44 =	vadd.s32 s12, v13;
	v38 =	vadd.s32 s26, v8;
	v40 =	vand.u32 $0xFFFFFFF8, v40;
	[tilespmem:s31+$0x4820] =	vst v46  }
.LBB2_8:
0x12c: {  	s13 =	sadd.s32 $0x1, s0  }
0x12d: {  	p2 =	seq.s32 s13, $0x1F  }
0x12e: {  	s13 =	simm.s32 @p2 $0x1  }
0x12f: {  	s0 =	simm.s32 $0x1;
	s12 =	sadd.s32 $0x1, s13  }
0x130: {  	v45 =	vand.u32 @p1 $0xFFFFFFF8, v45;
	v42 =	vshll.u32 @p1 v42, $0x9;
	v39 =	vshll.u32 @p1 v39, $0x9;
	s0 =	simm.s32 @!p2 $0x0;
	p2 =	seq.s32 s12, $0x1F  }
0x131: {  	v44 =	vand.u32 $0xFFFFFFF8, v44;
	v43 =	vand.u32 @p1 $0xFFFFFFF8, v43;
	v41 =	vshll.u32 @p1 v41, $0x9;
	s1 =	sadd.s32 s0, s26;
	s0 =	sshll.u32 s13, $0x4;
	s12 =	simm.s32 @p2 $0x1  }
0x132: {  	v38 =	vshll.u32 v38, $0x9;
	s2 =	simm.s32 $0x1;
	v46 =	vadd.s32 s1, v4;
	v47 =	vadd.s32 s0, v9;
	s11 =	sadd.s32 $0x1, s12  }
0x133: {  	s3 =	simm.s32 $0x1;
	v42 =	vadd.s32 @p1 v45, v42;
	v63 =	vand.u32 $0xFFFFFFF8, v47;
	v46 =	vshll.u32 v46, $0x9;
	s2 =	simm.s32 @!p2 $0x0;
	p2 =	seq.s32 s11, $0x1F  }
0x134: {  	v39 =	vadd.s32 @p1 v40, v39;
	v38 =	vadd.s32 v38, v44;
	v47 =	vadd.s32 v63, v46;
	s7 =	sadd.s32 s2, s1;
	s3 =	simm.s32 @!p2 $0x0;
	s11 =	simm.s32 @p2 $0x1  }
0x135: {  	v41 =	vadd.s32 @p1 v43, v41;
	v39 =	vor.u32 @p1 v29, v39;
	v40 =	vor.u32 v25, v47;
	s10 =	sadd.s32 s3, s7;
	s9 =	sshll.u32 s11, $0x4  }
0x136: {  	v48 =	vadd.s32 s7, v4;
	s3 =	sshll.u32 s12, $0x4;
	v49 =	vadd.s32 s10, v4;
	v50 =	vadd.s32 s9, v9  }
0x137: {  	v51 =	vadd.s32 s3, v9;
	v45 =	vand.u32 $0xFFFFFFF8, v50;
	v44 =	vshll.u32 v49, $0x9  }
0x138: {  	v43 =	vshll.u32 v48, $0x9;
	v46 =	vand.u32 $0xFFFFFFF8, v51;
	v44 =	vadd.s32 v45, v44  }
0x139: {  	v38 =	vor.u32 v29, v38;
	v43 =	vadd.s32 v46, v43;
	v44 =	vor.u32 v25, v44  }
0x13a: {  	v41 =	vor.u32 @p1 v29, v41;
	v42 =	vor.u32 @p1 v29, v42;
	v43 =	vor.u32 v25, v43  }
0x13b: {  	v52 =	vadd.s32 s1, v5;
	v53 =	vadd.s32 s0, v10;
	s20 =	smul.u32 $0x2800, s1;
	v54 =	vadd.s32 s7, v5  }
0x13c: {  	s13 =	smul.u32 $0x140, s13;
	v47 =	vshll.u32 v54, $0x9;
	v48 =	vadd.s32 s10, v5;
	v49 =	vadd.s32 s9, v10  }
0x13d: {  	s2 =	sshra.s32 s20, $0x2;
	s20 =	smul.u32 $0x140, s12;
	v50 =	vadd.s32 s3, v10;
	v48 =	vshll.u32 v48, $0x9;
	v40 =	vld.idx.msk [tilespmem:v40+s8+$0x0], $0xffff;
	v49 =	vand.u32 $0xFFFFFFF8, v49  }
0x13e: {  	s11 =	smul.u32 $0x140, s11;
	v46 =	vand.u32 $0xFFFFFFF8, v53;
	v50 =	vand.u32 $0xFFFFFFF8, v50;
	v48 =	vadd.s32 v49, v48;
	v44 =	vld.idx.msk [tilespmem:v44+s8+$0x0], $0xffff  }
0x13f: {  	s17 =	smul.u32 $0x2800, s10;
	v45 =	vshll.u32 v52, $0x9;
	v47 =	vadd.s32 v50, v47;
	v55 =	vor.u32 v26, v48;
	v43 =	vld.idx.msk [tilespmem:v43+s8+$0x0], $0xffff  }
0x140: {  	s21 =	sshra.s32 s13, $0x2;
	s16 =	smul.u32 $0x2800, s7;
	v57 =	vadd.s32 s7, v6;
	v45 =	vadd.s32 v46, v45;
	v47 =	vor.u32 v26, v47  }
0x141: {  	v61 =	vadd.s32 s0, v11;
	v62 =	vshll.u32 v57, $0x9;
	s12 =	sadd.s32 s21, s2;
	s11 =	sshra.s32 s11, $0x2;
	s22 =	sshra.s32 s17, $0x2;
	v45 =	vor.u32 v26, v45  }
0x142: {  	s26 =	sshra.s32 s20, $0x2;
	s23 =	sshra.s32 s16, $0x2;
	v56 =	vadd.s32 s10, v6;
	v58 =	vadd.s32 s9, v11;
	v59 =	vadd.s32 s3, v11;
	s13 =	sadd.s32 s11, s22;
	[tilespmem:s12+$0x4800] =	vst v40  }
0x143: {  	v51 =	vadd.s32 s1, v6;
	v50 =	vand.u32 $0xFFFFFFF8, v58;
	s22 =	sadd.s32 s26, s23;
	v48 =	vshll.u32 v56, $0x9;
	[tilespmem:s13+$0x4800] =	vst v44  }
0x144: {  	v63 =	vshll.u32 v51, $0x9;
	v60 =	vadd.s32 v50, v48;
	v40 =	vand.u32 $0xFFFFFFF8, v59;
	[tilespmem:s22+$0x4800] =	vst v43;
	v46 =	vld.idx.msk [tilespmem:v55+s8+$0x0], $0xffff  }
0x145: {  	v48 =	vand.u32 $0xFFFFFFF8, v61;
	v40 =	vadd.s32 v40, v62;
	v44 =	vor.u32 v27, v60;
	v47 =	vld.idx.msk [tilespmem:v47+s8+$0x0], $0xffff  }
0x146: {  	[tilespmem:s30+$0x4820] =	vst @p1 v35;
	v57 =	vadd.s32 s10, v7;
	v52 =	vadd.s32 v48, v63;
	v45 =	vld.idx.msk [tilespmem:v45+s8+$0x0], $0xffff;
	v40 =	vor.u32 v27, v40  }
0x147: {  	[tilespmem:s29+$0x4820] =	vst @p1 v36;
	v36 =	vld.idx.msk @p1 [tilespmem:v37+s8+$0x0], $0xffff;
	v54 =	vadd.s32 s3, v12;
	v37 =	vshll.u32 v57, $0x9;
	v55 =	vor.u32 v27, v52  }
0x148: {  	v34 =	vld.idx.msk @p1 [tilespmem:v34+s8+$0x0], $0xffff;
	v53 =	vadd.s32 s7, v7;
	v58 =	vadd.s32 s9, v12;
	v56 =	vand.u32 $0xFFFFFFF8, v54  }
0x149: {  	v33 =	vld.idx.msk @p1 [tilespmem:v33+s8+$0x0], $0xffff;
	v61 =	vadd.s32 s0, v12;
	v48 =	vshll.u32 v53, $0x9;
	v59 =	vand.u32 $0xFFFFFFF8, v58;
	[tilespmem:s13+$0x4810] =	vst v46  }
0x14a: {  	v37 =	vadd.s32 v59, v37;
	v62 =	vand.u32 $0xFFFFFFF8, v61;
	v60 =	vadd.s32 s1, v7;
	[tilespmem:s22+$0x4810] =	vst v47;
	v44 =	vld.idx.msk [tilespmem:v44+s8+$0x0], $0xffff  }
0x14b: {  	v37 =	vor.u32 v28, v37;
	v43 =	vadd.s32 v56, v48;
	[tilespmem:s12+$0x4810] =	vst v45;
	v63 =	vshll.u32 v60, $0x9;
	v40 =	vld.idx.msk [tilespmem:v40+s8+$0x0], $0xffff  }
0x14c: {  	[tilespmem:s28+$0x4820] =	vst v32;
	v51 =	vadd.s32 s7, v8;
	v43 =	vor.u32 v28, v43;
	v49 =	vadd.s32 v62, v63;
	v48 =	vld.idx.msk [tilespmem:v55+s8+$0x0], $0xffff  }
0x14d: {  	v31 =	vld.idx.msk [tilespmem:v31+s8+$0x0], $0xffff;
	[tilespmem:s31+$0x4830] =	vst @p1 v36;
	v36 =	vshll.u32 v51, $0x9;
	v54 =	vadd.s32 s0, v13;
	v35 =	vor.u32 v28, v49  }
0x14e: {  	[tilespmem:s30+$0x4830] =	vst @p1 v34;
	v50 =	vadd.s32 s10, v8;
	v53 =	vadd.s32 s1, v8;
	v52 =	vadd.s32 s9, v13  }
0x14f: {  	v39 =	vld.idx.msk @p1 [tilespmem:v39+s8+$0x0], $0xffff;
	v45 =	vshll.u32 v50, $0x9;
	v46 =	vand.u32 $0xFFFFFFF8, v52;
	v55 =	vadd.s32 s3, v13;
	[tilespmem:s13+$0x4820] =	vst v44  }
0x150: {  	v57 =	vshll.u32 v53, $0x9;
	v45 =	vadd.s32 v46, v45;
	v56 =	vand.u32 $0xFFFFFFF8, v55;
	[tilespmem:s22+$0x4820] =	vst v40;
	v37 =	vld.idx.msk [tilespmem:v37+s8+$0x0], $0xffff  }
0x151: {  	v36 =	vadd.s32 v56, v36;
	v59 =	vor.u32 v29, v45;
	[tilespmem:s12+$0x4820] =	vst v48;
	v44 =	vand.u32 $0xFFFFFFF8, v54;
	v58 =	vld.idx.msk [tilespmem:v43+s8+$0x0], $0xffff  }
0x152: {  	[tilespmem:s28+$0x4830] =	vst v31;
	v61 =	vor.u32 v29, v36;
	v60 =	vld.idx.msk [tilespmem:v35+s8+$0x0], $0xffff;
	v32 =	vadd.s32 v44, v57  }
0x153: {  	[tilespmem:s29+$0x4830] =	vst @p1 v33;
	v38 =	vld.idx.msk [tilespmem:v38+s8+$0x0], $0xffff;
	v31 =	vor.u32 v29, v32  }
0x154: {  	[tilespmem:s31+$0x4840] =	vst @p1 v39;
	v36 =	vld.idx.msk @p1 [tilespmem:v42+s8+$0x0], $0xffff  }
0x155: {  	v32 =	vld.idx.msk @p1 [tilespmem:v41+s8+$0x0], $0xffff;
	[tilespmem:s13+$0x4830] =	vst v37  }
0x156: {  	[tilespmem:s22+$0x4830] =	vst v58;
	v62 =	vld.idx.msk [tilespmem:v59+s8+$0x0], $0xffff  }
0x157: {  	[tilespmem:s12+$0x4830] =	vst v60;
	v63 =	vld.idx.msk [tilespmem:v61+s8+$0x0], $0xffff  }
0x158: {  	[tilespmem:s28+$0x4840] =	vst v38;
	v31 =	vld.idx.msk [tilespmem:v31+s8+$0x0], $0xffff  }
0x159: {  	[tilespmem:s30+$0x4840] =	vst @p1 v36  }
0x15a: {  	[tilespmem:s29+$0x4840] =	vst @p1 v32;
	p1 =	sne.s32 s24, $0x7  }
.Ltmp6:
0x15b: {  	[tilespmem:s13+$0x4840] =	vst v62;
	(pc) =	sbr.rel @p1 .LBB2_10-.Ltmp6, $4  }
0x15c: {  	[tilespmem:s22+$0x4840] =	vst v63  }
0x15d: {  	[tilespmem:s12+$0x4840] =	vst v31;
	v31 =	vadd.s32 s25, v15  }
0x15e: {  	s31 =	simm.s32 $0x4800;
	s30 =	simm.s32 $0x18990;
	[tilespmem:$0x18990] =	vst v31  }
0x15f: {  	[hbm4b:s4+s15] =	stream.indirect.scatter [tilespmem:s31], [sflag:$0x3], $0xA00, s30, s15, $0xb8;
	[tilespmem:$0x189B0] =	vst v63  }
.Ltmp7:
0x160: {  	(pc) =	sbr.rel .LBB2_11-.Ltmp7, $4  }
0x161: {  	_ = 	snop  }
0x162: {  	_ =	swait.ge [sflag:s18], $0x2400  }
0x163: {  	[sflag:s18] =	ssyncset.done $0x0  }
0x164: {  	[sflag:s18] =	ssyncadd.s32 $0xFFFFDC00  }
.LBB2_10:
0x165: {  	s0 =	sadd.s32 $0x2F, s25  }
0x166: {  	vm0 =	vgt.s32 v30, v1;
	v31 =	vadd.s32 s0, v15  }
0x167: {  	v30 =	vsel vm0, v30, v1;
	vm15 =	vlt.s32 v31, v3  }
0x168: {  	s31 =	rddreg [dreg:$0x0];
	[tilespmem:$0x18950] =	vst v30;
	v30 =	vsel vm15, v31, v3  }
.Ltmp8:
0x169: {  	s1 =	simm.s32 $0x12;
	s2 =	simm.s32 $0x18950;
	[tilespmem:$0x18960] =	vst v30;
	(pc) =	sbr.rel @p0 .LBB2_12-.Ltmp8, $4  }
0x16a: {  	[tilespmem:s8], [sflag:$0x1] =	stream.indirect.gather [hbm4b:s31+s1], $0x200, s2, s1, $0xb8;
	[tilespmem:$0x189B0] =	vst v63  }
0x16b: {  	_ =	swait.ge [sflag:s18], $0x2400  }
0x16c: {  	[sflag:s18] =	ssyncset.done $0x0  }
0x16d: {  	[sflag:s18] =	ssyncadd.s32 $0xFFFFDC00  }
.LBB2_11:
0x16e: {  	_ =	swait.ge [sflag:s19], $0xA000  }
0x16f: {  	[sflag:s19] =	ssyncset.done $0x0  }
0x170: {  	[sflag:s19] =	ssyncadd.s32 $0xFFFF6000  }
.LBB2_12:
0x171: {  	s3 =	simm.s32 $0x1  }
0x172: {  	v30 =	vadd.s32 s3, v4  }
0x173: {  	s26 =	simm.s32 $0x0;
	v31 =	vshll.u32 v30, $0x9  }
0x174: {  	v30 =	vadd.s32 s26, v4;
	v32 =	vadd.s32 v14, v31  }
0x175: {  	v30 =	vshll.u32 v30, $0x9  }
0x176: {  	v33 =	vadd.s32 v14, v30;
	_ =	sdelay $0x2  }
0x177: {  	v32 =	vld.idx.msk [tilespmem:v32+s14+$0x0], $0xffff  }
0x178: {  	v31 =	vadd.s32 v20, v31  }
0x179: {  	v33 =	vld.idx.msk [tilespmem:v33+s14+$0x0], $0xffff  }
0x17a: {  	v34 =	vadd.s32 v20, v30  }
0x17b: {  	s7 =	simm.s32 $0xF200  }
0x17c: {  	s31 =	simm.s32 $0x2;
	v42 =	vadd.s32 s3, v5;
	[tilespmem:s7+$0x0] =	vst v32  }
0x17d: {  	v38 =	vadd.s32 s31, v4;
	v32 =	vshll.u32 v42, $0x9;
	v31 =	vld.idx.msk [tilespmem:v31+s14+$0x0], $0xffff  }
0x17e: {  	v43 =	vadd.s32 s26, v5;
	v38 =	vshll.u32 v38, $0x9;
	v35 =	vadd.s32 v16, v32;
	[tilespmem:s7+$0xFFFFF600] =	vst v33  }
0x17f: {  	v44 =	vadd.s32 v14, v38;
	v33 =	vshll.u32 v43, $0x9;
	v34 =	vld.idx.msk [tilespmem:v34+s14+$0x0], $0xffff  }
0x180: {  	s22 =	simm.s32 $0x3;
	v37 =	vadd.s32 v16, v33  }
0x181: {  	v36 =	vadd.s32 s22, v4  }
0x182: {  	[tilespmem:s7+$0x9B0] =	vst v31;
	v31 =	vshll.u32 v36, $0x9  }
0x183: {  	v35 =	vld.idx.msk [tilespmem:v35+s14+$0x0], $0xffff;
	v36 =	vadd.s32 v14, v31  }
0x184: {  	v32 =	vadd.s32 v21, v32;
	[tilespmem:s7+$0xFFFFFFB0] =	vst v34;
	v34 =	vld.idx.msk [tilespmem:v44+s14+$0x0], $0xffff  }
0x185: {  	v38 =	vadd.s32 v20, v38;
	v37 =	vld.idx.msk [tilespmem:v37+s14+$0x0], $0xffff  }
0x186: {  	v33 =	vadd.s32 v21, v33;
	_ =	sdelay $0x1  }
0x187: {  	s28 =	simm.s32 $0x10600;
	v45 =	vadd.s32 s3, v6;
	v36 =	vld.idx.msk [tilespmem:v36+s14+$0x0], $0xffff;
	[tilespmem:s7+$0x10] =	vst v35  }
0x188: {  	v52 =	vadd.s32 s31, v5;
	v31 =	vadd.s32 v20, v31;
	v35 =	vshll.u32 v45, $0x9;
	[tilespmem:s28+$0xFFFFF600] =	vst v34;
	v32 =	vld.idx.msk [tilespmem:v32+s14+$0x0], $0xffff  }
0x189: {  	v46 =	vadd.s32 s26, v6;
	v53 =	vshll.u32 v52, $0x9;
	v39 =	vadd.s32 v17, v35;
	[tilespmem:s7+$0xFFFFF610] =	vst v37;
	v38 =	vld.idx.msk [tilespmem:v38+s14+$0x0], $0xffff  }
0x18a: {  	s30 =	simm.s32 $0x4;
	v41 =	vadd.s32 v16, v53;
	v37 =	vshll.u32 v46, $0x9;
	v33 =	vld.idx.msk [tilespmem:v33+s14+$0x0], $0xffff  }
0x18b: {  	v42 =	vadd.s32 s30, v4;
	v40 =	vadd.s32 v17, v37  }
0x18c: {  	v47 =	vadd.s32 s22, v5;
	v42 =	vshll.u32 v42, $0x9;
	[tilespmem:s28+$0x0] =	vst v36  }
0x18d: {  	v48 =	vshll.u32 v47, $0x9;
	v43 =	vadd.s32 v14, v42;
	v31 =	vld.idx.msk [tilespmem:v31+s14+$0x0], $0xffff;
	[tilespmem:s7+$0x9C0] =	vst v32  }
0x18e: {  	v50 =	vadd.s32 v16, v48;
	[tilespmem:s28+$0xFFFFFFB0] =	vst v38;
	v49 =	vld.idx.msk [tilespmem:v39+s14+$0x0], $0xffff  }
0x18f: {  	v51 =	vadd.s32 v22, v35;
	[tilespmem:s7+$0xFFFFFFC0] =	vst v33;
	v41 =	vld.idx.msk [tilespmem:v41+s14+$0x0], $0xffff  }
0x190: {  	s0 =	simm.s32 $0x5;
	v33 =	vadd.s32 v21, v53;
	v54 =	vld.idx.msk [tilespmem:v40+s14+$0x0], $0xffff  }
0x191: {  	v55 =	vadd.s32 s0, v4;
	v37 =	vadd.s32 v22, v37  }
0x192: {  	v57 =	vadd.s32 s3, v7;
	v43 =	vld.idx.msk [tilespmem:v43+s14+$0x0], $0xffff;
	[tilespmem:s28+$0x9B0] =	vst v31;
	v31 =	vshll.u32 v55, $0x9  }
0x193: {  	v59 =	vadd.s32 s26, v7;
	v60 =	vadd.s32 s22, v6;
	v39 =	vld.idx.msk [tilespmem:v50+s14+$0x0], $0xffff;
	[tilespmem:s7+$0x20] =	vst v49;
	v56 =	vadd.s32 v14, v31  }
0x194: {  	v35 =	vshll.u32 v59, $0x9;
	v32 =	vadd.s32 v21, v48;
	v40 =	vshll.u32 v57, $0x9;
	[tilespmem:s28+$0xFFFFF610] =	vst v41;
	v34 =	vld.idx.msk [tilespmem:v51+s14+$0x0], $0xffff  }
0x195: {  	v46 =	vadd.s32 s31, v6;
	v58 =	vadd.s32 v18, v40;
	v55 =	vadd.s32 s3, v8;
	s3 =	simm.s32 $0x7;
	[tilespmem:s7+$0xFFFFF620] =	vst v54;
	v33 =	vld.idx.msk [tilespmem:v33+s14+$0x0], $0xffff  }
0x196: {  	s29 =	simm.s32 $0x11A00;
	v48 =	vadd.s32 v20, v42;
	v49 =	vshll.u32 v46, $0x9;
	v59 =	vadd.s32 s3, v4;
	v37 =	vld.idx.msk [tilespmem:v37+s14+$0x0], $0xffff  }
0x197: {  	v61 =	vshll.u32 v60, $0x9;
	[tilespmem:s29+$0xFFFFF600] =	vst v43;
	v46 =	vadd.s32 v17, v49;
	v60 =	vshll.u32 v59, $0x9  }
0x198: {  	v42 =	vadd.s32 v14, v60;
	v36 =	vld.idx.msk [tilespmem:v56+s14+$0x0], $0xffff;
	[tilespmem:s28+$0x10] =	vst v39  }
0x199: {  	v31 =	vadd.s32 v20, v31;
	v32 =	vld.idx.msk [tilespmem:v32+s14+$0x0], $0xffff;
	[tilespmem:s7+$0x9D0] =	vst v34  }
0x19a: {  	s1 =	simm.s32 $0x6;
	v45 =	vadd.s32 v17, v61;
	[tilespmem:s28+$0xFFFFFFC0] =	vst v33;
	v38 =	vld.idx.msk [tilespmem:v58+s14+$0x0], $0xffff  }
0x19b: {  	v62 =	vadd.s32 s1, v4;
	v40 =	vadd.s32 v23, v40;
	[tilespmem:s7+$0xFFFFFFD0] =	vst v37;
	v37 =	vld.idx.msk [tilespmem:v48+s14+$0x0], $0xffff  }
0x19c: {  	v44 =	vadd.s32 v18, v35;
	v39 =	vshll.u32 v62, $0x9;
	v46 =	vld.idx.msk [tilespmem:v46+s14+$0x0], $0xffff  }
0x19d: {  	v51 =	vadd.s32 s0, v5;
	v63 =	vadd.s32 v14, v39;
	v42 =	vld.idx.msk [tilespmem:v42+s14+$0x0], $0xffff;
	[tilespmem:s29+$0x0] =	vst v36  }
0x19e: {  	v52 =	vshll.u32 v51, $0x9;
	v36 =	vadd.s32 v22, v49;
	v31 =	vld.idx.msk [tilespmem:v31+s14+$0x0], $0xffff;
	[tilespmem:s28+$0x9C0] =	vst v32  }
0x19f: {  	v54 =	vadd.s32 v16, v52;
	v53 =	vld.idx.msk [tilespmem:v45+s14+$0x0], $0xffff;
	[tilespmem:s7+$0x30] =	vst v38  }
0x1a0: {  	v56 =	vshll.u32 v55, $0x9;
	v34 =	vadd.s32 v22, v61;
	v40 =	vld.idx.msk [tilespmem:v40+s14+$0x0], $0xffff  }
0x1a1: {  	v57 =	vadd.s32 s30, v5;
	v58 =	vadd.s32 v19, v56;
	v50 =	vld.idx.msk [tilespmem:v44+s14+$0x0], $0xffff;
	[tilespmem:s29+$0xFFFFFFB0] =	vst v37  }
0x1a2: {  	v35 =	vadd.s32 v23, v35;
	v41 =	vld.idx.msk [tilespmem:v63+s14+$0x0], $0xffff;
	v45 =	vshll.u32 v57, $0x9;
	[tilespmem:s28+$0xFFFFF620] =	vst v46  }
0x1a3: {  	v47 =	vadd.s32 v16, v45;
	v36 =	vld.idx.msk [tilespmem:v36+s14+$0x0], $0xffff;
	[tilespmem:s29+$0x9B0] =	vst v31  }
0x1a4: {  	v61 =	vadd.s32 s22, v7;
	v59 =	vadd.s32 v20, v39;
	v38 =	vld.idx.msk [tilespmem:v54+s14+$0x0], $0xffff;
	[tilespmem:s28+$0x20] =	vst v53  }
0x1a5: {  	v62 =	vshll.u32 v61, $0x9;
	v32 =	vadd.s32 v21, v52;
	v34 =	vld.idx.msk [tilespmem:v34+s14+$0x0], $0xffff;
	[tilespmem:s7+$0x9E0] =	vst v40  }
0x1a6: {  	s9 =	simm.s32 $0x12E00;
	v63 =	vadd.s32 v18, v62;
	v52 =	vadd.s32 s26, v8;
	[tilespmem:s7+$0xFFFFF630] =	vst v50;
	v33 =	vld.idx.msk [tilespmem:v58+s14+$0x0], $0xffff  }
0x1a7: {  	v43 =	vadd.s32 v24, v56;
	v48 =	vshll.u32 v52, $0x9;
	[tilespmem:s9+$0x0] =	vst v42;
	v31 =	vld.idx.msk [tilespmem:v35+s14+$0x0], $0xffff  }
0x1a8: {  	[tilespmem:s9+$0xFFFFF600] =	vst v41;
	v53 =	vadd.s32 s31, v7;
	v54 =	vadd.s32 v19, v48;
	v47 =	vld.idx.msk [tilespmem:v47+s14+$0x0], $0xffff  }
0x1a9: {  	v45 =	vadd.s32 v21, v45;
	v46 =	vld.idx.msk [tilespmem:v59+s14+$0x0], $0xffff;
	v44 =	vshll.u32 v53, $0x9;
	[tilespmem:s29+$0x10] =	vst v38  }
0x1aa: {  	v55 =	vadd.s32 s0, v6;
	v49 =	vadd.s32 v18, v44;
	v32 =	vld.idx.msk [tilespmem:v32+s14+$0x0], $0xffff;
	[tilespmem:s28+$0x9D0] =	vst v34  }
0x1ab: {  	s10 =	simm.s32 $0x8;
	v51 =	vshll.u32 v55, $0x9;
	v50 =	vadd.s32 v20, v60;
	v37 =	vld.idx.msk [tilespmem:v63+s14+$0x0], $0xffff;
	[tilespmem:s7+$0x40] =	vst v33  }
0x1ac: {  	v56 =	vadd.s32 v17, v51;
	[tilespmem:s7+$0xFFFFFFE0] =	vst v31;
	v31 =	vadd.s32 s10, v4;
	v43 =	vld.idx.msk [tilespmem:v43+s14+$0x0], $0xffff  }
0x1ad: {  	v40 =	vadd.s32 v23, v62;
	v58 =	vadd.s32 s30, v6;
	v31 =	vshll.u32 v31, $0x9;
	v35 =	vld.idx.msk [tilespmem:v54+s14+$0x0], $0xffff;
	[tilespmem:s29+$0xFFFFF610] =	vst v47  }
0x1ae: {  	[tilespmem:s28+$0xFFFFFFD0] =	vst v36;
	v57 =	vadd.s32 v14, v31;
	v34 =	vshll.u32 v58, $0x9;
	v45 =	vld.idx.msk [tilespmem:v45+s14+$0x0], $0xffff  }
0x1af: {  	v61 =	vadd.s32 s3, v5;
	v49 =	vld.idx.msk [tilespmem:v49+s14+$0x0], $0xffff;
	v60 =	vadd.s32 v17, v34;
	[tilespmem:s29+$0x9C0] =	vst v32  }
0x1b0: {  	v44 =	vadd.s32 v23, v44;
	v36 =	vshll.u32 v61, $0x9;
	v38 =	vld.idx.msk [tilespmem:v50+s14+$0x0], $0xffff;
	[tilespmem:s28+$0x30] =	vst v37  }
0x1b1: {  	v62 =	vadd.s32 s22, v8;
	v39 =	vld.idx.msk [tilespmem:v56+s14+$0x0], $0xffff;
	[tilespmem:s7+$0x9F0] =	vst v43;
	v43 =	vadd.s32 v16, v36  }
0x1b2: {  	v41 =	vadd.s32 v22, v51;
	v33 =	vshll.u32 v62, $0x9;
	v40 =	vld.idx.msk [tilespmem:v40+s14+$0x0], $0xffff  }
0x1b3: {  	v63 =	vadd.s32 s1, v5;
	v42 =	vadd.s32 v19, v33;
	v32 =	vld.idx.msk [tilespmem:v57+s14+$0x0], $0xffff;
	[tilespmem:s29+$0xFFFFFFC0] =	vst v45  }
0x1b4: {  	s12 =	simm.s32 $0xA;
	s22 =	simm.s32 $0x9;
	v47 =	vadd.s32 v24, v48;
	v37 =	vshll.u32 v63, $0x9;
	[tilespmem:s28+$0xFFFFF630] =	vst v49;
	v45 =	vld.idx.msk [tilespmem:v60+s14+$0x0], $0xffff  }
.LBB2_13:
0x1b5: {  	p0 =	slt.u32 s12, $0xE;
	v48 =	vadd.s32 s22, v4;
	v49 =	vadd.s32 v16, v37;
	[tilespmem:s9+$0x9B0] =	vst v38;
	v38 =	vld.idx.msk [tilespmem:v44+s14+$0x0], $0xffff  }
0x1b6: {  	v34 =	vadd.s32 v22, v34;
	v44 =	vshll.u32 v48, $0x9;
	v43 =	vld.idx.msk [tilespmem:v43+s14+$0x0], $0xffff;
	[tilespmem:s29+$0x20] =	vst v39  }
0x1b7: {  	v48 =	vadd.s32 s0, v7;
	v39 =	vadd.s32 v14, v44;
	v41 =	vld.idx.msk [tilespmem:v41+s14+$0x0], $0xffff;
	[tilespmem:s28+$0x9E0] =	vst v40  }
0x1b8: {  	v36 =	vadd.s32 v21, v36;
	v40 =	vshll.u32 v48, $0x9;
	v42 =	vld.idx.msk [tilespmem:v42+s14+$0x0], $0xffff;
	[tilespmem:s7+$0xFFFFF640] =	vst v35  }
0x1b9: {  	v35 =	vadd.s32 v18, v40;
	[tilespmem:s9+$0xFFFFFFB0] =	vst v46;
	v46 =	vadd.s32 s31, v8;
	v47 =	vld.idx.msk [tilespmem:v47+s14+$0x0], $0xffff;
	s31 =	smov.u32 s30;
	s30 =	smov.u32 s1;
	s1 =	smov.u32 s10  }
0x1ba: {  	v33 =	vadd.s32 v24, v33;
	s10 =	smov.u32 s12;
	v48 =	vld.idx.msk [tilespmem:v49+s14+$0x0], $0xffff;
	[tilespmem:s29+$0xFFFFF620] =	vst v45;
	v49 =	vshll.u32 v46, $0x9  }
0x1bb: {  	v45 =	vadd.s32 s31, v7;
	v34 =	vld.idx.msk [tilespmem:v34+s14+$0x0], $0xffff;
	[tilespmem:s28+$0xFFFFFFE0] =	vst v38;
	v38 =	vadd.s32 v19, v49  }
0x1bc: {  	v37 =	vadd.s32 v21, v37;
	v39 =	vld.idx.msk [tilespmem:v39+s14+$0x0], $0xffff;
	[tilespmem:s9+$0x10] =	vst v43;
	v43 =	vshll.u32 v45, $0x9  }
0x1bd: {  	v45 =	vadd.s32 s3, v6;
	v36 =	vld.idx.msk [tilespmem:v36+s14+$0x0], $0xffff;
	v46 =	vadd.s32 v18, v43;
	[tilespmem:s29+$0x9D0] =	vst v41  }
0x1be: {  	v41 =	vadd.s32 v20, v44;
	v45 =	vshll.u32 v45, $0x9;
	v50 =	vld.idx.msk [tilespmem:v35+s14+$0x0], $0xffff;
	[tilespmem:s28+$0x40] =	vst v42  }
0x1bf: {  	v35 =	vadd.s32 s12, v4;
	v42 =	vadd.s32 v17, v45;
	v33 =	vld.idx.msk [tilespmem:v33+s14+$0x0], $0xffff;
	[tilespmem:s7+$0xFFFFFFF0] =	vst v47;
	s7 =	smov.u32 s28;
	s28 =	smov.u32 s29;
	s29 =	smov.u32 s9  }
0x1c0: {  	v40 =	vadd.s32 v23, v40;
	v44 =	vshll.u32 v35, $0x9;
	[tilespmem:s9+$0xFFFFF610] =	vst v48;
	v35 =	vld.idx.msk [tilespmem:v38+s14+$0x0], $0xffff  }
0x1c1: {  	v47 =	vadd.s32 v14, v44;
	v38 =	vadd.s32 s30, v6;
	s9 =	sadd.s32 $0x1400, s9;
	v37 =	vld.idx.msk [tilespmem:v37+s14+$0x0], $0xffff;
	[tilespmem:s28+$0xFFFFFFD0] =	vst v34  }
0x1c2: {  	v48 =	vadd.s32 v20, v31;
	v31 =	vmov v44;
	v34 =	vshll.u32 v38, $0x9;
	[tilespmem:s9+$0x0] =	vst v39;
	v51 =	vld.idx.msk [tilespmem:v46+s14+$0x0], $0xffff  }
0x1c3: {  	v39 =	vadd.s32 s22, v5;
	v52 =	vadd.s32 v17, v34;
	v38 =	vld.idx.msk [tilespmem:v41+s14+$0x0], $0xffff;
	[tilespmem:s29+$0x9C0] =	vst v36  }
.Ltmp9:
0x1c4: {  	v44 =	vadd.s32 v23, v43;
	v36 =	vshll.u32 v39, $0x9;
	v39 =	vld.idx.msk [tilespmem:v42+s14+$0x0], $0xffff;
	[tilespmem:s28+$0x30] =	vst v50;
	(pc) =	sbr.rel @p0 .LBB2_13-.Ltmp9, $4  }
0x1c5: {  	v43 =	vadd.s32 v16, v36;
	v42 =	vadd.s32 s0, v8;
	s0 =	smov.u32 s3;
	v40 =	vld.idx.msk [tilespmem:v40+s14+$0x0], $0xffff;
	[tilespmem:s7+$0x9F0] =	vst v33  }
0x1c6: {  	v41 =	vadd.s32 v22, v45;
	s3 =	smov.u32 s22;
	v33 =	vshll.u32 v42, $0x9;
	[tilespmem:s9+$0xFFFFF600] =	vst v32;
	v32 =	vld.idx.msk [tilespmem:v47+s14+$0x0], $0xffff  }
0x1c7: {  	v45 =	vadd.s32 s1, v5;
	v42 =	vadd.s32 v19, v33;
	v46 =	vld.idx.msk [tilespmem:v48+s14+$0x0], $0xffff;
	[tilespmem:s29+$0xFFFFFFC0] =	vst v37  }
0x1c8: {  	s12 =	sadd.s32 $0x2, s12;
	s22 =	sadd.s32 $0x1, s10;
	v47 =	vadd.s32 v24, v49;
	v37 =	vshll.u32 v45, $0x9;
	v45 =	vld.idx.msk [tilespmem:v52+s14+$0x0], $0xffff;
	[tilespmem:s28+$0xFFFFF630] =	vst v51  }
0x1c9: {  	v48 =	vadd.s32 s22, v4  }
0x1ca: {  	v48 =	vshll.u32 v48, $0x9  }
0x1cb: {  	v49 =	vadd.s32 v14, v48;
	_ =	sdelay $0x1  }
0x1cc: {  	v31 =	vadd.s32 v20, v31;
	_ =	sdelay $0x2  }
0x1cd: {  	[tilespmem:s7+$0xFFFFF640] =	vst v35;
	s23 =	sadd.s32 $0x1400, s9;
	v61 =	vld.idx.msk [tilespmem:v49+s14+$0x0], $0xffff  }
0x1ce: {  	v50 =	vadd.s32 s10, v5;
	v35 =	vld.idx.msk [tilespmem:v47+s14+$0x0], $0xffff;
	v48 =	vadd.s32 v20, v48;
	[tilespmem:s23+$0xFFFFF600] =	vst v32  }
0x1cf: {  	v32 =	vshll.u32 v50, $0x9;
	v31 =	vld.idx.msk [tilespmem:v31+s14+$0x0], $0xffff  }
0x1d0: {  	v52 =	vadd.s32 v16, v32  }
0x1d1: {  	[tilespmem:s9+$0x9B0] =	vst v38  }
0x1d2: {  	v62 =	vadd.s32 s22, v5;
	[tilespmem:s23+$0x0] =	vst v61  }
0x1d3: {  	v63 =	vadd.s32 v16, v37;
	[tilespmem:s7+$0xFFFFFFF0] =	vst v35;
	v35 =	vshll.u32 v62, $0x9;
	v48 =	vld.idx.msk [tilespmem:v48+s14+$0x0], $0xffff  }
0x1d4: {  	v53 =	vld.idx.msk [tilespmem:v43+s14+$0x0], $0xffff;
	v51 =	vadd.s32 v16, v35;
	[tilespmem:s23+$0xFFFFFFB0] =	vst v31  }
0x1d5: {  	[tilespmem:s29+$0x20] =	vst v39;
	v36 =	vadd.s32 v21, v36;
	v56 =	vld.idx.msk [tilespmem:v52+s14+$0x0], $0xffff  }
0x1d6: {  	[tilespmem:s28+$0x9E0] =	vst v40;
	v32 =	vadd.s32 v21, v32  }
0x1d7: {  	v44 =	vld.idx.msk [tilespmem:v44+s14+$0x0], $0xffff;
	[tilespmem:s9+$0xFFFFFFB0] =	vst v46  }
0x1d8: {  	v54 =	vld.idx.msk [tilespmem:v63+s14+$0x0], $0xffff;
	[tilespmem:s23+$0x9B0] =	vst v48  }
0x1d9: {  	v55 =	vadd.s32 v21, v37;
	v59 =	vadd.s32 s3, v6;
	[tilespmem:s9+$0x10] =	vst v53;
	v38 =	vld.idx.msk [tilespmem:v51+s14+$0x0], $0xffff  }
0x1da: {  	v40 =	vshll.u32 v59, $0x9;
	v36 =	vld.idx.msk [tilespmem:v36+s14+$0x0], $0xffff;
	v49 =	vadd.s32 s10, v6;
	v31 =	vadd.s32 v21, v35;
	[tilespmem:s23+$0xFFFFF610] =	vst v56  }
0x1db: {  	[tilespmem:s29+$0xFFFFF620] =	vst v45;
	v62 =	vadd.s32 v17, v40;
	v35 =	vshll.u32 v49, $0x9;
	v32 =	vld.idx.msk [tilespmem:v32+s14+$0x0], $0xffff  }
0x1dc: {  	v58 =	vadd.s32 s0, v7;
	v57 =	vld.idx.msk [tilespmem:v41+s14+$0x0], $0xffff;
	[tilespmem:s28+$0xFFFFFFE0] =	vst v44;
	v52 =	vadd.s32 v17, v35  }
0x1dd: {  	v34 =	vadd.s32 v22, v34;
	v41 =	vshll.u32 v58, $0x9;
	v42 =	vld.idx.msk [tilespmem:v42+s14+$0x0], $0xffff;
	[tilespmem:s9+$0xFFFFF610] =	vst v54;
	v61 =	vadd.s32 s1, v6  }
0x1de: {  	v60 =	vadd.s32 v18, v41;
	v63 =	vadd.s32 s22, v6;
	v37 =	vld.idx.msk [tilespmem:v55+s14+$0x0], $0xffff;
	v43 =	vshll.u32 v61, $0x9;
	[tilespmem:s23+$0x10] =	vst v38  }
0x1df: {  	[tilespmem:s9+$0x9C0] =	vst v36;
	v48 =	vadd.s32 v17, v43;
	v38 =	vshll.u32 v63, $0x9;
	v31 =	vld.idx.msk [tilespmem:v31+s14+$0x0], $0xffff  }
0x1e0: {  	v45 =	vld.idx.msk [tilespmem:v62+s14+$0x0], $0xffff;
	[tilespmem:s23+$0xFFFFFFC0] =	vst v32;
	v50 =	vadd.s32 v17, v38  }
0x1e1: {  	[tilespmem:s29+$0x9D0] =	vst v57;
	v54 =	vadd.s32 v22, v40;
	v51 =	vadd.s32 s30, v7;
	v57 =	vld.idx.msk [tilespmem:v52+s14+$0x0], $0xffff  }
0x1e2: {  	v34 =	vld.idx.msk [tilespmem:v34+s14+$0x0], $0xffff;
	[tilespmem:s28+$0x40] =	vst v42;
	v35 =	vadd.s32 v22, v35;
	v47 =	vshll.u32 v51, $0x9  }
0x1e3: {  	v44 =	vld.idx.msk [tilespmem:v60+s14+$0x0], $0xffff;
	[tilespmem:s9+$0xFFFFFFC0] =	vst v37;
	v53 =	vadd.s32 v18, v47  }
0x1e4: {  	v33 =	vadd.s32 v24, v33;
	v55 =	vld.idx.msk [tilespmem:v48+s14+$0x0], $0xffff;
	[tilespmem:s23+$0x9C0] =	vst v31  }
0x1e5: {  	[tilespmem:s9+$0x20] =	vst v45;
	v31 =	vadd.s32 v22, v43;
	v39 =	vld.idx.msk [tilespmem:v50+s14+$0x0], $0xffff  }
0x1e6: {  	v49 =	vadd.s32 s10, v7;
	v37 =	vld.idx.msk [tilespmem:v54+s14+$0x0], $0xffff;
	v56 =	vadd.s32 v22, v38;
	[tilespmem:s23+$0xFFFFF620] =	vst v57  }
0x1e7: {  	v59 =	vadd.s32 s3, v7;
	v41 =	vadd.s32 v23, v41;
	[tilespmem:s29+$0xFFFFFFD0] =	vst v34;
	v34 =	vshll.u32 v49, $0x9;
	v35 =	vld.idx.msk [tilespmem:v35+s14+$0x0], $0xffff  }
0x1e8: {  	v58 =	vadd.s32 s31, v8;
	v42 =	vshll.u32 v59, $0x9;
	[tilespmem:s29+$0x30] =	vst v44;
	v52 =	vadd.s32 v18, v34;
	v36 =	vld.idx.msk [tilespmem:v53+s14+$0x0], $0xffff  }
0x1e9: {  	v33 =	vld.idx.msk [tilespmem:v33+s14+$0x0], $0xffff;
	v61 =	vadd.s32 s1, v7;
	v62 =	vadd.s32 v18, v42;
	v38 =	vshll.u32 v58, $0x9;
	[tilespmem:s9+$0xFFFFF620] =	vst v55  }
0x1ea: {  	v40 =	vshll.u32 v61, $0x9;
	v63 =	vadd.s32 s22, v7;
	v60 =	vadd.s32 v19, v38;
	v31 =	vld.idx.msk [tilespmem:v31+s14+$0x0], $0xffff;
	[tilespmem:s23+$0x20] =	vst v39  }
0x1eb: {  	v51 =	vadd.s32 s0, v8;
	v48 =	vadd.s32 v18, v40;
	[tilespmem:s9+$0x9D0] =	vst v37;
	v39 =	vshll.u32 v63, $0x9;
	v32 =	vld.idx.msk [tilespmem:v56+s14+$0x0], $0xffff  }
0x1ec: {  	v41 =	vld.idx.msk [tilespmem:v41+s14+$0x0], $0xffff;
	v46 =	vshll.u32 v51, $0x9;
	[tilespmem:s23+$0xFFFFFFD0] =	vst v35;
	v50 =	vadd.s32 v18, v39  }
0x1ed: {  	v53 =	vadd.s32 v19, v46;
	[tilespmem:s29+$0xFFFFF630] =	vst v36;
	v36 =	vld.idx.msk [tilespmem:v52+s14+$0x0], $0xffff  }
0x1ee: {  	[tilespmem:s28+$0x9F0] =	vst v33;
	v34 =	vadd.s32 v23, v34;
	v44 =	vld.idx.msk [tilespmem:v62+s14+$0x0], $0xffff  }
0x1ef: {  	v47 =	vadd.s32 v23, v47;
	v43 =	vld.idx.msk [tilespmem:v60+s14+$0x0], $0xffff;
	[tilespmem:s9+$0xFFFFFFD0] =	vst v31  }
0x1f0: {  	v31 =	vadd.s32 v23, v42;
	v54 =	vld.idx.msk [tilespmem:v48+s14+$0x0], $0xffff;
	[tilespmem:s23+$0x9D0] =	vst v32  }
0x1f1: {  	[tilespmem:s29+$0x9E0] =	vst v41;
	v55 =	vadd.s32 v23, v40;
	v33 =	vld.idx.msk [tilespmem:v50+s14+$0x0], $0xffff  }
0x1f2: {  	v49 =	vadd.s32 s10, v8;
	v37 =	vld.idx.msk [tilespmem:v53+s14+$0x0], $0xffff;
	v56 =	vadd.s32 v23, v39;
	[tilespmem:s23+$0xFFFFF630] =	vst v36  }
0x1f3: {  	v58 =	vadd.s32 s30, v8;
	v38 =	vadd.s32 v24, v38;
	[tilespmem:s9+$0x30] =	vst v44;
	v36 =	vshll.u32 v49, $0x9;
	v34 =	vld.idx.msk [tilespmem:v34+s14+$0x0], $0xffff  }
0x1f4: {  	v59 =	vadd.s32 s3, v8;
	v40 =	vshll.u32 v58, $0x9;
	v57 =	vld.idx.msk [tilespmem:v47+s14+$0x0], $0xffff;
	[tilespmem:s28+$0xFFFFF640] =	vst v43;
	v51 =	vadd.s32 v19, v36  }
0x1f5: {  	v61 =	vadd.s32 s1, v8;
	v41 =	vshll.u32 v59, $0x9;
	v60 =	vadd.s32 v19, v40;
	v31 =	vld.idx.msk [tilespmem:v31+s14+$0x0], $0xffff;
	[tilespmem:s9+$0xFFFFF630] =	vst v54  }
0x1f6: {  	v62 =	vadd.s32 v19, v41;
	v63 =	vadd.s32 s22, v8;
	v42 =	vshll.u32 v61, $0x9;
	v32 =	vld.idx.msk [tilespmem:v55+s14+$0x0], $0xffff;
	[tilespmem:s23+$0x30] =	vst v33  }
0x1f7: {  	[tilespmem:s29+$0x40] =	vst v37;
	v48 =	vadd.s32 v19, v42;
	v33 =	vshll.u32 v63, $0x9;
	v35 =	vld.idx.msk [tilespmem:v56+s14+$0x0], $0xffff  }
0x1f8: {  	v38 =	vld.idx.msk [tilespmem:v38+s14+$0x0], $0xffff;
	[tilespmem:s23+$0xFFFFFFE0] =	vst v34;
	v50 =	vadd.s32 v19, v33  }
0x1f9: {  	v46 =	vadd.s32 v24, v46;
	[tilespmem:s29+$0xFFFFFFE0] =	vst v57;
	v34 =	vld.idx.msk [tilespmem:v51+s14+$0x0], $0xffff  }
0x1fa: {  	v43 =	vld.idx.msk [tilespmem:v60+s14+$0x0], $0xffff;
	v36 =	vadd.s32 v24, v36;
	[tilespmem:s9+$0x9E0] =	vst v31  }
0x1fb: {  	v31 =	vadd.s32 v24, v40;
	v52 =	vld.idx.msk [tilespmem:v62+s14+$0x0], $0xffff;
	[tilespmem:s9+$0xFFFFFFE0] =	vst v32  }
0x1fc: {  	v53 =	vadd.s32 v24, v41;
	v54 =	vld.idx.msk [tilespmem:v48+s14+$0x0], $0xffff;
	[tilespmem:s23+$0x9E0] =	vst v35  }
0x1fd: {  	[tilespmem:s28+$0xFFFFFFF0] =	vst v38;
	v55 =	vadd.s32 v24, v42;
	v39 =	vld.idx.msk [tilespmem:v50+s14+$0x0], $0xffff  }
0x1fe: {  	v33 =	vadd.s32 v24, v33;
	v56 =	vld.idx.msk [tilespmem:v46+s14+$0x0], $0xffff;
	[tilespmem:s23+$0xFFFFF640] =	vst v34  }
0x1ff: {  	[tilespmem:s29+$0xFFFFF640] =	vst v43;
	v36 =	vld.idx.msk [tilespmem:v36+s14+$0x0], $0xffff  }
0x200: {  	s30 =	simm.s32 $0x10;
	v31 =	vld.idx.msk [tilespmem:v31+s14+$0x0], $0xffff;
	[tilespmem:s9+$0x40] =	vst v52  }
0x201: {  	v57 =	vadd.s32 s30, v9;
	v32 =	vld.idx.msk [tilespmem:v53+s14+$0x0], $0xffff;
	[tilespmem:s9+$0xFFFFF640] =	vst v54  }
0x202: {  	v58 =	vand.u32 $0xFFFFFFF8, v57;
	v35 =	vld.idx.msk [tilespmem:v55+s14+$0x0], $0xffff;
	[tilespmem:s23+$0x40] =	vst v39  }
0x203: {  	v30 =	vadd.s32 v30, v58;
	[tilespmem:s29+$0x9F0] =	vst v56;
	v33 =	vld.idx.msk [tilespmem:v33+s14+$0x0], $0xffff  }
0x204: {  	v30 =	vor.u32 v25, v30;
	[tilespmem:s23+$0xFFFFFFF0] =	vst v36  }
0x205: {  	[tilespmem:s29+$0xFFFFFFF0] =	vst v31  }
0x206: {  	[tilespmem:s9+$0x9F0] =	vst v32  }
0x207: {  	v59 =	vadd.s32 s26, v5;
	v31 =	vadd.s32 s30, v10;
	[tilespmem:s9+$0xFFFFFFF0] =	vst v35  }
0x208: {  	v31 =	vand.u32 $0xFFFFFFF8, v31;
	v32 =	vshll.u32 v59, $0x9;
	[tilespmem:s23+$0x9F0] =	vst v33  }
0x209: {  	s2 =	smul.u32 $0x2800, s26;
	s0 =	simm.s32 $0x1;
	v31 =	vadd.s32 v32, v31;
	v30 =	vld.idx.msk [tilespmem:v30+s14+$0x0], $0xffff  }
0x20a: {  	s31 =	smul.u32 $0x140, s0;
	v31 =	vor.u32 v26, v31;
	_ =	sdelay $0x1  }
0x20b: {  	s2 =	sshra.s32 s2, $0x2;
	s3 =	sshra.s32 s31, $0x2  }
0x20c: {  	v60 =	vadd.s32 s26, v6;
	v61 =	vadd.s32 s30, v11;
	s28 =	sadd.s32 s3, s2  }
0x20d: {  	v32 =	vshll.u32 v60, $0x9;
	v33 =	vand.u32 $0xFFFFFFF8, v61;
	[tilespmem:s28+$0xE800] =	vst v30  }
0x20e: {  	v30 =	vadd.s32 v32, v33;
	v31 =	vld.idx.msk [tilespmem:v31+s14+$0x0], $0xffff  }
0x20f: {  	p1 =	por $0x1, $0x1;
	v30 =	vor.u32 v27, v30  }
.Ltmp10:
0x210: {  	_ = 	snop;
	(pc) =	sbr.rel @!p1 .LBB2_15-.Ltmp10, $4  }
0x211: {  	v63 =	vadd.s32 s30, v12;
	v62 =	vadd.s32 s26, v7  }
0x212: {  	v33 =	vand.u32 $0xFFFFFFF8, v63;
	v32 =	vshll.u32 v62, $0x9  }
0x213: {  	v32 =	vadd.s32 v32, v33;
	[tilespmem:s28+$0xE810] =	vst v31  }
0x214: {  	p0 =	por $0x0, $0x0;
	v37 =	vadd.s32 s26, v8;
	v43 =	vadd.s32 s30, v13;
	v31 =	vld.idx.msk [tilespmem:v30+s14+$0x0], $0xffff;
	v30 =	vor.u32 v28, v32  }
0x215: {  	v32 =	vand.u32 $0xFFFFFFF8, v43;
	s13 =	simm.s32 $0x2;
	v33 =	vshll.u32 v37, $0x9;
	p0 =	por $0x0, $0x0;
	s0 =	simm.s32 $0x1  }
0x216: {  	v32 =	vadd.s32 v33, v32;
	s0 =	simm.s32 @!p0 $0x0;
	s13 =	simm.s32 @p0 $0x1  }
0x217: {  	v32 =	vor.u32 v29, v32;
	s1 =	sadd.s32 $0x0, s0;
	s3 =	sshll.u32 s13, $0x4  }
0x218: {  	s23 =	sadd.s32 $0x1, s13;
	v45 =	vadd.s32 s1, v4;
	v34 =	vadd.s32 s3, v9;
	v35 =	vadd.s32 s1, v5  }
0x219: {  	s0 =	simm.s32 $0x1;
	p0 =	seq.s32 s23, $0x1F;
	v36 =	vadd.s32 s3, v10;
	v59 =	vadd.s32 s1, v6;
	v34 =	vand.u32 $0xFFFFFFF8, v34  }
0x21a: {  	v33 =	vshll.u32 v45, $0x9;
	s0 =	simm.s32 @!p0 $0x0;
	s23 =	simm.s32 @p0 $0x1;
	v46 =	vand.u32 $0xFFFFFFF8, v36;
	v35 =	vshll.u32 v35, $0x9  }
0x21b: {  	v33 =	vadd.s32 v34, v33;
	s9 =	sadd.s32 s0, s1;
	s7 =	sshll.u32 s23, $0x4;
	v34 =	vadd.s32 v46, v35;
	v46 =	vadd.s32 s3, v11  }
0x21c: {  	v33 =	vor.u32 v25, v33;
	v47 =	vadd.s32 s9, v4;
	v48 =	vadd.s32 s7, v9  }
0x21d: {  	s16 =	sadd.s32 $0x1, s23;
	v38 =	vadd.s32 s9, v5;
	v49 =	vadd.s32 s7, v10;
	v34 =	vor.u32 v26, v34  }
0x21e: {  	s0 =	simm.s32 $0x1;
	p0 =	seq.s32 s16, $0x1F;
	v57 =	vadd.s32 s9, v6;
	v37 =	vand.u32 $0xFFFFFFF8, v48;
	v36 =	vshll.u32 v47, $0x9  }
0x21f: {  	v60 =	vadd.s32 s7, v11;
	v62 =	vand.u32 $0xFFFFFFF8, v46;
	s0 =	simm.s32 @!p0 $0x0;
	s16 =	simm.s32 @p0 $0x1;
	v36 =	vadd.s32 v37, v36  }
0x220: {  	v38 =	vshll.u32 v38, $0x9;
	s22 =	sadd.s32 s0, s9;
	s10 =	sshll.u32 s16, $0x4;
	s0 =	sadd.s32 $0x1, s16;
	v37 =	vand.u32 $0xFFFFFFF8, v49;
	v36 =	vor.u32 v25, v36  }
0x221: {  	s2 =	simm.s32 $0x1;
	[tilespmem:s28+$0xE820] =	vst v31;
	v39 =	vadd.s32 s22, v4;
	v40 =	vadd.s32 s10, v9;
	p0 =	seq.s32 s0, $0x1F;
	v41 =	vadd.s32 s22, v5  }
0x222: {  	v30 =	vld.idx.msk [tilespmem:v30+s14+$0x0], $0xffff;
	v50 =	vadd.s32 s10, v10;
	v40 =	vand.u32 $0xFFFFFFF8, v40;
	v39 =	vshll.u32 v39, $0x9;
	s2 =	simm.s32 @!p0 $0x0;
	s0 =	simm.s32 @p0 $0x1  }
0x223: {  	v37 =	vadd.s32 v37, v38;
	v56 =	vadd.s32 s22, v6;
	s12 =	sshll.u32 s0, $0x4;
	v31 =	vadd.s32 v40, v39;
	s26 =	sadd.s32 s2, s22  }
0x224: {  	v52 =	vadd.s32 s26, v4;
	v42 =	vadd.s32 s12, v9;
	v31 =	vor.u32 v25, v31  }
0x225: {  	v51 =	vshll.u32 v41, $0x9;
	v42 =	vand.u32 $0xFFFFFFF8, v42;
	v41 =	vshll.u32 v52, $0x9  }
0x226: {  	s13 =	smul.u32 $0x140, s13;
	v58 =	vadd.s32 s10, v11;
	v37 =	vor.u32 v26, v37;
	v41 =	vadd.s32 v41, v42  }
0x227: {  	s21 =	smul.u32 $0x2800, s1;
	[tilespmem:s28+$0xE830] =	vst v30;
	v35 =	vshll.u32 v56, $0x9;
	v39 =	vand.u32 $0xFFFFFFF8, v50;
	v41 =	vor.u32 v25, v41  }
0x228: {  	s20 =	smul.u32 $0x140, s23;
	v32 =	vld.idx.msk [tilespmem:v32+s14+$0x0], $0xffff;
	v40 =	vand.u32 $0xFFFFFFF8, v58;
	v50 =	vadd.s32 s9, v7;
	v53 =	vadd.s32 s12, v10  }
0x229: {  	s16 =	smul.u32 $0x140, s16;
	v54 =	vadd.s32 s26, v5;
	v55 =	vadd.s32 v39, v51;
	v44 =	vadd.s32 s26, v6;
	v31 =	vld.idx.msk [tilespmem:v31+s14+$0x0], $0xffff  }
0x22a: {  	s17 =	smul.u32 $0x2800, s22;
	v45 =	vadd.s32 s12, v11;
	v39 =	vshll.u32 v57, $0x9;
	v38 =	vor.u32 v26, v55;
	v36 =	vld.idx.msk [tilespmem:v36+s14+$0x0], $0xffff  }
0x22b: {  	s11 =	smul.u32 $0x2800, s9;
	s20 =	sshra.s32 s20, $0x2;
	s16 =	sshra.s32 s16, $0x2;
	v33 =	vld.idx.msk [tilespmem:v33+s14+$0x0], $0xffff;
	v35 =	vadd.s32 v40, v35;
	v43 =	vand.u32 $0xFFFFFFF8, v53;
	v42 =	vshll.u32 v54, $0x9  }
0x22c: {  	s2 =	sshra.s32 s21, $0x2;
	s17 =	sshra.s32 s17, $0x2;
	s21 =	smul.u32 $0x140, s0;
	v51 =	vadd.s32 s22, v7;
	v56 =	vadd.s32 s26, v7;
	v30 =	vadd.s32 v42, v43;
	v63 =	vld.idx.msk [tilespmem:v41+s14+$0x0], $0xffff  }
0x22d: {  	s11 =	sshra.s32 s11, $0x2;
	s23 =	smul.u32 $0x2800, s26;
	s31 =	sadd.s32 s16, s17;
	v57 =	vadd.s32 s12, v12;
	v40 =	vadd.s32 s1, v8;
	v30 =	vor.u32 v26, v30;
	[tilespmem:s28+$0xE840] =	vst v32  }
0x22e: {  	s13 =	sshra.s32 s13, $0x2;
	s30 =	sadd.s32 s20, s11;
	v61 =	vand.u32 $0xFFFFFFF8, v45;
	v47 =	vshll.u32 v44, $0x9;
	v35 =	vor.u32 v27, v35;
	[tilespmem:s31+$0xE800] =	vst v31  }
0x22f: {  	s29 =	sadd.s32 s13, s2;
	v52 =	vadd.s32 s10, v12;
	v53 =	vadd.s32 s1, v7;
	s2 =	sshra.s32 s23, $0x2;
	s23 =	sshra.s32 s21, $0x2;
	v43 =	vand.u32 $0xFFFFFFF8, v60;
	[tilespmem:s30+$0xE800] =	vst v36;
	v38 =	vld.idx.msk [tilespmem:v38+s14+$0x0], $0xffff  }
0x230: {  	v55 =	vadd.s32 s7, v12;
	v42 =	vshll.u32 v59, $0x9;
	[tilespmem:s29+$0xE800] =	vst v33;
	v39 =	vadd.s32 v43, v39;
	s28 =	sadd.s32 s23, s2;
	v37 =	vld.idx.msk [tilespmem:v37+s14+$0x0], $0xffff  }
0x231: {  	v58 =	vand.u32 $0xFFFFFFF8, v57;
	v48 =	vadd.s32 v62, v42;
	v39 =	vor.u32 v27, v39;
	v34 =	vld.idx.msk [tilespmem:v34+s14+$0x0], $0xffff;
	[tilespmem:s28+$0xE800] =	vst v63  }
0x232: {  	v54 =	vadd.s32 s3, v12;
	v49 =	vor.u32 v27, v48;
	v31 =	vadd.s32 v47, v61;
	v30 =	vld.idx.msk [tilespmem:v30+s14+$0x0], $0xffff  }
0x233: {  	v44 =	vand.u32 $0xFFFFFFF8, v55;
	v32 =	vshll.u32 v50, $0x9;
	v31 =	vor.u32 v27, v31  }
0x234: {  	v43 =	vand.u32 $0xFFFFFFF8, v54;
	v42 =	vshll.u32 v53, $0x9;
	v33 =	vshll.u32 v56, $0x9;
	[tilespmem:s31+$0xE810] =	vst v38  }
0x235: {  	p1 =	por $0x1, $0x1;
	v60 =	vadd.s32 v44, v32;
	v36 =	vshll.u32 v51, $0x9;
	v41 =	vand.u32 $0xFFFFFFF8, v52;
	[tilespmem:s30+$0xE810] =	vst v37;
	v59 =	vld.idx.msk [tilespmem:v35+s14+$0x0], $0xffff  }
.Ltmp11:
0x236: {  	v62 =	vadd.s32 v43, v42;
	v42 =	vadd.s32 s3, v13;
	v36 =	vadd.s32 v41, v36;
	[tilespmem:s29+$0xE810] =	vst v34;
	v34 =	vld.idx.msk [tilespmem:v39+s14+$0x0], $0xffff;
	(pc) =	sbr.rel @!p1 .LBB2_18-.Ltmp11, $4  }
0x237: {  	v44 =	vadd.s32 s7, v13;
	v43 =	vadd.s32 s12, v13;
	v36 =	vor.u32 v28, v36;
	v35 =	vld.idx.msk [tilespmem:v49+s14+$0x0], $0xffff;
	[tilespmem:s28+$0xE810] =	vst v30  }
0x238: {  	v32 =	vor.u32 v28, v62;
	v61 =	vadd.s32 v33, v58;
	v33 =	vor.u32 v28, v60;
	v31 =	vld.idx.msk [tilespmem:v31+s14+$0x0], $0xffff  }
0x239: {  	v41 =	vadd.s32 s9, v8;
	v63 =	vadd.s32 s10, v13;
	v37 =	vadd.s32 s26, v8  }
0x23a: {  	p0 =	por $0x1, $0x1;
	s1 =	simm.s32 $0x4;
	v39 =	vand.u32 $0xFFFFFFF8, v63;
	v38 =	vadd.s32 s22, v8;
	v30 =	vor.u32 v28, v61;
	[tilespmem:s31+$0xE820] =	vst v59  }
.LBB2_17:
0x23b: {  	s1 =	sadd.s32 $0x4, s1;
	[tilespmem:s30+$0xE820] =	vst v34;
	v34 =	vand.u32 $0xFFFFFFF8, v44;
	v41 =	vshll.u32 v41, $0x9;
	v38 =	vshll.u32 v38, $0x9;
	s13 =	sadd.s32 $0x1, s0  }
0x23c: {  	v43 =	vand.u32 $0xFFFFFFF8, v43;
	v40 =	vshll.u32 v40, $0x9;
	p1 =	slt.u32 s1, $0x1DC;
	[tilespmem:s29+$0xE820] =	vst v35;
	v35 =	vand.u32 $0xFFFFFFF8, v42;
	v36 =	vld.idx.msk [tilespmem:v36+s14+$0x0], $0xffff;
	p2 =	seq.s32 s13, $0x1F  }
0x23d: {  	s0 =	simm.s32 $0x1;
	v34 =	vadd.s32 v34, v41;
	[tilespmem:s28+$0xE820] =	vst v31;
	v31 =	vshll.u32 v37, $0x9;
	v33 =	vld.idx.msk [tilespmem:v33+s14+$0x0], $0xffff;
	v37 =	vadd.s32 v39, v38;
	s13 =	simm.s32 @p2 $0x1  }
0x23e: {  	s2 =	simm.s32 $0x1;
	s0 =	simm.s32 @!p2 $0x0;
	v35 =	vadd.s32 v35, v40;
	v31 =	vadd.s32 v31, v43;
	v32 =	vld.idx.msk [tilespmem:v32+s14+$0x0], $0xffff;
	v37 =	vor.u32 v29, v37;
	s17 =	sadd.s32 $0x1, s13  }
0x23f: {  	v34 =	vor.u32 v29, v34;
	s3 =	sadd.s32 s0, s26;
	s7 =	sshll.u32 s13, $0x4;
	v35 =	vor.u32 v29, v35;
	v30 =	vld.idx.msk [tilespmem:v30+s14+$0x0], $0xffff;
	v31 =	vor.u32 v29, v31;
	p2 =	seq.s32 s17, $0x1F  }
0x240: {  	v38 =	vadd.s32 s3, v4;
	v39 =	vadd.s32 s7, v9;
	s0 =	smul.u32 $0x2800, s3;
	v40 =	vadd.s32 s3, v5;
	s2 =	simm.s32 @!p2 $0x0  }
0x241: {  	v41 =	vadd.s32 s7, v10;
	v39 =	vand.u32 $0xFFFFFFF8, v39;
	v38 =	vshll.u32 v38, $0x9;
	s17 =	simm.s32 @p2 $0x1;
	s10 =	sadd.s32 s2, s3  }
0x242: {  	v40 =	vshll.u32 v40, $0x9;
	v38 =	vadd.s32 v39, v38;
	v39 =	vand.u32 $0xFFFFFFF8, v41;
	s9 =	sshll.u32 s17, $0x4;
	s2 =	sadd.s32 $0x1, s17;
	s16 =	sshra.s32 s0, $0x2;
	[tilespmem:s31+$0xE830] =	vst v36  }
0x243: {  	s0 =	simm.s32 $0x1;
	v36 =	vor.u32 v25, v38;
	v38 =	vadd.s32 s10, v4;
	v41 =	vadd.s32 s9, v9;
	s11 =	smul.u32 $0x2800, s10;
	p2 =	seq.s32 s2, $0x1F;
	[tilespmem:s30+$0xE830] =	vst v33;
	v33 =	vld.idx.msk [tilespmem:v37+s14+$0x0], $0xffff  }
0x244: {  	s21 =	simm.s32 $0x1;
	v37 =	vand.u32 $0xFFFFFFF8, v41;
	v38 =	vshll.u32 v38, $0x9;
	v41 =	vadd.s32 s10, v5;
	s0 =	simm.s32 @!p2 $0x0;
	s2 =	simm.s32 @p2 $0x1;
	[tilespmem:s29+$0xE830] =	vst v32;
	v32 =	vld.idx.msk [tilespmem:v34+s14+$0x0], $0xffff  }
0x245: {  	v34 =	vadd.s32 s9, v10;
	s23 =	sadd.s32 s0, s10;
	s22 =	sshll.u32 s2, $0x4;
	s0 =	sadd.s32 $0x1, s2;
	[tilespmem:s28+$0xE830] =	vst v30;
	v30 =	vadd.s32 v37, v38;
	v37 =	vshll.u32 v41, $0x9;
	v35 =	vld.idx.msk [tilespmem:v35+s14+$0x0], $0xffff  }
0x246: {  	s11 =	sshra.s32 s11, $0x2;
	v38 =	vadd.s32 s23, v4;
	v41 =	vadd.s32 s22, v9;
	s20 =	smul.u32 $0x2800, s23;
	p2 =	seq.s32 s0, $0x1F;
	v31 =	vld.idx.msk [tilespmem:v31+s14+$0x0], $0xffff;
	v30 =	vor.u32 v25, v30  }
0x247: {  	v42 =	vadd.s32 s23, v5;
	v41 =	vand.u32 $0xFFFFFFF8, v41;
	v38 =	vshll.u32 v38, $0x9;
	s21 =	simm.s32 @!p2 $0x0;
	s0 =	simm.s32 @p2 $0x1  }
0x248: {  	s2 =	smul.u32 $0x140, s2;
	v42 =	vshll.u32 v42, $0x9;
	s12 =	sshll.u32 s0, $0x4;
	v38 =	vadd.s32 v41, v38;
	v41 =	vadd.s32 s22, v10;
	s26 =	sadd.s32 s21, s23;
	v36 =	vld.idx.msk [tilespmem:v36+s14+$0x0], $0xffff  }
0x249: {  	s17 =	smul.u32 $0x140, s17;
	s20 =	sshra.s32 s20, $0x2;
	v43 =	vadd.s32 s26, v4;
	v44 =	vadd.s32 s12, v9;
	v38 =	vor.u32 v25, v38;
	[tilespmem:s31+$0xE840] =	vst v33  }
0x24a: {  	s13 =	smul.u32 $0x140, s13;
	s2 =	sshra.s32 s2, $0x2;
	v33 =	vand.u32 $0xFFFFFFF8, v44;
	v43 =	vshll.u32 v43, $0x9;
	v44 =	vadd.s32 s12, v10;
	[tilespmem:s30+$0xE840] =	vst v32  }
0x24b: {  	s17 =	sshra.s32 s17, $0x2;
	s21 =	smul.u32 $0x2800, s26;
	v41 =	vand.u32 $0xFFFFFFF8, v41;
	s31 =	sadd.s32 s2, s20;
	v32 =	vadd.s32 v43, v33;
	v33 =	vadd.s32 s26, v5;
	v30 =	vld.idx.msk [tilespmem:v30+s14+$0x0], $0xffff;
	[tilespmem:s29+$0xE840] =	vst v35  }
0x24c: {  	s13 =	sshra.s32 s13, $0x2;
	s2 =	smul.u32 $0x140, s0;
	s30 =	sadd.s32 s17, s11;
	v32 =	vor.u32 v25, v32;
	v35 =	vand.u32 $0xFFFFFFF8, v44;
	[tilespmem:s28+$0xE840] =	vst v31;
	v31 =	vand.u32 $0xFFFFFFF8, v34  }
0x24d: {  	s11 =	sshra.s32 s21, $0x2;
	v33 =	vshll.u32 v33, $0x9;
	s29 =	sadd.s32 s13, s16;
	v34 =	vadd.s32 v41, v42;
	v31 =	vadd.s32 v31, v37  }
0x24e: {  	s2 =	sshra.s32 s2, $0x2;
	v33 =	vadd.s32 v33, v35;
	v35 =	vadd.s32 v39, v40;
	v37 =	vadd.s32 s23, v6;
	[tilespmem:s29+$0xE800] =	vst v36;
	v36 =	vld.idx.msk [tilespmem:v38+s14+$0x0], $0xffff  }
0x24f: {  	s28 =	sadd.s32 s2, s11;
	v35 =	vor.u32 v26, v35;
	v34 =	vor.u32 v26, v34;
	v31 =	vor.u32 v26, v31  }
0x250: {  	v39 =	vadd.s32 s22, v11;
	v33 =	vor.u32 v26, v33;
	v38 =	vadd.s32 s10, v6  }
0x251: {  	v40 =	vadd.s32 s3, v6;
	v39 =	vand.u32 $0xFFFFFFF8, v39;
	v32 =	vld.idx.msk [tilespmem:v32+s14+$0x0], $0xffff;
	[tilespmem:s30+$0xE800] =	vst v30;
	v30 =	vadd.s32 s9, v11  }
0x252: {  	v43 =	vadd.s32 s7, v11;
	v41 =	vadd.s32 s26, v6;
	v42 =	vadd.s32 s12, v11  }
0x253: {  	v37 =	vshll.u32 v37, $0x9;
	v38 =	vshll.u32 v38, $0x9;
	v30 =	vand.u32 $0xFFFFFFF8, v30  }
0x254: {  	v43 =	vand.u32 $0xFFFFFFF8, v43;
	v42 =	vand.u32 $0xFFFFFFF8, v42;
	v40 =	vshll.u32 v40, $0x9;
	v31 =	vld.idx.msk [tilespmem:v31+s14+$0x0], $0xffff;
	[tilespmem:s31+$0xE800] =	vst v36  }
0x255: {  	v37 =	vadd.s32 v39, v37;
	v30 =	vadd.s32 v30, v38;
	v36 =	vshll.u32 v41, $0x9;
	v34 =	vld.idx.msk [tilespmem:v34+s14+$0x0], $0xffff  }
0x256: {  	v37 =	vor.u32 v27, v37;
	v38 =	vadd.s32 v43, v40;
	v36 =	vadd.s32 v36, v42;
	v35 =	vld.idx.msk [tilespmem:v35+s14+$0x0], $0xffff  }
0x257: {  	v30 =	vor.u32 v27, v30;
	[tilespmem:s28+$0xE800] =	vst v32;
	v32 =	vor.u32 v27, v36;
	v36 =	vor.u32 v27, v38  }
0x258: {  	v39 =	vadd.s32 s23, v7;
	v40 =	vadd.s32 s22, v12;
	v38 =	vadd.s32 s10, v7;
	v33 =	vld.idx.msk [tilespmem:v33+s14+$0x0], $0xffff  }
0x259: {  	v43 =	vadd.s32 s9, v12;
	v41 =	vadd.s32 s3, v7;
	v42 =	vadd.s32 s7, v12  }
0x25a: {  	v45 =	vadd.s32 s12, v12;
	v44 =	vadd.s32 s26, v7;
	[tilespmem:s30+$0xE810] =	vst v31;
	v31 =	vand.u32 $0xFFFFFFF8, v40  }
0x25b: {  	v39 =	vshll.u32 v39, $0x9;
	v38 =	vshll.u32 v38, $0x9;
	v40 =	vand.u32 $0xFFFFFFF8, v43;
	[tilespmem:s31+$0xE810] =	vst v34  }
0x25c: {  	v41 =	vshll.u32 v41, $0x9;
	v42 =	vand.u32 $0xFFFFFFF8, v42;
	v43 =	vand.u32 $0xFFFFFFF8, v45;
	[tilespmem:s29+$0xE810] =	vst v35;
	v45 =	vld.idx.msk [tilespmem:v37+s14+$0x0], $0xffff  }
0x25d: {  	v35 =	vshll.u32 v44, $0x9;
	v37 =	vadd.s32 v31, v39;
	v34 =	vld.idx.msk [tilespmem:v30+s14+$0x0], $0xffff;
	v30 =	vadd.s32 v40, v38  }
.Ltmp12:
0x25e: {  	v39 =	vadd.s32 v35, v43;
	v38 =	vadd.s32 s23, v8;
	[tilespmem:s28+$0xE810] =	vst v33;
	v35 =	vld.idx.msk [tilespmem:v36+s14+$0x0], $0xffff;
	v33 =	vadd.s32 v42, v41;
	(pc) =	sbr.rel @p1 .LBB2_17-.Ltmp12, $4  }
0x25f: {  	v36 =	vor.u32 v28, v37;
	v31 =	vld.idx.msk [tilespmem:v32+s14+$0x0], $0xffff;
	v32 =	vor.u32 v28, v33;
	v33 =	vor.u32 v28, v30  }
0x260: {  	v41 =	vadd.s32 s10, v8;
	v30 =	vor.u32 v28, v39;
	v39 =	vadd.s32 s22, v13  }
0x261: {  	v44 =	vadd.s32 s9, v13;
	v40 =	vadd.s32 s3, v8;
	v42 =	vadd.s32 s7, v13  }
0x262: {  	v43 =	vadd.s32 s12, v13;
	v37 =	vadd.s32 s26, v8;
	v39 =	vand.u32 $0xFFFFFFF8, v39;
	[tilespmem:s31+$0xE820] =	vst v45  }
.LBB2_18:
0x263: {  	s13 =	sadd.s32 $0x1, s0  }
0x264: {  	p1 =	seq.s32 s13, $0x1F  }
0x265: {  	s13 =	simm.s32 @p1 $0x1  }
0x266: {  	s0 =	simm.s32 $0x1;
	s12 =	sadd.s32 $0x1, s13  }
0x267: {  	v44 =	vand.u32 @p0 $0xFFFFFFF8, v44;
	v41 =	vshll.u32 @p0 v41, $0x9;
	v38 =	vshll.u32 @p0 v38, $0x9;
	s0 =	simm.s32 @!p1 $0x0;
	p1 =	seq.s32 s12, $0x1F  }
0x268: {  	v43 =	vand.u32 $0xFFFFFFF8, v43;
	v42 =	vand.u32 @p0 $0xFFFFFFF8, v42;
	v40 =	vshll.u32 @p0 v40, $0x9;
	s1 =	sadd.s32 s0, s26;
	s0 =	sshll.u32 s13, $0x4;
	s12 =	simm.s32 @p1 $0x1  }
0x269: {  	v37 =	vshll.u32 v37, $0x9;
	s2 =	simm.s32 $0x1;
	v45 =	vadd.s32 s1, v4;
	v46 =	vadd.s32 s0, v9;
	s11 =	sadd.s32 $0x1, s12  }
0x26a: {  	s3 =	simm.s32 $0x1;
	v41 =	vadd.s32 @p0 v44, v41;
	v49 =	vand.u32 $0xFFFFFFF8, v46;
	v45 =	vshll.u32 v45, $0x9;
	s2 =	simm.s32 @!p1 $0x0;
	p1 =	seq.s32 s11, $0x1F  }
0x26b: {  	v38 =	vadd.s32 @p0 v39, v38;
	v37 =	vadd.s32 v37, v43;
	v50 =	vadd.s32 v49, v45;
	s7 =	sadd.s32 s2, s1;
	s3 =	simm.s32 @!p1 $0x0;
	s11 =	simm.s32 @p1 $0x1  }
0x26c: {  	v40 =	vadd.s32 @p0 v42, v40;
	v38 =	vor.u32 @p0 v29, v38;
	v39 =	vor.u32 v25, v50;
	s10 =	sadd.s32 s3, s7;
	s9 =	sshll.u32 s11, $0x4  }
0x26d: {  	v51 =	vadd.s32 s7, v4;
	s3 =	sshll.u32 s12, $0x4;
	v52 =	vadd.s32 s10, v4;
	v53 =	vadd.s32 s9, v9  }
0x26e: {  	v54 =	vadd.s32 s3, v9;
	v44 =	vand.u32 $0xFFFFFFF8, v53;
	v43 =	vshll.u32 v52, $0x9  }
0x26f: {  	v42 =	vshll.u32 v51, $0x9;
	v45 =	vand.u32 $0xFFFFFFF8, v54;
	v43 =	vadd.s32 v44, v43  }
0x270: {  	v37 =	vor.u32 v29, v37;
	v42 =	vadd.s32 v45, v42;
	v43 =	vor.u32 v25, v43  }
0x271: {  	v40 =	vor.u32 @p0 v29, v40;
	v55 =	vadd.s32 s1, v5;
	v42 =	vor.u32 v25, v42  }
0x272: {  	v56 =	vadd.s32 s0, v10;
	s20 =	smul.u32 $0x2800, s1;
	v57 =	vadd.s32 s7, v5;
	v60 =	vadd.s32 s7, v6  }
0x273: {  	s13 =	smul.u32 $0x140, s13;
	v46 =	vshll.u32 v57, $0x9;
	v47 =	vadd.s32 s10, v5;
	v48 =	vadd.s32 s9, v10  }
0x274: {  	s2 =	sshra.s32 s20, $0x2;
	s20 =	smul.u32 $0x140, s12;
	v49 =	vadd.s32 s3, v10;
	v47 =	vshll.u32 v47, $0x9;
	v48 =	vand.u32 $0xFFFFFFF8, v48;
	v39 =	vld.idx.msk [tilespmem:v39+s14+$0x0], $0xffff  }
0x275: {  	s11 =	smul.u32 $0x140, s11;
	v49 =	vand.u32 $0xFFFFFFF8, v49;
	v45 =	vand.u32 $0xFFFFFFF8, v56;
	v47 =	vadd.s32 v48, v47;
	v43 =	vld.idx.msk [tilespmem:v43+s14+$0x0], $0xffff  }
0x276: {  	s17 =	smul.u32 $0x2800, s10;
	v44 =	vshll.u32 v55, $0x9;
	v46 =	vadd.s32 v49, v46;
	v58 =	vor.u32 v26, v47;
	v42 =	vld.idx.msk [tilespmem:v42+s14+$0x0], $0xffff  }
0x277: {  	s21 =	sshra.s32 s13, $0x2;
	s16 =	smul.u32 $0x2800, s7;
	v50 =	vadd.s32 s1, v6;
	v44 =	vadd.s32 v45, v44;
	v46 =	vor.u32 v26, v46  }
0x278: {  	v51 =	vadd.s32 s0, v11;
	s12 =	sadd.s32 s21, s2;
	v59 =	vadd.s32 s10, v6;
	s11 =	sshra.s32 s11, $0x2;
	s22 =	sshra.s32 s17, $0x2;
	v44 =	vor.u32 v26, v44  }
0x279: {  	s26 =	sshra.s32 s20, $0x2;
	s23 =	sshra.s32 s16, $0x2;
	v61 =	vadd.s32 s9, v11;
	v62 =	vadd.s32 s3, v11;
	v52 =	vshll.u32 v60, $0x9;
	s13 =	sadd.s32 s11, s22;
	[tilespmem:s12+$0xE800] =	vst v39  }
0x27a: {  	v53 =	vshll.u32 v50, $0x9;
	v49 =	vand.u32 $0xFFFFFFF8, v61;
	v47 =	vshll.u32 v59, $0x9;
	s22 =	sadd.s32 s26, s23;
	[tilespmem:s13+$0xE800] =	vst v43  }
0x27b: {  	v60 =	vadd.s32 s9, v12;
	v63 =	vadd.s32 v49, v47;
	v39 =	vand.u32 $0xFFFFFFF8, v62;
	[tilespmem:s22+$0xE800] =	vst v42;
	v45 =	vld.idx.msk [tilespmem:v58+s14+$0x0], $0xffff  }
0x27c: {  	v47 =	vand.u32 $0xFFFFFFF8, v51;
	v39 =	vadd.s32 v39, v52;
	v43 =	vor.u32 v27, v63;
	v46 =	vld.idx.msk [tilespmem:v46+s14+$0x0], $0xffff  }
0x27d: {  	v59 =	vadd.s32 s10, v7;
	v54 =	vadd.s32 v47, v53;
	v44 =	vld.idx.msk [tilespmem:v44+s14+$0x0], $0xffff;
	v39 =	vor.u32 v27, v39  }
0x27e: {  	[tilespmem:s29+$0xE820] =	vst @p0 v35;
	v35 =	vld.idx.msk @p0 [tilespmem:v36+s14+$0x0], $0xffff;
	v61 =	vand.u32 $0xFFFFFFF8, v60;
	v36 =	vshll.u32 v59, $0x9;
	v57 =	vor.u32 v27, v54  }
0x27f: {  	[tilespmem:s30+$0xE820] =	vst @p0 v34;
	v41 =	vor.u32 @p0 v29, v41;
	v55 =	vadd.s32 s7, v7;
	v36 =	vadd.s32 v61, v36  }
0x280: {  	v33 =	vld.idx.msk @p0 [tilespmem:v33+s14+$0x0], $0xffff;
	v56 =	vadd.s32 s3, v12;
	v47 =	vshll.u32 v55, $0x9;
	v36 =	vor.u32 v28, v36;
	[tilespmem:s13+$0xE810] =	vst v45  }
0x281: {  	v62 =	vadd.s32 s1, v7;
	v63 =	vadd.s32 s0, v12;
	v58 =	vand.u32 $0xFFFFFFF8, v56;
	[tilespmem:s22+$0xE810] =	vst v46;
	v43 =	vld.idx.msk [tilespmem:v43+s14+$0x0], $0xffff  }
0x282: {  	v49 =	vshll.u32 v62, $0x9;
	[tilespmem:s12+$0xE810] =	vst v44;
	v48 =	vand.u32 $0xFFFFFFF8, v63;
	v42 =	vadd.s32 v58, v47;
	v39 =	vld.idx.msk [tilespmem:v39+s14+$0x0], $0xffff  }
0x283: {  	[tilespmem:s28+$0xE820] =	vst v31;
	v51 =	vadd.s32 s10, v8;
	v31 =	vld.idx.msk [tilespmem:v57+s14+$0x0], $0xffff;
	v50 =	vadd.s32 v48, v49;
	v42 =	vor.u32 v28, v42  }
0x284: {  	v30 =	vld.idx.msk [tilespmem:v30+s14+$0x0], $0xffff;
	[tilespmem:s31+$0xE830] =	vst @p0 v35;
	v53 =	vadd.s32 s9, v13;
	v52 =	vadd.s32 s7, v8;
	v34 =	vor.u32 v28, v50  }
0x285: {  	v32 =	vld.idx.msk @p0 [tilespmem:v32+s14+$0x0], $0xffff;
	[tilespmem:s30+$0xE830] =	vst @p0 v33;
	v55 =	vadd.s32 s0, v13;
	v35 =	vshll.u32 v52, $0x9;
	v56 =	vadd.s32 s3, v13  }
0x286: {  	v38 =	vld.idx.msk @p0 [tilespmem:v38+s14+$0x0], $0xffff;
	v44 =	vshll.u32 v51, $0x9;
	v57 =	vand.u32 $0xFFFFFFF8, v56;
	v45 =	vand.u32 $0xFFFFFFF8, v53;
	[tilespmem:s13+$0xE820] =	vst v43  }
0x287: {  	v54 =	vadd.s32 s1, v8;
	v35 =	vadd.s32 v57, v35;
	v44 =	vadd.s32 v45, v44;
	[tilespmem:s22+$0xE820] =	vst v39;
	v36 =	vld.idx.msk [tilespmem:v36+s14+$0x0], $0xffff  }
0x288: {  	[tilespmem:s12+$0xE820] =	vst v31;
	v31 =	vshll.u32 v54, $0x9;
	v59 =	vor.u32 v29, v44;
	v43 =	vand.u32 $0xFFFFFFF8, v55;
	v58 =	vld.idx.msk [tilespmem:v42+s14+$0x0], $0xffff  }
0x289: {  	[tilespmem:s28+$0xE830] =	vst v30;
	v61 =	vor.u32 v29, v35;
	v60 =	vld.idx.msk [tilespmem:v34+s14+$0x0], $0xffff;
	v31 =	vadd.s32 v43, v31  }
0x28a: {  	[tilespmem:s29+$0xE830] =	vst @p0 v32;
	v37 =	vld.idx.msk [tilespmem:v37+s14+$0x0], $0xffff;
	v30 =	vor.u32 v29, v31  }
0x28b: {  	[tilespmem:s31+$0xE840] =	vst @p0 v38;
	v35 =	vld.idx.msk @p0 [tilespmem:v41+s14+$0x0], $0xffff  }
0x28c: {  	v31 =	vld.idx.msk @p0 [tilespmem:v40+s14+$0x0], $0xffff;
	[tilespmem:s13+$0xE830] =	vst v36  }
0x28d: {  	[tilespmem:s22+$0xE830] =	vst v58;
	v62 =	vld.idx.msk [tilespmem:v59+s14+$0x0], $0xffff  }
0x28e: {  	[tilespmem:s12+$0xE830] =	vst v60;
	v63 =	vld.idx.msk [tilespmem:v61+s14+$0x0], $0xffff  }
0x28f: {  	[tilespmem:s28+$0xE840] =	vst v37;
	v30 =	vld.idx.msk [tilespmem:v30+s14+$0x0], $0xffff  }
0x290: {  	s24 =	sadd.s32 $0x1, s24;
	[tilespmem:s30+$0xE840] =	vst @p0 v35  }
0x291: {  	[tilespmem:s29+$0xE840] =	vst @p0 v31;
	p0 =	sne.s32 s24, $0x8  }
.Ltmp13:
0x292: {  	[tilespmem:s13+$0xE840] =	vst v62;
	(pc) =	sbr.rel @p0 .LBB2_2-.Ltmp13, $4  }
.Ltmp14:
0x293: {  	s29 =	sor.u32 $0x10, s25;
	[tilespmem:s22+$0xE840] =	vst v63;
	(pc) =	sbr.rel @!p0 .LBB2_19-.Ltmp14, $4  }
0x294: {  	[tilespmem:s12+$0xE840] =	vst v30;
	v30 =	vadd.s32 s29, v15  }
0x295: {  	s31 =	simm.s32 $0xE800;
	s30 =	simm.s32 $0x189A0;
	[tilespmem:$0x189A0] =	vst v30  }
0x296: {  	[hbm4b:s4+s15] =	stream.indirect.scatter [tilespmem:s31], [sflag:$0x4], $0xA00, s30, s15, $0xb8;
	[tilespmem:$0x189B0] =	vst v63  }
0x297: {  	_ = 	snop  }
.LBB2_5:
.Ltmp15:
0x298: {  	(pc) =	sbr.rel .LBB2_8-.Ltmp15, $2  }
0x299: {  	_ =	sdelay $0x2  }
0x29a: {  	_ = 	snop  }
.LBB2_15:
.Ltmp16:
0x29b: {  	(pc) =	sbr.rel .LBB2_18-.Ltmp16, $2  }
0x29c: {  	_ =	sdelay $0x2  }
0x29d: {  	_ = 	snop  }
.LBB2_20:
0x29e: {  	_ =	sfence.sel $0x180000  }
0x29f: {  	[bflag:$0x0] =	sbarrier.arrive $0xFFFF  }
0x2a0: {  	_ =	strace $0x90000047  }
0x2a1: {  	s0 =	stileid.u32;
	[bflag:$0x2] =	sbarrier.arrive $0xFFFF  }
0x2a2: {  	p0 =	sne.s32 s0, $0x0;
	s0 =	rddreg [dreg:$0x2]  }
0x2a3: {  	s0 =	sadd.s32 @!p0 $0x100000, s0  }
0x2a4: {  	[sflag:s0] =	ssyncadd.tile.s32 @!p0 $0x1;
	_ =	shalt  }
.Lfunc_end2:
_tile_overlayer_lowered:
.L_overlay_start_2:
0x2a5: {  	(tag) =	ssettag $0x2  }
0x2a6: {  	s0 =	rddreg [dreg:$0x0];
	s2 =	stileid.u32  }
0x2a7: {  	s1 =	rddreg [dreg:$0x1];
	p0 =	sne.s32 s2, $0x0  }
0x2a8: {  	s3 =	rddreg [dreg:$0x2];
	[bflag:$0x3] =	sbarrier.arrive $0xFFFF;
	s2 =	simm.s32 @!p0 $0x1C05  }
0x2a9: {  	[timem:s3], [sflag:s2] =	dma.local @!p0 [hbm:s0], s1  }
0x2aa: {  	s0 =	simm.s32 @!p0 $0x5  }
0x2ab: {  	_ =	swait.ge @!p0 [sflag:s0], s1  }
0x2ac: {  	s1 =	ssub.s32 @!p0 $0x0, s1;
	[sflag:s0] =	ssyncset.done @!p0 $0x0  }
0x2ad: {  	[sflag:s0] =	ssyncadd.s32 @!p0 s1  }
0x2ae: {  	[bflag:$0x3] =	sbarrier.arrive $0xFFFF  }
0x2af: {  	_ =	shalt  }

// kernel: sparse-core-data-format-call.1.cloned.1.call-start
scs
called_computation.1_lowered:
.L_overlay_start_0:
0x0: {  	s2 =	sld [smem:$0x3FD9]  }
0x1: {  	s3 =	sld [smem:$0x3FFE];
	_ =	sdelay $0x1  }
0x2: {  	s1 =	srdreg.scid  }
0x3: {  	s0 =	sand.u32 $0x1, s1  }
0x4: {  	s18 =	sshll.u32 s0, $0xA;
	s2 =	sadd.s32 s3, s2  }
0x5: {  	s2 =	sadd.s32 s2, s18  }
0x6: {  	[smem:$0x3FC7] =	sst s2  }
0x7: {  	_ = 	snop  }
0x8: {  	s2 =	sld [smem:$0x3FD0];
	(tm) =	ssettm $0x1  }
0x9: {  	s19 =	sld [smem:$0x3FFB];
	_ =	sdelay $0x3  }
0xa: {  	_ =	strace s19  }
0xb: {  	s3 =	sld [smem:$0x3FFC];
	_ =	sdelay $0x3  }
0xc: {  	_ =	strace s3  }
0xd: {  	s3 =	sld [smem:$0x3FFD];
	_ =	sdelay $0x3  }
0xe: {  	_ =	strace s3  }
0xf: {  	_ =	strace $0x8FFFFFFF  }
0x10: {  	s20 =	sld [smem:$0x3FDB];
	_ =	sdelay $0x1  }
0x11: {  	s4 =	simm.s32 $_scs_section_size  }
0x12: {  	s5 =	simm.s32 $_size__tile_overlayer_lowered;
	s6 =	simm.s32 $_tile_overlayer_lowered  }
0x13: {  	s23 =	simm.s32 $0x1BFF;
	s22 =	sshll.u32 s6, $0x1;
	s3 =	sadd.s32 s4, s20  }
0x14: {  	s7 =	simm.s32 $0x0;
	s21 =	sshll.u32 s5, $0x1;
	s5 =	sadd.s32 s22, s3  }
0x15: {  	[timem:s7], [sflag:s23] =	dma.local [hbm:s5], s21  }
0x16: {  	_ =	swait.ge [sflag:s23], s21  }
0x17: {  	s4 =	ssub.s32 $0x0, s21;
	[sflag:s23] =	ssyncset.done $0x0  }
0x18: {  	[sflag:s23] =	ssyncadd.s32 s4;
	_ =	sdelay $0x1  }
0x19: {  	s24 =	simm.s32 $0x1B8B  }
0x1a: {  	_ =	swait.ge [sflag:s24], $0x1  }
0x1b: {  	[sflag:s24] =	ssyncset.done $0x0  }
0x1c: {  	s26 =	simm.s32 $0x1B8E;
	s25 =	sld [smem:$0x3FFE];
	[sflag:s24] =	ssyncadd.s32 $0xFFFFFFFF  }
0x1d: {  	s27 =	simm.s32 $execute0_lowered;
	[smem:$0x3FD2] =	sst s26  }
0x1e: {  	s5 =	sshll.u32 s27, $0x1;
	_ =	strace $0x80000049;
	[dreg:$0x1] =	wrdreg $0xFFFFFFFF  }
0x1f: {  	s28 =	simm.s32 $_size_execute0_lowered;
	s3 =	sadd.s32 s3, s5;
	[dreg:$0x0] =	wrdreg $0x0  }
0x20: {  	s5 =	sshll.u32 s28, $0x1;
	[dreg:$0x2] =	wrdreg s3  }
0x21: {  	[dreg:$0x3] =	wrdreg s5  }
0x22: {  	[dreg:$0x4] =	wrdreg $0xC0  }
0x23: {  	_ =	task [dreg:s7], $0x5FFFF  }
0x24: {  	[dreg:$0x1] =	wrdreg $0xFFFFFFFF  }
0x25: {  	[dreg:$0x0] =	wrdreg $0x60  }
0x26: {  	[dreg:$0x2] =	wrdreg s2  }
0x27: {  	[dreg:$0x3] =	wrdreg s25  }
0x28: {  	[dreg:$0x4] =	wrdreg $0x9  }
0x29: {  	_ =	task.clear_ibuf [dreg:s7], $0x5FFFF;
	_ =	strace $0x90000049  }
0x2a: {  	s29 =	simm.s32 $0x9;
	_ =	strace $0x8000004B  }
0x2b: {  	_ =	swait.ge [sflag:s29], $0x1  }
0x2c: {  	[sflag:s29] =	ssyncadd.s32 $0xFFFFFFFF  }
0x2d: {  	_ =	strace $0x9000004B  }
0x2e: {  	_ =	sfence  }
0x2f: {  	s30 =	sld [smem:$0x0];
	_ =	sdelay $0x2  }
0x30: {  	s31 =	sshll.u32 s1, $0xD;
	s1 =	sshrl.u32 s1, $0x2  }
0x31: {  	s3 =	sand.u32 $0x4000, s31;
	s1 =	sadd.s32 s1, s30  }
0x32: {  	s0 =	sor.u32 s3, s0;
	s1 =	sshll.u32 s1, $0x11  }
0x33: {  	s0 =	sor.u32 s1, s0  }
0x34: {  	s0 =	sadd.s32 $0x8F2B, s0  }
0x35: {  	[sflag:s0] =	ssyncadd.remote.s32 $0x1  }
0x36: {  	_ =	sfence.sel $0xFFFF  }
0x37: {  	[dreg:$0x0] =	wrdreg $0xFFFFFFFF;
	(pc) =	sbr.abs _section_cstart, $3  }
0x38: {  	[dreg:$0x1] =	wrdreg $0xFFFFFFFF  }
0x39: {  	_ =	task.clear_ibuf [dreg:s7], $0x2FFFF;
	_ =	strace $0x9FFFFFFF  }
0x3a: {  	(tm) =	ssettm $0x7FFFFFFF  }
0x3b: {  	_ =	shalt  }
tec
execute0_lowered:
.L_overlay_start_1:
0x0: {  	(tag) =	ssettag $0x1  }
0x1: {  	s0 =	srdreg.scid  }
0x2: {  	s1 =	sshll.u32 s0, $0x4  }
0x3: {  	s0 =	stileid.u32;
	s1 =	sand.u32 $0x10, s1  }
0x4: {  	s3 =	rddreg [dreg:$0x0];
	s1 =	sor.u32 s0, s1  }
0x5: {  	s6 =	rddreg [dreg:$0x1];
	s2 =	sshll.u32 s1, $0x7  }
0x6: {  	s7 =	simm.s32 $0x2;
	s13 =	simm.s32 $0x0;
	s1 =	ssub.s32 $0x2000, s2  }
0x7: {  	s8 =	simm.s32 $0x10000;
	s12 =	simm.s32 $0x0;
	s4 =	sand.u32 $0xF80, s1  }
0x8: {  	s9 =	simm.s32 $0x0;
	p0 =	sne.s32 s4, $0x0;
	s4 =	simm.s32 $0x1  }
.Ltmp0:
0x9: {  	s5 =	sshrl.u32 s1, $0xC;
	s4 =	simm.s32 @!p0 $0x0;
	(pc) =	sbr.rel .LBB1_1-.Ltmp0, $4  }
0xa: {  	s11 =	simm.s32 $0x0;
	s1 =	rddreg [dreg:$0x2];
	s5 =	sadd.s32 s4, s5  }
0xb: {  	_ =	strace $0x8000004A;
	s4 =	simm.s32 $0x1;
	s5 =	smul.u32 $0x14, s5  }
0xc: {  	s6 =	sadd.s32 $0xC00, s6;
	s10 =	smov.u32 s2;
	[sflag:s4] =	ssyncpa.u1 $0x0  }
0xd: {  	p0 =	por $0x0, $0x0;
	[sflag:s7] =	ssyncpa.u1 $0x0;
	s7 =	sor.u32 $0x1, s5  }
.LBB1_4:
0xe: {  	v5 =	vld [tilespmem:s16+$0xFFFFFFD0];
	[tilespmem:s17+$0x2040 ss:$0x81] =	vst.msk $0xffff, v3  }
0xf: {  	v58 =	vld [tilespmem:s16+$0xFFFFFFE0];
	[tilespmem:s17+$0x2850 ss:$0x81] =	vst.msk $0xffff, v4;
	s19 =	sshll.u32 s13, $0xD;
	s20 =	sshll.u32 s12, $0x3  }
0x10: {  	s18 =	sshra.s32 s18, $0x2;
	v59 =	vld [tilespmem:s16+$0xFFFFFFF0];
	[tilespmem:s17+$0x3060 ss:$0x81] =	vst.msk $0xffff, v2;
	s19 =	sand.u32 $0xFFFF0000, s19;
	s21 =	sand.u32 $0xFFFFFC00, s20  }
0x11: {  	[tilespmem:s17+$0x0 ss:$0x81] =	vst.msk $0xffff, v0;
	v60 =	vld [tilespmem:s16+$0x0];
	s15 =	sadd.s32 s18, s15;
	s25 =	sadd.s32 s21, s19  }
0x12: {  	v61 =	vld [tilespmem:s16+$0x10];
	[tilespmem:s15+$0x3870 ss:$0x81] =	vst.msk $0xffff, v1;
	s17 =	sshrl.u32 s25, $0xD  }
0x13: {  	v62 =	vld [tilespmem:s16+$0x20];
	s26 =	smulhi.u32 $0x19999A, s17;
	[tilespmem:s15+$0x810 ss:$0x81] =	vst.msk $0xffff, v5  }
0x14: {  	v63 =	vld [tilespmem:s16+$0xFFFFFFC0];
	s27 =	sand.u32 $0x78, s12;
	s28 =	sshll.u32 s13, $0x7;
	s29 =	sand.u32 $0x1C00, s20;
	[tilespmem:s15+$0x1020 ss:$0x81] =	vst.msk $0xffff, v58  }
0x15: {  	s13 =	sand.u32 $0x380, s28;
	s16 =	sor.u32 s27, s29;
	[tilespmem:s15+$0x1830 ss:$0x81] =	vst.msk $0xffff, v59;
	s18 =	smul.u32 $0xA00, s26  }
0x16: {  	s13 =	sor.u32 s13, s16;
	[tilespmem:s15+$0x2040 ss:$0x81] =	vst.msk $0xffff, v60  }
0x17: {  	s31 =	sand.u32 $0x7, s12;
	s13 =	sshrl.u32 s13, $0x3;
	[tilespmem:s15+$0x2850 ss:$0x81] =	vst.msk $0xffff, v61;
	s30 =	ssub.s32 s17, s18  }
0x18: {  	s12 =	sshll.u32 s31, $0x12;
	[tilespmem:s15+$0x3060 ss:$0x81] =	vst.msk $0xffff, v62;
	s13 =	sadd.s32 s6, s13;
	s16 =	sshll.u32 s30, $0xA  }
0x19: {  	s12 =	sor.u32 $0x400, s12;
	[tilespmem:s15+$0x0 ss:$0x81] =	vst.msk $0xffff, v63;
	s13 =	sadd.s32 s16, s13  }
0x1a: {  	[hbm4b:s13+s12] =	stream.strided.scatter [tilespmem:s14], [sflag:$0x2], $0x4000, s8, s12, $0x20;
	[tilespmem:$0x10100] =	vst v63  }
.LBB1_5:
0x1b: {  	s14 =	sadd.s32 $0x80, s9  }
0x1c: {  	s12 =	sadd.s32 $0x1000, s10;
	s16 =	smov.u32 s10;
	p2 =	sgt.s32 s14, $0x9FF  }
0x1d: {  	s16 =	smov.u32 @p2 s12  }
0x1e: {  	s14 =	simm.s32 @p2 $0x0;
	p2 =	sgt.s32 s16, $0x1FFF  }
0x1f: {  	s16 =	smov.u32 @p2 s2;
	p2 =	sne.s32 s11, s7  }
.Ltmp1:
0x20: {  	p1 =	slt.u32 s11, $0x2;
	(pc) =	sbr.rel @!p2 .LBB1_6-.Ltmp1, $4  }
0x21: {  	s15 =	simm.s32 @!p1 $0x2  }
0x22: {  	s13 =	smov.u32 s9;
	p0 =	por !p0, !p0;
	_ =	swait.ge @!p1 [sflag:s15], $0x4000  }
0x23: {  	s12 =	smov.u32 s10;
	[sflag:s15] =	ssyncset.done @!p1 $0x0;
	s9 =	smov.u32 s14  }
0x24: {  	s11 =	sadd.s32 $0x1, s11;
	[sflag:s15] =	ssyncadd.s32 @!p1 $0xFFFFC000;
	s10 =	smov.u32 s16  }
.LBB1_1:
0x25: {  	p1 =	sge.u32 s11, s5  }
0x26: {  	s14 =	sshrl.u32 @!p1 s10, $0x3  }
0x27: {  	s15 =	sshll.u32 @!p1 s9, $0x3;
	s14 =	smul.u32 @!p1 $0x5000, s14  }
0x28: {  	s16 =	sshll.u32 @!p1 s10, $0x7;
	s15 =	sand.u32 @!p1 $0xFFFFFC00, s15  }
0x29: {  	s14 =	sadd.s32 @!p1 s14, s15;
	s15 =	sand.u32 @!p1 $0x380, s16  }
0x2a: {  	s16 =	sand.u32 @!p1 $0x7F, s9;
	s14 =	sor.u32 @!p1 s15, s14  }
0x2b: {  	s15 =	sor.u32 @!p1 s16, s14  }
0x2c: {  	s16 =	smulhi.u32 @!p1 $0xCCCCCCCD, s15;
	_ =	sdelay $0x1  }
0x2d: {  	s14 =	smulhi.u32 @!p1 $0xCCCCCCCD, s14;
	s16 =	sshrl.u32 @!p1 s16, $0xB  }
0x2e: {  	s16 =	smul.u32 @!p1 $0xA00, s16  }
0x2f: {  	s31 =	sadd.s32 $0xFFFFFFFF, s11;
	s17 =	sxor.u32 @!p1 $0xFFFFFFFF, s11;
	s14 =	sshrl.u32 @!p1 s14, $0xB  }
0x30: {  	s17 =	sshll.u32 @!p1 s17, $0xE;
	s14 =	sand.u32 @!p1 $0x1FFF, s14;
	s15 =	ssub.s32 @!p1 s15, s16  }
0x31: {  	s14 =	smul.u32 @!p1 $0x140, s14;
	s16 =	sshrl.u32 @!p1 s15, $0x3;
	s15 =	sand.u32 @!p1 $0x7, s15  }
0x32: {  	s17 =	sand.u32 @!p1 $0x4000, s17;
	s16 =	sadd.s32 @!p1 s3, s16;
	s15 =	sshll.u32 @!p1 s15, $0x12  }
0x33: {  	s14 =	sadd.s32 @!p1 s14, s16;
	s15 =	sor.u32 @!p1 $0x400, s15;
	s16 =	simm.s32 @!p1 $0x5000  }
0x34: {  	[tilespmem:s17], [sflag:$0x1] =	stream.strided.gather @!p1 [hbm4b:s14+s15], $0x4000, s16, s15, $0x38;
	[tilespmem:$0x10100] =	vst v63  }
0x35: {  	p1 =	sge.u32 s31, s5  }
.Ltmp2:
0x36: {  	_ = 	snop;
	(pc) =	sbr.rel @p1 .LBB1_5-.Ltmp2, $1  }
0x37: {  	_ =	sdelay $0x3  }
0x38: {  	s14 =	simm.s32 $0x1  }
0x39: {  	_ =	swait.ge [sflag:s4], $0x4000;
	s14 =	simm.s32 @!p0 $0x0  }
0x3a: {  	[sflag:s4] =	ssyncset.done $0x0;
	s15 =	sshll.u32 s14, $0xE  }
0x3b: {  	[sflag:s4] =	ssyncadd.s32 $0xFFFFC000;
	s16 =	sor.u32 $0x40, s15  }
0x3c: {  	s14 =	smul.u32 $0x10200, s14;
	v0 =	vld [tilespmem:s16+$0x30]  }
0x3d: {  	v1 =	vld [tilespmem:s16+$0xFFFFFFD0]  }
0x3e: {  	s14 =	sshrl.u32 s14, $0x2;
	v5 =	vld [tilespmem:s16+$0xFFFFFFE0]  }
0x3f: {  	v6 =	vld [tilespmem:s16+$0xFFFFFFF0];
	s15 =	sor.u32 $0x8000, s14  }
0x40: {  	s31 =	sand.u32 $0x1, s11;
	v3 =	vld [tilespmem:s16+$0x0];
	s17 =	sadd.s32 $0x0, s15  }
0x41: {  	v4 =	vld [tilespmem:s16+$0x10];
	s14 =	smul.u32 $0x10200, s31;
	[tilespmem:s17+$0x3870 ss:$0x81] =	vst.msk $0xffff, v0  }
0x42: {  	v2 =	vld [tilespmem:s16+$0x20];
	[tilespmem:s17+$0x810 ss:$0x81] =	vst.msk $0xffff, v1  }
0x43: {  	s14 =	sshrl.u32 s14, $0x2;
	v0 =	vld [tilespmem:s16+$0xFFFFFFC0];
	[tilespmem:s17+$0x1020 ss:$0x81] =	vst.msk $0xffff, v5;
	s16 =	sadd.s32 $0x80, s16  }
0x44: {  	s18 =	simm.s32 $0x4;
	s19 =	simm.s32 $0x8;
	s14 =	sor.u32 $0x8000, s14;
	[tilespmem:s17+$0x1830 ss:$0x81] =	vst.msk $0xffff, v6;
	v1 =	vld [tilespmem:s16+$0x30]  }
.LBB1_3:
0x45: {  	p1 =	sne.s32 s19, $0x1FC;
	v5 =	vld [tilespmem:s16+$0xFFFFFFD0];
	[tilespmem:s17+$0x2040 ss:$0x81] =	vst.msk $0xffff, v3  }
0x46: {  	v6 =	vld [tilespmem:s16+$0xFFFFFFE0];
	[tilespmem:s17+$0x2850 ss:$0x81] =	vst.msk $0xffff, v4  }
0x47: {  	s20 =	sshra.s32 s18, $0x2;
	s18 =	smov.u32 s19;
	v7 =	vld [tilespmem:s16+$0xFFFFFFF0];
	[tilespmem:s17+$0x3060 ss:$0x81] =	vst.msk $0xffff, v2  }
.Ltmp3:
0x48: {  	v3 =	vld [tilespmem:s16+$0x0];
	[tilespmem:s17+$0x0 ss:$0x81] =	vst.msk $0xffff, v0;
	s17 =	sadd.s32 s20, s15;
	(pc) =	sbr.rel @p1 .LBB1_3-.Ltmp3, $4  }
0x49: {  	v4 =	vld [tilespmem:s16+$0x10];
	[tilespmem:s17+$0x3870 ss:$0x81] =	vst.msk $0xffff, v1  }
0x4a: {  	[tilespmem:s17+$0x810 ss:$0x81] =	vst.msk $0xffff, v5;
	v2 =	vld [tilespmem:s16+$0x20]  }
0x4b: {  	v0 =	vld [tilespmem:s16+$0xFFFFFFC0];
	[tilespmem:s17+$0x1020 ss:$0x81] =	vst.msk $0xffff, v6;
	s16 =	sadd.s32 $0x80, s16  }
0x4c: {  	s19 =	sadd.s32 $0x4, s19;
	v1 =	vld [tilespmem:s16+$0x30];
	[tilespmem:s17+$0x1830 ss:$0x81] =	vst.msk $0xffff, v7  }
.Ltmp4:
0x4d: {  	_ = 	snop;
	(pc) =	sbr.rel .LBB1_4-.Ltmp4, $1  }
0x4e: {  	_ =	sdelay $0x3  }
.LBB1_6:
0x4f: {  	_ =	sfence.sel $0x180000  }
0x50: {  	s2 =	simm.s32 $0x1;
	[bflag:$0x0] =	sbarrier.arrive $0xFFFF  }
0x51: {  	s31 =	simm.s32 $0x2;
	[sflag:s2] =	ssyncpa.u1 $0x1  }
0x52: {  	[sflag:s31] =	ssyncpa.u1 $0x1  }
0x53: {  	p0 =	sne.s32 s0, $0x0;
	_ =	strace $0x9000004A  }
0x54: {  	s0 =	sadd.s32 @!p0 $0x100000, s1;
	[bflag:$0x2] =	sbarrier.arrive $0xFFFF  }
0x55: {  	[sflag:s0] =	ssyncadd.tile.s32 @!p0 $0x1;
	_ =	shalt  }
.Lfunc_end1:
_tile_overlayer_lowered:
.L_overlay_start_2:
0x56: {  	(tag) =	ssettag $0x2  }
0x57: {  	s0 =	rddreg [dreg:$0x0];
	s2 =	stileid.u32  }
0x58: {  	s1 =	rddreg [dreg:$0x1];
	p0 =	sne.s32 s2, $0x0  }
0x59: {  	s3 =	rddreg [dreg:$0x2];
	[bflag:$0x3] =	sbarrier.arrive $0xFFFF;
	s2 =	simm.s32 @!p0 $0x1C01  }
0x5a: {  	[timem:s3], [sflag:s2] =	dma.local @!p0 [hbm:s0], s1  }
0x5b: {  	s0 =	simm.s32 @!p0 $0x1  }
0x5c: {  	_ =	swait.ge @!p0 [sflag:s0], s1  }
0x5d: {  	s1 =	ssub.s32 @!p0 $0x0, s1;
	[sflag:s0] =	ssyncset.done @!p0 $0x0  }
0x5e: {  	[sflag:s0] =	ssyncadd.s32 @!p0 s1  }
0x5f: {  	[bflag:$0x3] =	sbarrier.arrive $0xFFFF  }
0x60: {  	_ =	shalt  }

// kernel: sparse-core-data-format-call.cloned.1.call-start
scs
called_computation_lowered:
.L_overlay_start_0:
0x0: {  	s2 =	sld [smem:$0x3FD9]  }
0x1: {  	s3 =	sld [smem:$0x3FFE];
	_ =	sdelay $0x1  }
0x2: {  	s1 =	srdreg.scid  }
0x3: {  	s0 =	sand.u32 $0x1, s1  }
0x4: {  	s18 =	sshll.u32 s0, $0xA;
	s2 =	sadd.s32 s3, s2  }
0x5: {  	s2 =	sadd.s32 s2, s18  }
0x6: {  	[smem:$0x3FC7] =	sst s2  }
0x7: {  	_ = 	snop  }
0x8: {  	s2 =	sld [smem:$0x3FD0];
	(tm) =	ssettm $0x1  }
0x9: {  	s19 =	sld [smem:$0x3FFB];
	_ =	sdelay $0x3  }
0xa: {  	_ =	strace s19  }
0xb: {  	s3 =	sld [smem:$0x3FFC];
	_ =	sdelay $0x3  }
0xc: {  	_ =	strace s3  }
0xd: {  	s3 =	sld [smem:$0x3FFD];
	_ =	sdelay $0x3  }
0xe: {  	_ =	strace s3  }
0xf: {  	_ =	strace $0x8FFFFFFF  }
0x10: {  	s20 =	sld [smem:$0x3FDB];
	_ =	sdelay $0x1  }
0x11: {  	s4 =	simm.s32 $_scs_section_size  }
0x12: {  	s5 =	simm.s32 $_size__tile_overlayer_lowered;
	s6 =	simm.s32 $_tile_overlayer_lowered  }
0x13: {  	s23 =	simm.s32 $0x1BFF;
	s22 =	sshll.u32 s6, $0x1;
	s3 =	sadd.s32 s4, s20  }
0x14: {  	s7 =	simm.s32 $0x0;
	s21 =	sshll.u32 s5, $0x1;
	s5 =	sadd.s32 s22, s3  }
0x15: {  	[timem:s7], [sflag:s23] =	dma.local [hbm:s5], s21  }
0x16: {  	_ =	swait.ge [sflag:s23], s21  }
0x17: {  	s4 =	ssub.s32 $0x0, s21;
	[sflag:s23] =	ssyncset.done $0x0  }
0x18: {  	[sflag:s23] =	ssyncadd.s32 s4;
	_ =	sdelay $0x1  }
0x19: {  	s24 =	simm.s32 $0x1B8B  }
0x1a: {  	_ =	swait.ge [sflag:s24], $0x1  }
0x1b: {  	[sflag:s24] =	ssyncset.done $0x0  }
0x1c: {  	s26 =	simm.s32 $0x1B8E;
	s25 =	sld [smem:$0x3FFE];
	[sflag:s24] =	ssyncadd.s32 $0xFFFFFFFF  }
0x1d: {  	s27 =	simm.s32 $execute0_lowered;
	[smem:$0x3FD2] =	sst s26  }
0x1e: {  	s5 =	sshll.u32 s27, $0x1;
	_ =	strace $0x8000004C;
	[dreg:$0x1] =	wrdreg $0xFFFFFFFF  }
0x1f: {  	s28 =	simm.s32 $_size_execute0_lowered;
	s3 =	sadd.s32 s3, s5;
	[dreg:$0x0] =	wrdreg $0x0  }
0x20: {  	s5 =	sshll.u32 s28, $0x1;
	[dreg:$0x2] =	wrdreg s3  }
0x21: {  	[dreg:$0x3] =	wrdreg s5  }
0x22: {  	[dreg:$0x4] =	wrdreg $0xC0  }
0x23: {  	_ =	task [dreg:s7], $0x5FFFF  }
0x24: {  	[dreg:$0x1] =	wrdreg $0xFFFFFFFF  }
0x25: {  	[dreg:$0x0] =	wrdreg $0x60  }
0x26: {  	[dreg:$0x2] =	wrdreg s25  }
0x27: {  	[dreg:$0x3] =	wrdreg s2  }
0x28: {  	[dreg:$0x4] =	wrdreg $0x9  }
0x29: {  	_ =	task.clear_ibuf [dreg:s7], $0x5FFFF;
	_ =	strace $0x9000004C  }
0x2a: {  	s29 =	simm.s32 $0x9;
	_ =	strace $0x8000004E  }
0x2b: {  	_ =	swait.ge [sflag:s29], $0x1  }
0x2c: {  	[sflag:s29] =	ssyncadd.s32 $0xFFFFFFFF  }
0x2d: {  	_ =	strace $0x9000004E  }
0x2e: {  	_ =	sfence  }
0x2f: {  	s30 =	sld [smem:$0x0];
	_ =	sdelay $0x2  }
0x30: {  	s31 =	sshll.u32 s1, $0xD;
	s1 =	sshrl.u32 s1, $0x2  }
0x31: {  	s3 =	sand.u32 $0x4000, s31;
	s1 =	sadd.s32 s1, s30  }
0x32: {  	s0 =	sor.u32 s3, s0;
	s1 =	sshll.u32 s1, $0x11  }
0x33: {  	s0 =	sor.u32 s1, s0  }
0x34: {  	s0 =	sadd.s32 $0x8F2B, s0  }
0x35: {  	[sflag:s0] =	ssyncadd.remote.s32 $0x1  }
0x36: {  	_ =	sfence.sel $0xFFFF  }
0x37: {  	[dreg:$0x0] =	wrdreg $0xFFFFFFFF;
	(pc) =	sbr.abs _section_cstart, $3  }
0x38: {  	[dreg:$0x1] =	wrdreg $0xFFFFFFFF  }
0x39: {  	_ =	task.clear_ibuf [dreg:s7], $0x2FFFF;
	_ =	strace $0x9FFFFFFF  }
0x3a: {  	(tm) =	ssettm $0x7FFFFFFF  }
0x3b: {  	_ =	shalt  }
tec
execute0_lowered:
.L_overlay_start_1:
0x0: {  	(tag) =	ssettag $0x1  }
0x1: {  	s0 =	stileid.u32;
	s4 =	rddreg [dreg:$0x0]  }
0x2: {  	s3 =	rddreg [dreg:$0x1];
	s7 =	srdreg.scid;
	s8 =	simm.s32 $0x2  }
0x3: {  	s18 =	simm.s32 $0x0;
	s9 =	simm.s32 $0x1000;
	s16 =	simm.s32 $0x0  }
0x4: {  	s17 =	simm.s32 $0x0;
	s15 =	simm.s32 $0x0;
	s1 =	sshll.u32 s0, $0x7  }
0x5: {  	s10 =	simm.s32 $0x0;
	s12 =	simm.s32 $0x0;
	s2 =	sand.u32 $0x180, s1  }
0x6: {  	s14 =	simm.s32 $0x0;
	s4 =	sadd.s32 $0x280C00, s4;
	s5 =	ssub.s32 $0x200, s2  }
0x7: {  	s7 =	sshll.u32 s7, $0x4;
	s1 =	rddreg [dreg:$0x2];
	s6 =	sand.u32 $0x180, s5  }
0x8: {  	s7 =	sand.u32 $0x10, s7;
	p0 =	sne.s32 s6, $0x0;
	s6 =	simm.s32 $0x1  }
.Ltmp0:
0x9: {  	s5 =	sshrl.u32 s5, $0x9;
	s6 =	simm.s32 @!p0 $0x0;
	(pc) =	sbr.rel .LBB1_1-.Ltmp0, $4  }
0xa: {  	_ =	strace $0x8000004D;
	s7 =	sor.u32 s0, s7;
	s6 =	sadd.s32 s6, s5  }
0xb: {  	s7 =	sshrl.u32 s7, $0x2;
	s5 =	simm.s32 $0x1;
	s6 =	smul.u32 $0x28, s6  }
0xc: {  	s13 =	smov.u32 s2;
	s11 =	smov.u32 s7;
	[sflag:s5] =	ssyncpa.u1 $0x0  }
0xd: {  	p0 =	por $0x0, $0x0;
	[sflag:s8] =	ssyncpa.u1 $0x0;
	s8 =	sor.u32 $0x1, s6  }
.LBB1_4:
0xe: {  	v5 =	vld [tilespmem:s20+$0xFFFFFFD0];
	[tilespmem:s22+$0x2040 ss:$0x81] =	vst.msk $0xffff, v2  }
0xf: {  	v58 =	vld [tilespmem:s20+$0xFFFFFFE0];
	[tilespmem:s22+$0x2850 ss:$0x81] =	vst.msk $0xffff, v3  }
0x10: {  	s23 =	sshra.s32 s23, $0x2;
	v59 =	vld [tilespmem:s20+$0xFFFFFFF0];
	[tilespmem:s22+$0x3060 ss:$0x81] =	vst.msk $0xffff, v4  }
0x11: {  	v60 =	vld [tilespmem:s20+$0x0];
	[tilespmem:s22+$0x0 ss:$0x81] =	vst.msk $0xffff, v0;
	s21 =	sadd.s32 s23, s21  }
0x12: {  	s24 =	sshll.u32 s18, $0x9;
	s25 =	sshll.u32 s15, $0x3;
	v61 =	vld [tilespmem:s20+$0x10];
	s26 =	sshll.u32 s18, $0x7;
	[tilespmem:s21+$0x3870 ss:$0x81] =	vst.msk $0xffff, v1  }
0x13: {  	v62 =	vld [tilespmem:s20+$0x20];
	s28 =	sand.u32 $0x78, s15;
	s16 =	smul.u32 $0x28000, s16;
	s17 =	sshll.u32 s17, $0xF;
	[tilespmem:s21+$0x810 ss:$0x81] =	vst.msk $0xffff, v5  }
0x14: {  	v63 =	vld [tilespmem:s20+$0xFFFFFFC0];
	s30 =	sand.u32 $0x7, s15;
	s22 =	sand.u32 $0x3F000, s24;
	s23 =	sand.u32 $0x3FC00, s25;
	[tilespmem:s21+$0x1020 ss:$0x81] =	vst.msk $0xffff, v58  }
0x15: {  	s27 =	sand.u32 $0x200, s26;
	s18 =	sand.u32 $0x180, s26;
	s22 =	sadd.s32 s23, s22;
	[tilespmem:s21+$0x1830 ss:$0x81] =	vst.msk $0xffff, v59  }
0x16: {  	s17 =	sadd.s32 s3, s17;
	s18 =	sor.u32 s28, s18;
	s22 =	sor.u32 s27, s22;
	[tilespmem:s21+$0x2040 ss:$0x81] =	vst.msk $0xffff, v60  }
0x17: {  	s16 =	sadd.s32 s16, s17;
	s18 =	sshrl.u32 s18, $0x3;
	s29 =	sshrl.u32 s22, $0x3;
	[tilespmem:s21+$0x2850 ss:$0x81] =	vst.msk $0xffff, v61  }
0x18: {  	s15 =	sshll.u32 s30, $0x12;
	s16 =	sadd.s32 s18, s16;
	[tilespmem:s21+$0x3060 ss:$0x81] =	vst.msk $0xffff, v62;
	s31 =	sand.u32 $0x7FC0, s29  }
0x19: {  	s15 =	sor.u32 $0x400, s15;
	[tilespmem:s21+$0x0 ss:$0x81] =	vst.msk $0xffff, v63;
	s16 =	sadd.s32 s31, s16  }
0x1a: {  	[hbm4b:s16+s15] =	stream.strided.scatter [tilespmem:s19], [sflag:$0x2], $0x4000, s9, s15, $0x20;
	[tilespmem:$0x10100] =	vst v63  }
.LBB1_5:
0x1b: {  	s19 =	sadd.s32 $0x80, s10  }
0x1c: {  	s15 =	sadd.s32 $0x8, s11;
	s20 =	smov.u32 s11;
	p2 =	sgt.s32 s19, $0x1FF  }
0x1d: {  	s20 =	smov.u32 @p2 s15  }
0x1e: {  	s15 =	simm.s32 $0x1;
	p3 =	sgt.s32 s20, $0xF  }
0x1f: {  	s15 =	simm.s32 @!p3 $0x0  }
0x20: {  	s21 =	sadd.s32 s15, s12  }
0x21: {  	s22 =	smov.u32 s13;
	s15 =	sadd.s32 $0x200, s13;
	p4 =	sgt.s32 s21, $0x4  }
0x22: {  	p1 =	slt.u32 s14, $0x2;
	s22 =	smov.u32 @p4 s15  }
0x23: {  	s18 =	smov.u32 s10;
	s19 =	simm.s32 @p2 $0x0;
	p2 =	sgt.s32 s22, $0x1FF  }
0x24: {  	s23 =	simm.s32 @!p1 $0x2;
	s22 =	smov.u32 @p2 s2;
	p2 =	sne.s32 s14, s8  }
.Ltmp1:
0x25: {  	s16 =	smov.u32 s11;
	_ =	swait.ge @!p1 [sflag:s23], $0x4000;
	(pc) =	sbr.rel @!p2 .LBB1_6-.Ltmp1, $4  }
0x26: {  	s17 =	smov.u32 s12;
	p0 =	por !p0, !p0;
	[sflag:s23] =	ssyncset.done @!p1 $0x0  }
0x27: {  	s10 =	smov.u32 s19;
	s20 =	smov.u32 @p3 s7;
	[sflag:s23] =	ssyncadd.s32 @!p1 $0xFFFFC000  }
0x28: {  	s11 =	smov.u32 s20;
	s21 =	simm.s32 @p4 $0x0;
	s15 =	smov.u32 s13  }
0x29: {  	s12 =	smov.u32 s21;
	s14 =	sadd.s32 $0x1, s14;
	s13 =	smov.u32 s22  }
.LBB1_1:
0x2a: {  	p1 =	sge.u32 s14, s6;
	s31 =	sadd.s32 $0xFFFFFFFF, s14  }
0x2b: {  	s19 =	sxor.u32 @!p1 $0xFFFFFFFF, s14;
	s20 =	sshll.u32 @!p1 s11, $0x9;
	s21 =	sshll.u32 @!p1 s10, $0x3  }
0x2c: {  	s22 =	sand.u32 @!p1 $0x78, s10;
	s20 =	sand.u32 @!p1 $0x1000, s20;
	s21 =	sand.u32 @!p1 $0x1C00, s21  }
0x2d: {  	s24 =	smul.u32 @!p1 $0x1400, s13;
	s20 =	sadd.s32 @!p1 s20, s21;
	s21 =	sshll.u32 @!p1 s11, $0x7  }
0x2e: {  	s19 =	sshll.u32 @!p1 s19, $0xE;
	s23 =	sand.u32 @!p1 $0x200, s21;
	s21 =	sand.u32 @!p1 $0x180, s21  }
0x2f: {  	s19 =	sand.u32 @!p1 $0x4000, s19;
	s20 =	sor.u32 @!p1 s23, s20;
	s21 =	sor.u32 @!p1 s22, s21  }
0x30: {  	s22 =	sshll.u32 @!p1 s12, $0xA;
	s23 =	sadd.s32 @!p1 s4, s24;
	s20 =	sshrl.u32 @!p1 s20, $0x3  }
0x31: {  	s21 =	sshrl.u32 @!p1 s21, $0x3;
	s22 =	sadd.s32 @!p1 s22, s23;
	s23 =	sand.u32 @!p1 $0x7, s10  }
0x32: {  	s20 =	sand.u32 @!p1 $0x3C0, s20;
	s21 =	sadd.s32 @!p1 s21, s22;
	s22 =	sshll.u32 @!p1 s23, $0x12  }
0x33: {  	s20 =	sadd.s32 @!p1 s20, s21;
	s21 =	sor.u32 @!p1 $0x80, s22;
	s22 =	simm.s32 @!p1 $0xA000  }
0x34: {  	[tilespmem:s19], [sflag:$0x1] =	stream.strided.gather @!p1 [hbm4b:s20+s21], $0x4000, s22, s21, $0x38;
	[tilespmem:$0x10100] =	vst v63  }
0x35: {  	p1 =	sge.u32 s31, s6  }
.Ltmp2:
0x36: {  	_ = 	snop;
	(pc) =	sbr.rel @p1 .LBB1_5-.Ltmp2, $1  }
0x37: {  	_ =	sdelay $0x3  }
0x38: {  	s19 =	simm.s32 $0x1  }
0x39: {  	_ =	swait.ge [sflag:s5], $0x4000;
	s19 =	simm.s32 @!p0 $0x0  }
0x3a: {  	[sflag:s5] =	ssyncset.done $0x0;
	s20 =	sshll.u32 s19, $0xE  }
0x3b: {  	[sflag:s5] =	ssyncadd.s32 $0xFFFFC000;
	s20 =	sor.u32 $0x40, s20  }
0x3c: {  	s19 =	smul.u32 $0x10200, s19;
	v0 =	vld [tilespmem:s20+$0x30]  }
0x3d: {  	v1 =	vld [tilespmem:s20+$0xFFFFFFD0]  }
0x3e: {  	s19 =	sshrl.u32 s19, $0x2;
	v5 =	vld [tilespmem:s20+$0xFFFFFFE0]  }
0x3f: {  	v6 =	vld [tilespmem:s20+$0xFFFFFFF0];
	s21 =	sor.u32 $0x8000, s19  }
0x40: {  	s31 =	sand.u32 $0x1, s14;
	v2 =	vld [tilespmem:s20+$0x0];
	s22 =	sadd.s32 $0x0, s21  }
0x41: {  	v3 =	vld [tilespmem:s20+$0x10];
	s19 =	smul.u32 $0x10200, s31;
	[tilespmem:s22+$0x3870 ss:$0x81] =	vst.msk $0xffff, v0  }
0x42: {  	v4 =	vld [tilespmem:s20+$0x20];
	[tilespmem:s22+$0x810 ss:$0x81] =	vst.msk $0xffff, v1  }
0x43: {  	s19 =	sshrl.u32 s19, $0x2;
	v0 =	vld [tilespmem:s20+$0xFFFFFFC0];
	[tilespmem:s22+$0x1020 ss:$0x81] =	vst.msk $0xffff, v5;
	s20 =	sadd.s32 $0x80, s20  }
0x44: {  	s23 =	simm.s32 $0x4;
	s24 =	simm.s32 $0x8;
	s19 =	sor.u32 $0x8000, s19;
	[tilespmem:s22+$0x1830 ss:$0x81] =	vst.msk $0xffff, v6;
	v1 =	vld [tilespmem:s20+$0x30]  }
.LBB1_3:
0x45: {  	p1 =	sne.s32 s24, $0x1FC;
	v5 =	vld [tilespmem:s20+$0xFFFFFFD0];
	[tilespmem:s22+$0x2040 ss:$0x81] =	vst.msk $0xffff, v2  }
0x46: {  	v6 =	vld [tilespmem:s20+$0xFFFFFFE0];
	[tilespmem:s22+$0x2850 ss:$0x81] =	vst.msk $0xffff, v3  }
0x47: {  	s25 =	sshra.s32 s23, $0x2;
	s23 =	smov.u32 s24;
	v7 =	vld [tilespmem:s20+$0xFFFFFFF0];
	[tilespmem:s22+$0x3060 ss:$0x81] =	vst.msk $0xffff, v4  }
.Ltmp3:
0x48: {  	v2 =	vld [tilespmem:s20+$0x0];
	[tilespmem:s22+$0x0 ss:$0x81] =	vst.msk $0xffff, v0;
	s22 =	sadd.s32 s25, s21;
	(pc) =	sbr.rel @p1 .LBB1_3-.Ltmp3, $4  }
0x49: {  	v3 =	vld [tilespmem:s20+$0x10];
	[tilespmem:s22+$0x3870 ss:$0x81] =	vst.msk $0xffff, v1  }
0x4a: {  	[tilespmem:s22+$0x810 ss:$0x81] =	vst.msk $0xffff, v5;
	v4 =	vld [tilespmem:s20+$0x20]  }
0x4b: {  	v0 =	vld [tilespmem:s20+$0xFFFFFFC0];
	[tilespmem:s22+$0x1020 ss:$0x81] =	vst.msk $0xffff, v6;
	s20 =	sadd.s32 $0x80, s20  }
0x4c: {  	s24 =	sadd.s32 $0x4, s24;
	v1 =	vld [tilespmem:s20+$0x30];
	[tilespmem:s22+$0x1830 ss:$0x81] =	vst.msk $0xffff, v7  }
.Ltmp4:
0x4d: {  	_ = 	snop;
	(pc) =	sbr.rel .LBB1_4-.Ltmp4, $1  }
0x4e: {  	_ =	sdelay $0x3  }
.LBB1_6:
0x4f: {  	_ =	sfence.sel $0x180000  }
0x50: {  	s2 =	simm.s32 $0x1;
	[bflag:$0x0] =	sbarrier.arrive $0xFFFF  }
0x51: {  	s31 =	simm.s32 $0x2;
	[sflag:s2] =	ssyncpa.u1 $0x1  }
0x52: {  	[sflag:s31] =	ssyncpa.u1 $0x1  }
0x53: {  	p0 =	sne.s32 s0, $0x0;
	_ =	strace $0x9000004D  }
0x54: {  	s0 =	sadd.s32 @!p0 $0x100000, s1;
	[bflag:$0x2] =	sbarrier.arrive $0xFFFF  }
0x55: {  	[sflag:s0] =	ssyncadd.tile.s32 @!p0 $0x1;
	_ =	shalt  }
.Lfunc_end1:
_tile_overlayer_lowered:
.L_overlay_start_2:
0x56: {  	(tag) =	ssettag $0x2  }
0x57: {  	s0 =	rddreg [dreg:$0x0];
	s2 =	stileid.u32  }
0x58: {  	s1 =	rddreg [dreg:$0x1];
	p0 =	sne.s32 s2, $0x0  }
0x59: {  	s3 =	rddreg [dreg:$0x2];
	[bflag:$0x3] =	sbarrier.arrive $0xFFFF;
	s2 =	simm.s32 @!p0 $0x1C01  }
0x5a: {  	[timem:s3], [sflag:s2] =	dma.local @!p0 [hbm:s0], s1  }
0x5b: {  	s0 =	simm.s32 @!p0 $0x1  }
0x5c: {  	_ =	swait.ge @!p0 [sflag:s0], s1  }
0x5d: {  	s1 =	ssub.s32 @!p0 $0x0, s1;
	[sflag:s0] =	ssyncset.done @!p0 $0x0  }
0x5e: {  	[sflag:s0] =	ssyncadd.s32 @!p0 s1  }
0x5f: {  	[bflag:$0x3] =	sbarrier.arrive $0xFFFF  }
0x60: {  	_ =	shalt  }

</sc_bundles>
